<compile_context>
chip_gen: v7x
topology: tpu7x:2x2x1
jax: 0.10.2.dev20260603
libtpu: 0.0.44.dev20260713+nightly
codegen_flags: <defaults>
</compile_context>

<pallas_src>
import jax
import jax.numpy as jnp
from jax import lax
from jax.experimental import pallas as pl
from jax.experimental.pallas import tpu as pltpu
from jax.experimental.pallas import tpu_sc as plsc

NC = 2
NS = 16
L = 16
NW = NC * NS
B = 16384
D = 128
BPW = B // NW
C = 128
NCHUNK = BPW // C
NBUF = 2
P = 1


def _bpr_body(u_hbm, i_hbm, j_hbm, user_hbm, item_hbm,
              x_hbm, pu_hbm, qi_hbm, qj_hbm,
              u_v, i_v, j_v, bufs, pt_v, x_v,
              si_u, si_i, si_j, gsem, osem):
    pu_b = [bufs[3 * b + 0] for b in range(NBUF)]
    qi_b = [bufs[3 * b + 1] for b in range(NBUF)]
    qj_b = [bufs[3 * b + 2] for b in range(NBUF)]

    wid = lax.axis_index("s") * NC + lax.axis_index("c")
    base = wid * BPW

    hu = pltpu.async_copy(u_hbm.at[pl.ds(base, BPW)], u_v, si_u)
    hi = pltpu.async_copy(i_hbm.at[pl.ds(base, BPW)], i_v, si_i)
    hj = pltpu.async_copy(j_hbm.at[pl.ds(base, BPW)], j_v, si_j)
    hu.wait()
    hi.wait()
    hj.wait()

    lane = lax.iota(jnp.int32, L)

    def start_gather(c):
        b = c % NBUF
        s = pl.ds(c * C, C)
        return (
            pltpu.async_copy(user_hbm.at[u_v.at[s]], pu_b[b], gsem[b][0]),
            pltpu.async_copy(item_hbm.at[i_v.at[s]], qi_b[b], gsem[b][1]),
            pltpu.async_copy(item_hbm.at[j_v.at[s]], qj_b[b], gsem[b][2]),
        )

    gh = [None] * NCHUNK
    oh = [None] * NCHUNK
    out_pending = []
    for n in range(min(P, NCHUNK)):
        gh[n] = start_gather(n)

    for c in range(NCHUNK):
        b = c % NBUF
        n = c + P
        if n < NCHUNK:
            prev = n - NBUF
            if prev >= 0 and oh[prev] is not None:
                for h in oh[prev]:
                    h.wait()
                out_pending.remove(prev)
            gh[n] = start_gather(n)
        for h in gh[c]:
            h.wait()

        off = c * C
        oh[c] = (
            pltpu.async_copy(pu_b[b], pu_hbm.at[pl.ds(base + off, C)],
                             osem[b][0]),
            pltpu.async_copy(qi_b[b], qi_hbm.at[pl.ds(base + off, C)],
                             osem[b][1]),
            pltpu.async_copy(qj_b[b], qj_hbm.at[pl.ds(base + off, C)],
                             osem[b][2]),
        )
        out_pending.append(c)

        pu_v, qi_v, qj_v = pu_b[b], qi_b[b], qj_b[b]

        @plsc.parallel_loop(0, C, unroll=2)
        def _row_body(r):
            acc = jnp.zeros((L,), jnp.float32)
            for k in range(D // L):
                s = pl.ds(k * L, L)
                acc = acc + pu_v[r, s] * (qi_v[r, s] - qj_v[r, s])
            plsc.store_scatter(pt_v, [lane, jnp.full((L,), r, jnp.int32)], acc)

        def grp_body(g, carry):
            acc = jnp.zeros((L,), jnp.float32)
            for l in range(L):
                acc = acc + pt_v[l, pl.ds(g * L, L)]
            x_v[pl.ds(off + g * L, L)] = acc
            return carry

        lax.fori_loop(0, C // L, grp_body, 0)

    pltpu.sync_copy(x_v, x_hbm.at[pl.ds(base, BPW)])
    for c in out_pending:
        for h in oh[c]:
            h.wait()


def kernel(u, i, j, user_w, item_w):
    u = u.astype(jnp.int32)
    i = i.astype(jnp.int32)
    j = j.astype(jnp.int32)
    mesh = plsc.VectorSubcoreMesh(core_axis_name="c", subcore_axis_name="s",
                                  num_cores=NC, num_subcores=NS)
    row_buf = pltpu.VMEM((C, D), jnp.float32)
    f = pl.kernel(
        _bpr_body,
        out_type=(
            jax.ShapeDtypeStruct((B,), jnp.float32),
            jax.ShapeDtypeStruct((B, D), jnp.float32),
            jax.ShapeDtypeStruct((B, D), jnp.float32),
            jax.ShapeDtypeStruct((B, D), jnp.float32),
        ),
        mesh=mesh,
        compiler_params=pltpu.CompilerParams(use_tc_tiling_on_sc=False,
                                             needs_layout_passes=False),
        scratch_types=[
            pltpu.VMEM((BPW,), jnp.int32),
            pltpu.VMEM((BPW,), jnp.int32),
            pltpu.VMEM((BPW,), jnp.int32),
            [row_buf] * (3 * NBUF),
            pltpu.VMEM((L, C), jnp.float32),
            pltpu.VMEM((BPW,), jnp.float32),
            pltpu.SemaphoreType.DMA,
            pltpu.SemaphoreType.DMA,
            pltpu.SemaphoreType.DMA,
            [[pltpu.SemaphoreType.DMA] * 3 for _ in range(NBUF)],
            [[pltpu.SemaphoreType.DMA] * 3 for _ in range(NBUF)],
        ],
    )
    return f(u, i, j, user_w, item_w)

# --- scband reference (transcript-rebuilt; emitter-appended) ---
"""Pipeline reference for scband-mf-bpr-34213709480819 (READ-ONLY COPY).

The authoritative reference and input builder live on the scoring server;
editing this copy changes nothing except your own understanding.
"""

import jax, jax.numpy as jnp
import numpy as np

N_USERS = 100000
N_ITEMS = 1000000
DIM = 128
BATCH = 16384

def setup_inputs(seed: int = 0) -> dict:
    key = jax.random.key(seed)
    ku, ki, kj, kuw, kiw = jax.random.split(key, 5)
    u = jax.random.randint(ku, (BATCH,), 0, N_USERS, dtype=jnp.int64) if jax.config.jax_enable_x64 else jax.random.randint(ku, (BATCH,), 0, N_USERS, dtype=jnp.int32)
    i = jax.random.randint(ki, (BATCH,), 0, N_ITEMS, dtype=jnp.int32)
    j = jax.random.randint(kj, (BATCH,), 0, N_ITEMS, dtype=jnp.int32)
    user_w = (jax.random.normal(kuw, (N_USERS, DIM), dtype=jnp.float32) * 0.01)
    item_w = (jax.random.normal(kiw, (N_ITEMS, DIM), dtype=jnp.float32) * 0.01)
    return {"u": u, "i": i, "j": j, "user_w": user_w, "item_w": item_w}

def reference(u, i, j, user_w, item_w):
    # Faithful translation of MF_BPR.forward
    pu = jnp.take(user_w, u, axis=0)          # user embedding lookup
    qi = jnp.take(item_w, i, axis=0)          # positive item lookup
    qj = jnp.take(item_w, j, axis=0)          # negative item lookup
    x = jnp.sum(pu * (qi - qj), axis=1)       # BPR score difference
    return (x, pu, qi, qj)

if __name__ == "__main__":
    import jax
    _d = setup_inputs()
    print(jax.jit(kernel)(*tuple(_d.values())))

</pallas_src>

<mosaic_0001>
#map = affine_map<(d0, d1) -> (0)>
#map1 = affine_map<(d0, d1) -> (0, 0)>
module attributes {stable_mosaic.version = 14 : i64} {
  func.func @_bpr_body(%arg0: i32, %arg1: i32, %arg2: memref<16384xi32, #tpu.memory_space<hbm>>, %arg3: memref<16384xi32, #tpu.memory_space<hbm>>, %arg4: memref<16384xi32, #tpu.memory_space<hbm>>, %arg5: memref<100000x128xf32, #tpu.memory_space<hbm>>, %arg6: memref<1000000x128xf32, #tpu.memory_space<hbm>>, %arg7: memref<16384xf32, #tpu.memory_space<hbm>>, %arg8: memref<16384x128xf32, #tpu.memory_space<hbm>>, %arg9: memref<16384x128xf32, #tpu.memory_space<hbm>>, %arg10: memref<16384x128xf32, #tpu.memory_space<hbm>>, %arg11: memref<512xi32, #tpu.memory_space<vmem>>, %arg12: memref<512xi32, #tpu.memory_space<vmem>>, %arg13: memref<512xi32, #tpu.memory_space<vmem>>, %arg14: memref<128x128xf32, #tpu.memory_space<vmem>>, %arg15: memref<128x128xf32, #tpu.memory_space<vmem>>, %arg16: memref<128x128xf32, #tpu.memory_space<vmem>>, %arg17: memref<128x128xf32, #tpu.memory_space<vmem>>, %arg18: memref<128x128xf32, #tpu.memory_space<vmem>>, %arg19: memref<128x128xf32, #tpu.memory_space<vmem>>, %arg20: memref<16x128xf32, #tpu.memory_space<vmem>>, %arg21: memref<512xf32, #tpu.memory_space<vmem>>, %arg22: memref<!tpu.dma_semaphore, #tpu.memory_space<semaphore_mem>>, %arg23: memref<!tpu.dma_semaphore, #tpu.memory_space<semaphore_mem>>, %arg24: memref<!tpu.dma_semaphore, #tpu.memory_space<semaphore_mem>>, %arg25: memref<!tpu.dma_semaphore, #tpu.memory_space<semaphore_mem>>, %arg26: memref<!tpu.dma_semaphore, #tpu.memory_space<semaphore_mem>>, %arg27: memref<!tpu.dma_semaphore, #tpu.memory_space<semaphore_mem>>, %arg28: memref<!tpu.dma_semaphore, #tpu.memory_space<semaphore_mem>>, %arg29: memref<!tpu.dma_semaphore, #tpu.memory_space<semaphore_mem>>, %arg30: memref<!tpu.dma_semaphore, #tpu.memory_space<semaphore_mem>>, %arg31: memref<!tpu.dma_semaphore, #tpu.memory_space<semaphore_mem>>, %arg32: memref<!tpu.dma_semaphore, #tpu.memory_space<semaphore_mem>>, %arg33: memref<!tpu.dma_semaphore, #tpu.memory_space<semaphore_mem>>, %arg34: memref<!tpu.dma_semaphore, #tpu.memory_space<semaphore_mem>>, %arg35: memref<!tpu.dma_semaphore, #tpu.memory_space<semaphore_mem>>, %arg36: memref<!tpu.dma_semaphore, #tpu.memory_space<semaphore_mem>>) attributes {dimension_semantics = [#tpu.dimension_semantics<core_parallel>, #tpu.dimension_semantics<subcore_parallel>], iteration_bounds = array<i64: 2, 16>, scalar_prefetch = 0 : i64, scratch_operands = 26 : i64, tpu.core_type = #tpu.core_type<sc_vector_subcore>, window_params = [{transform_indices = #map}, {transform_indices = #map}, {transform_indices = #map}, {transform_indices = #map1}, {transform_indices = #map1}, {transform_indices = #map}, {transform_indices = #map1}, {transform_indices = #map1}, {transform_indices = #map1}]} {
    %mul3A = arith.constant 2 : i32
    %mul3A_0 = arith.muli %arg1, %mul3A : i32
    %add3A = arith.addi %mul3A_0, %arg0 : i32
    %mul3A_1 = arith.constant 512 : i32
    %mul3A_2 = arith.muli %add3A, %mul3A_1 : i32
    %dma_start3A = tpu.memref_slice %arg2[%mul3A_2] : memref<16384xi32, #tpu.memory_space<hbm>> -> memref<512xi32, #tpu.memory_space<hbm>>
    %dma_start3A_3 = tpu.memref_slice %arg2[%mul3A_2] : memref<16384xi32, #tpu.memory_space<hbm>> -> memref<512xi32, #tpu.memory_space<hbm>>
    tpu.enqueue_dma source(%dma_start3A_3 : memref<512xi32, #tpu.memory_space<hbm>>) target(%arg11 : memref<512xi32, #tpu.memory_space<vmem>>) target_semaphore(%arg22 : memref<!tpu.dma_semaphore, #tpu.memory_space<semaphore_mem>>)
    %dma_start3A_4 = tpu.memref_slice %arg3[%mul3A_2] : memref<16384xi32, #tpu.memory_space<hbm>> -> memref<512xi32, #tpu.memory_space<hbm>>
    %dma_start3A_5 = tpu.memref_slice %arg3[%mul3A_2] : memref<16384xi32, #tpu.memory_space<hbm>> -> memref<512xi32, #tpu.memory_space<hbm>>
    tpu.enqueue_dma source(%dma_start3A_5 : memref<512xi32, #tpu.memory_space<hbm>>) target(%arg12 : memref<512xi32, #tpu.memory_space<vmem>>) target_semaphore(%arg23 : memref<!tpu.dma_semaphore, #tpu.memory_space<semaphore_mem>>)
    %dma_start3A_6 = tpu.memref_slice %arg4[%mul3A_2] : memref<16384xi32, #tpu.memory_space<hbm>> -> memref<512xi32, #tpu.memory_space<hbm>>
    %dma_start3A_7 = tpu.memref_slice %arg4[%mul3A_2] : memref<16384xi32, #tpu.memory_space<hbm>> -> memref<512xi32, #tpu.memory_space<hbm>>
    tpu.enqueue_dma source(%dma_start3A_7 : memref<512xi32, #tpu.memory_space<hbm>>) target(%arg13 : memref<512xi32, #tpu.memory_space<vmem>>) target_semaphore(%arg24 : memref<!tpu.dma_semaphore, #tpu.memory_space<semaphore_mem>>)
    %dma_wait3A = tpu.memref_slice %arg2[%mul3A_2] : memref<16384xi32, #tpu.memory_space<hbm>> -> memref<512xi32, #tpu.memory_space<hbm>>
    %dma_wait3A_8 = tpu.memref_slice %arg2[%mul3A_2] : memref<16384xi32, #tpu.memory_space<hbm>> -> memref<512xi32, #tpu.memory_space<hbm>>
    tpu.wait_dma2 semaphore(%arg22 : memref<!tpu.dma_semaphore, #tpu.memory_space<semaphore_mem>>) src(%dma_wait3A_8 : memref<512xi32, #tpu.memory_space<hbm>>) dst(%arg11 : memref<512xi32, #tpu.memory_space<vmem>>)
    %dma_wait3A_9 = tpu.memref_slice %arg3[%mul3A_2] : memref<16384xi32, #tpu.memory_space<hbm>> -> memref<512xi32, #tpu.memory_space<hbm>>
    %dma_wait3A_10 = tpu.memref_slice %arg3[%mul3A_2] : memref<16384xi32, #tpu.memory_space<hbm>> -> memref<512xi32, #tpu.memory_space<hbm>>
    tpu.wait_dma2 semaphore(%arg23 : memref<!tpu.dma_semaphore, #tpu.memory_space<semaphore_mem>>) src(%dma_wait3A_10 : memref<512xi32, #tpu.memory_space<hbm>>) dst(%arg12 : memref<512xi32, #tpu.memory_space<vmem>>)
    %dma_wait3A_11 = tpu.memref_slice %arg4[%mul3A_2] : memref<16384xi32, #tpu.memory_space<hbm>> -> memref<512xi32, #tpu.memory_space<hbm>>
    %dma_wait3A_12 = tpu.memref_slice %arg4[%mul3A_2] : memref<16384xi32, #tpu.memory_space<hbm>> -> memref<512xi32, #tpu.memory_space<hbm>>
    tpu.wait_dma2 semaphore(%arg24 : memref<!tpu.dma_semaphore, #tpu.memory_space<semaphore_mem>>) src(%dma_wait3A_12 : memref<512xi32, #tpu.memory_space<hbm>>) dst(%arg13 : memref<512xi32, #tpu.memory_space<vmem>>)
    %iota3A = tpu.iota {dimensions = array<i32: 0>} : vector<16xi32>
    %dma_start3A_13 = arith.constant 0 : i32
    %dma_start3A_14 = tpu.memref_slice %arg11[%dma_start3A_13] : memref<512xi32, #tpu.memory_space<vmem>> -> memref<128xi32, #tpu.memory_space<vmem>>
    %dma_start3A_15 = arith.constant 0 : i32
    %dma_start3A_16 = arith.constant 0 : i32
    %dma_start3A_17 = tpu.memref_slice %arg5[%dma_start3A_15, %dma_start3A_16] : memref<100000x128xf32, #tpu.memory_space<hbm>> -> memref<100000x128xf32, #tpu.memory_space<hbm>>
    tpu.enqueue_indirect_dma source(%dma_start3A_17 : memref<100000x128xf32, #tpu.memory_space<hbm>>) target(%arg14 : memref<128x128xf32, #tpu.memory_space<vmem>>) offsets(%dma_start3A_14 : memref<128xi32, #tpu.memory_space<vmem>>) semaphore(%arg25 : memref<!tpu.dma_semaphore, #tpu.memory_space<semaphore_mem>>)
    %dma_start3A_18 = arith.constant 0 : i32
    %dma_start3A_19 = tpu.memref_slice %arg12[%dma_start3A_18] : memref<512xi32, #tpu.memory_space<vmem>> -> memref<128xi32, #tpu.memory_space<vmem>>
    %dma_start3A_20 = arith.constant 0 : i32
    %dma_start3A_21 = arith.constant 0 : i32
    %dma_start3A_22 = tpu.memref_slice %arg6[%dma_start3A_20, %dma_start3A_21] : memref<1000000x128xf32, #tpu.memory_space<hbm>> -> memref<1000000x128xf32, #tpu.memory_space<hbm>>
    tpu.enqueue_indirect_dma source(%dma_start3A_22 : memref<1000000x128xf32, #tpu.memory_space<hbm>>) target(%arg15 : memref<128x128xf32, #tpu.memory_space<vmem>>) offsets(%dma_start3A_19 : memref<128xi32, #tpu.memory_space<vmem>>) semaphore(%arg26 : memref<!tpu.dma_semaphore, #tpu.memory_space<semaphore_mem>>)
    %dma_start3A_23 = arith.constant 0 : i32
    %dma_start3A_24 = tpu.memref_slice %arg13[%dma_start3A_23] : memref<512xi32, #tpu.memory_space<vmem>> -> memref<128xi32, #tpu.memory_space<vmem>>
    %dma_start3A_25 = arith.constant 0 : i32
    %dma_start3A_26 = arith.constant 0 : i32
    %dma_start3A_27 = tpu.memref_slice %arg6[%dma_start3A_25, %dma_start3A_26] : memref<1000000x128xf32, #tpu.memory_space<hbm>> -> memref<1000000x128xf32, #tpu.memory_space<hbm>>
    tpu.enqueue_indirect_dma source(%dma_start3A_27 : memref<1000000x128xf32, #tpu.memory_space<hbm>>) target(%arg16 : memref<128x128xf32, #tpu.memory_space<vmem>>) offsets(%dma_start3A_24 : memref<128xi32, #tpu.memory_space<vmem>>) semaphore(%arg27 : memref<!tpu.dma_semaphore, #tpu.memory_space<semaphore_mem>>)
    %dma_start3A_28 = arith.constant 128 : i32
    %dma_start3A_29 = tpu.memref_slice %arg11[%dma_start3A_28] : memref<512xi32, #tpu.memory_space<vmem>> -> memref<128xi32, #tpu.memory_space<vmem>>
    %dma_start3A_30 = arith.constant 0 : i32
    %dma_start3A_31 = arith.constant 0 : i32
    %dma_start3A_32 = tpu.memref_slice %arg5[%dma_start3A_30, %dma_start3A_31] : memref<100000x128xf32, #tpu.memory_space<hbm>> -> memref<100000x128xf32, #tpu.memory_space<hbm>>
    tpu.enqueue_indirect_dma source(%dma_start3A_32 : memref<100000x128xf32, #tpu.memory_space<hbm>>) target(%arg17 : memref<128x128xf32, #tpu.memory_space<vmem>>) offsets(%dma_start3A_29 : memref<128xi32, #tpu.memory_space<vmem>>) semaphore(%arg28 : memref<!tpu.dma_semaphore, #tpu.memory_space<semaphore_mem>>)
    %dma_start3A_33 = arith.constant 128 : i32
    %dma_start3A_34 = tpu.memref_slice %arg12[%dma_start3A_33] : memref<512xi32, #tpu.memory_space<vmem>> -> memref<128xi32, #tpu.memory_space<vmem>>
    %dma_start3A_35 = arith.constant 0 : i32
    %dma_start3A_36 = arith.constant 0 : i32
    %dma_start3A_37 = tpu.memref_slice %arg6[%dma_start3A_35, %dma_start3A_36] : memref<1000000x128xf32, #tpu.memory_space<hbm>> -> memref<1000000x128xf32, #tpu.memory_space<hbm>>
    tpu.enqueue_indirect_dma source(%dma_start3A_37 : memref<1000000x128xf32, #tpu.memory_space<hbm>>) target(%arg18 : memref<128x128xf32, #tpu.memory_space<vmem>>) offsets(%dma_start3A_34 : memref<128xi32, #tpu.memory_space<vmem>>) semaphore(%arg29 : memref<!tpu.dma_semaphore, #tpu.memory_space<semaphore_mem>>)
    %dma_start3A_38 = arith.constant 128 : i32
    %dma_start3A_39 = tpu.memref_slice %arg13[%dma_start3A_38] : memref<512xi32, #tpu.memory_space<vmem>> -> memref<128xi32, #tpu.memory_space<vmem>>
    %dma_start3A_40 = arith.constant 0 : i32
    %dma_start3A_41 = arith.constant 0 : i32
    %dma_start3A_42 = tpu.memref_slice %arg6[%dma_start3A_40, %dma_start3A_41] : memref<1000000x128xf32, #tpu.memory_space<hbm>> -> memref<1000000x128xf32, #tpu.memory_space<hbm>>
    tpu.enqueue_indirect_dma source(%dma_start3A_42 : memref<1000000x128xf32, #tpu.memory_space<hbm>>) target(%arg19 : memref<128x128xf32, #tpu.memory_space<vmem>>) offsets(%dma_start3A_39 : memref<128xi32, #tpu.memory_space<vmem>>) semaphore(%arg30 : memref<!tpu.dma_semaphore, #tpu.memory_space<semaphore_mem>>)
    %dma_wait3A_43 = arith.constant 0 : i32
    %dma_wait3A_44 = tpu.memref_slice %arg11[%dma_wait3A_43] : memref<512xi32, #tpu.memory_space<vmem>> -> memref<128xi32, #tpu.memory_space<vmem>>
    %dma_wait3A_45 = arith.constant 0 : i32
    %dma_wait3A_46 = arith.constant 0 : i32
    %dma_wait3A_47 = tpu.memref_slice %arg5[%dma_wait3A_45, %dma_wait3A_46] : memref<100000x128xf32, #tpu.memory_space<hbm>> -> memref<100000x128xf32, #tpu.memory_space<hbm>>
    tpu.wait_indirect_dma semaphore(%arg25 : memref<!tpu.dma_semaphore, #tpu.memory_space<semaphore_mem>>) src(%dma_wait3A_47 : memref<100000x128xf32, #tpu.memory_space<hbm>>) dst(%arg14 : memref<128x128xf32, #tpu.memory_space<vmem>>)
    %dma_wait3A_48 = arith.constant 0 : i32
    %dma_wait3A_49 = tpu.memref_slice %arg12[%dma_wait3A_48] : memref<512xi32, #tpu.memory_space<vmem>> -> memref<128xi32, #tpu.memory_space<vmem>>
    %dma_wait3A_50 = arith.constant 0 : i32
    %dma_wait3A_51 = arith.constant 0 : i32
    %dma_wait3A_52 = tpu.memref_slice %arg6[%dma_wait3A_50, %dma_wait3A_51] : memref<1000000x128xf32, #tpu.memory_space<hbm>> -> memref<1000000x128xf32, #tpu.memory_space<hbm>>
    tpu.wait_indirect_dma semaphore(%arg26 : memref<!tpu.dma_semaphore, #tpu.memory_space<semaphore_mem>>) src(%dma_wait3A_52 : memref<1000000x128xf32, #tpu.memory_space<hbm>>) dst(%arg15 : memref<128x128xf32, #tpu.memory_space<vmem>>)
    %dma_wait3A_53 = arith.constant 0 : i32
    %dma_wait3A_54 = tpu.memref_slice %arg13[%dma_wait3A_53] : memref<512xi32, #tpu.memory_space<vmem>> -> memref<128xi32, #tpu.memory_space<vmem>>
    %dma_wait3A_55 = arith.constant 0 : i32
    %dma_wait3A_56 = arith.constant 0 : i32
    %dma_wait3A_57 = tpu.memref_slice %arg6[%dma_wait3A_55, %dma_wait3A_56] : memref<1000000x128xf32, #tpu.memory_space<hbm>> -> memref<1000000x128xf32, #tpu.memory_space<hbm>>
    tpu.wait_indirect_dma semaphore(%arg27 : memref<!tpu.dma_semaphore, #tpu.memory_space<semaphore_mem>>) src(%dma_wait3A_57 : memref<1000000x128xf32, #tpu.memory_space<hbm>>) dst(%arg16 : memref<128x128xf32, #tpu.memory_space<vmem>>)
    %add3A_58 = arith.constant 0 : i32
    %add3A_59 = arith.addi %mul3A_2, %add3A_58 : i32
    %dma_start3A_60 = arith.constant 0 : i32
    %dma_start3A_61 = tpu.memref_slice %arg8[%add3A_59, %dma_start3A_60] : memref<16384x128xf32, #tpu.memory_space<hbm>> -> memref<128x128xf32, #tpu.memory_space<hbm>>
    %dma_start3A_62 = arith.constant 0 : i32
    %dma_start3A_63 = tpu.memref_slice %arg8[%add3A_59, %dma_start3A_62] : memref<16384x128xf32, #tpu.memory_space<hbm>> -> memref<128x128xf32, #tpu.memory_space<hbm>>
    tpu.enqueue_dma source(%arg14 : memref<128x128xf32, #tpu.memory_space<vmem>>) target(%dma_start3A_63 : memref<128x128xf32, #tpu.memory_space<hbm>>) target_semaphore(%arg31 : memref<!tpu.dma_semaphore, #tpu.memory_space<semaphore_mem>>)
    %add3A_64 = arith.constant 0 : i32
    %add3A_65 = arith.addi %mul3A_2, %add3A_64 : i32
    %dma_start3A_66 = arith.constant 0 : i32
    %dma_start3A_67 = tpu.memref_slice %arg9[%add3A_65, %dma_start3A_66] : memref<16384x128xf32, #tpu.memory_space<hbm>> -> memref<128x128xf32, #tpu.memory_space<hbm>>
    %dma_start3A_68 = arith.constant 0 : i32
    %dma_start3A_69 = tpu.memref_slice %arg9[%add3A_65, %dma_start3A_68] : memref<16384x128xf32, #tpu.memory_space<hbm>> -> memref<128x128xf32, #tpu.memory_space<hbm>>
    tpu.enqueue_dma source(%arg15 : memref<128x128xf32, #tpu.memory_space<vmem>>) target(%dma_start3A_69 : memref<128x128xf32, #tpu.memory_space<hbm>>) target_semaphore(%arg32 : memref<!tpu.dma_semaphore, #tpu.memory_space<semaphore_mem>>)
    %add3A_70 = arith.constant 0 : i32
    %add3A_71 = arith.addi %mul3A_2, %add3A_70 : i32
    %dma_start3A_72 = arith.constant 0 : i32
    %dma_start3A_73 = tpu.memref_slice %arg10[%add3A_71, %dma_start3A_72] : memref<16384x128xf32, #tpu.memory_space<hbm>> -> memref<128x128xf32, #tpu.memory_space<hbm>>
    %dma_start3A_74 = arith.constant 0 : i32
    %dma_start3A_75 = tpu.memref_slice %arg10[%add3A_71, %dma_start3A_74] : memref<16384x128xf32, #tpu.memory_space<hbm>> -> memref<128x128xf32, #tpu.memory_space<hbm>>
    tpu.enqueue_dma source(%arg16 : memref<128x128xf32, #tpu.memory_space<vmem>>) target(%dma_start3A_75 : memref<128x128xf32, #tpu.memory_space<hbm>>) target_semaphore(%arg33 : memref<!tpu.dma_semaphore, #tpu.memory_space<semaphore_mem>>)
    %parallel_loop3A = arith.constant 0 : i32
    %parallel_loop3A_76 = arith.constant 128 : i32
    %parallel_loop3A_77 = arith.constant 1 : i32
    scf.for %parallel_loop3A_287 = %parallel_loop3A to %parallel_loop3A_76 step %parallel_loop3A_77  : i32 {
      %parallel_loop3A_288 = arith.constant 0.000000e+00 : f32
      %parallel_loop3A_289 = vector.broadcast %parallel_loop3A_288 : f32 to vector<16xf32>
      %parallel_loop3A_290 = arith.index_cast %parallel_loop3A_287 : i32 to index
      %parallel_loop3A_291 = arith.constant 0 : index
      %parallel_loop3A_292 = tpu.vector_load %arg14[%parallel_loop3A_290, %parallel_loop3A_291] {strides = array<i32>} : memref<128x128xf32, #tpu.memory_space<vmem>>, vector<16xf32>,
      %parallel_loop3A_293 = arith.index_cast %parallel_loop3A_287 : i32 to index
      %parallel_loop3A_294 = arith.constant 0 : index
      %parallel_loop3A_295 = tpu.vector_load %arg15[%parallel_loop3A_293, %parallel_loop3A_294] {strides = array<i32>} : memref<128x128xf32, #tpu.memory_space<vmem>>, vector<16xf32>,
      %parallel_loop3A_296 = arith.index_cast %parallel_loop3A_287 : i32 to index
      %parallel_loop3A_297 = arith.constant 0 : index
      %parallel_loop3A_298 = tpu.vector_load %arg16[%parallel_loop3A_296, %parallel_loop3A_297] {strides = array<i32>} : memref<128x128xf32, #tpu.memory_space<vmem>>, vector<16xf32>,
      %parallel_loop3A_299 = arith.subf %parallel_loop3A_295, %parallel_loop3A_298 : vector<16xf32>
      %parallel_loop3A_300 = arith.mulf %parallel_loop3A_292, %parallel_loop3A_299 : vector<16xf32>
      %parallel_loop3A_301 = arith.addf %parallel_loop3A_289, %parallel_loop3A_300 : vector<16xf32>
      %parallel_loop3A_302 = arith.index_cast %parallel_loop3A_287 : i32 to index
      %parallel_loop3A_303 = arith.constant 16 : index
      %parallel_loop3A_304 = tpu.vector_load %arg14[%parallel_loop3A_302, %parallel_loop3A_303] {strides = array<i32>} : memref<128x128xf32, #tpu.memory_space<vmem>>, vector<16xf32>,
      %parallel_loop3A_305 = arith.index_cast %parallel_loop3A_287 : i32 to index
      %parallel_loop3A_306 = arith.constant 16 : index
      %parallel_loop3A_307 = tpu.vector_load %arg15[%parallel_loop3A_305, %parallel_loop3A_306] {strides = array<i32>} : memref<128x128xf32, #tpu.memory_space<vmem>>, vector<16xf32>,
      %parallel_loop3A_308 = arith.index_cast %parallel_loop3A_287 : i32 to index
      %parallel_loop3A_309 = arith.constant 16 : index
      %parallel_loop3A_310 = tpu.vector_load %arg16[%parallel_loop3A_308, %parallel_loop3A_309] {strides = array<i32>} : memref<128x128xf32, #tpu.memory_space<vmem>>, vector<16xf32>,
      %parallel_loop3A_311 = arith.subf %parallel_loop3A_307, %parallel_loop3A_310 : vector<16xf32>
      %parallel_loop3A_312 = arith.mulf %parallel_loop3A_304, %parallel_loop3A_311 : vector<16xf32>
      %parallel_loop3A_313 = arith.addf %parallel_loop3A_301, %parallel_loop3A_312 : vector<16xf32>
      %parallel_loop3A_314 = arith.index_cast %parallel_loop3A_287 : i32 to index
      %parallel_loop3A_315 = arith.constant 32 : index
      %parallel_loop3A_316 = tpu.vector_load %arg14[%parallel_loop3A_314, %parallel_loop3A_315] {strides = array<i32>} : memref<128x128xf32, #tpu.memory_space<vmem>>, vector<16xf32>,
      %parallel_loop3A_317 = arith.index_cast %parallel_loop3A_287 : i32 to index
      %parallel_loop3A_318 = arith.constant 32 : index
      %parallel_loop3A_319 = tpu.vector_load %arg15[%parallel_loop3A_317, %parallel_loop3A_318] {strides = array<i32>} : memref<128x128xf32, #tpu.memory_space<vmem>>, vector<16xf32>,
      %parallel_loop3A_320 = arith.index_cast %parallel_loop3A_287 : i32 to index
      %parallel_loop3A_321 = arith.constant 32 : index
      %parallel_loop3A_322 = tpu.vector_load %arg16[%parallel_loop3A_320, %parallel_loop3A_321] {strides = array<i32>} : memref<128x128xf32, #tpu.memory_space<vmem>>, vector<16xf32>,
      %parallel_loop3A_323 = arith.subf %parallel_loop3A_319, %parallel_loop3A_322 : vector<16xf32>
      %parallel_loop3A_324 = arith.mulf %parallel_loop3A_316, %parallel_loop3A_323 : vector<16xf32>
      %parallel_loop3A_325 = arith.addf %parallel_loop3A_313, %parallel_loop3A_324 : vector<16xf32>
      %parallel_loop3A_326 = arith.index_cast %parallel_loop3A_287 : i32 to index
      %parallel_loop3A_327 = arith.constant 48 : index
      %parallel_loop3A_328 = tpu.vector_load %arg14[%parallel_loop3A_326, %parallel_loop3A_327] {strides = array<i32>} : memref<128x128xf32, #tpu.memory_space<vmem>>, vector<16xf32>,
      %parallel_loop3A_329 = arith.index_cast %parallel_loop3A_287 : i32 to index
      %parallel_loop3A_330 = arith.constant 48 : index
      %parallel_loop3A_331 = tpu.vector_load %arg15[%parallel_loop3A_329, %parallel_loop3A_330] {strides = array<i32>} : memref<128x128xf32, #tpu.memory_space<vmem>>, vector<16xf32>,
      %parallel_loop3A_332 = arith.index_cast %parallel_loop3A_287 : i32 to index
      %parallel_loop3A_333 = arith.constant 48 : index
      %parallel_loop3A_334 = tpu.vector_load %arg16[%parallel_loop3A_332, %parallel_loop3A_333] {strides = array<i32>} : memref<128x128xf32, #tpu.memory_space<vmem>>, vector<16xf32>,
      %parallel_loop3A_335 = arith.subf %parallel_loop3A_331, %parallel_loop3A_334 : vector<16xf32>
      %parallel_loop3A_336 = arith.mulf %parallel_loop3A_328, %parallel_loop3A_335 : vector<16xf32>
      %parallel_loop3A_337 = arith.addf %parallel_loop3A_325, %parallel_loop3A_336 : vector<16xf32>
      %parallel_loop3A_338 = arith.index_cast %parallel_loop3A_287 : i32 to index
      %parallel_loop3A_339 = arith.constant 64 : index
      %parallel_loop3A_340 = tpu.vector_load %arg14[%parallel_loop3A_338, %parallel_loop3A_339] {strides = array<i32>} : memref<128x128xf32, #tpu.memory_space<vmem>>, vector<16xf32>,
      %parallel_loop3A_341 = arith.index_cast %parallel_loop3A_287 : i32 to index
      %parallel_loop3A_342 = arith.constant 64 : index
      %parallel_loop3A_343 = tpu.vector_load %arg15[%parallel_loop3A_341, %parallel_loop3A_342] {strides = array<i32>} : memref<128x128xf32, #tpu.memory_space<vmem>>, vector<16xf32>,
      %parallel_loop3A_344 = arith.index_cast %parallel_loop3A_287 : i32 to index
      %parallel_loop3A_345 = arith.constant 64 : index
      %parallel_loop3A_346 = tpu.vector_load %arg16[%parallel_loop3A_344, %parallel_loop3A_345] {strides = array<i32>} : memref<128x128xf32, #tpu.memory_space<vmem>>, vector<16xf32>,
      %parallel_loop3A_347 = arith.subf %parallel_loop3A_343, %parallel_loop3A_346 : vector<16xf32>
      %parallel_loop3A_348 = arith.mulf %parallel_loop3A_340, %parallel_loop3A_347 : vector<16xf32>
      %parallel_loop3A_349 = arith.addf %parallel_loop3A_337, %parallel_loop3A_348 : vector<16xf32>
      %parallel_loop3A_350 = arith.index_cast %parallel_loop3A_287 : i32 to index
      %parallel_loop3A_351 = arith.constant 80 : index
      %parallel_loop3A_352 = tpu.vector_load %arg14[%parallel_loop3A_350, %parallel_loop3A_351] {strides = array<i32>} : memref<128x128xf32, #tpu.memory_space<vmem>>, vector<16xf32>,
      %parallel_loop3A_353 = arith.index_cast %parallel_loop3A_287 : i32 to index
      %parallel_loop3A_354 = arith.constant 80 : index
      %parallel_loop3A_355 = tpu.vector_load %arg15[%parallel_loop3A_353, %parallel_loop3A_354] {strides = array<i32>} : memref<128x128xf32, #tpu.memory_space<vmem>>, vector<16xf32>,
      %parallel_loop3A_356 = arith.index_cast %parallel_loop3A_287 : i32 to index
      %parallel_loop3A_357 = arith.constant 80 : index
      %parallel_loop3A_358 = tpu.vector_load %arg16[%parallel_loop3A_356, %parallel_loop3A_357] {strides = array<i32>} : memref<128x128xf32, #tpu.memory_space<vmem>>, vector<16xf32>,
      %parallel_loop3A_359 = arith.subf %parallel_loop3A_355, %parallel_loop3A_358 : vector<16xf32>
      %parallel_loop3A_360 = arith.mulf %parallel_loop3A_352, %parallel_loop3A_359 : vector<16xf32>
      %parallel_loop3A_361 = arith.addf %parallel_loop3A_349, %parallel_loop3A_360 : vector<16xf32>
      %parallel_loop3A_362 = arith.index_cast %parallel_loop3A_287 : i32 to index
      %parallel_loop3A_363 = arith.constant 96 : index
      %parallel_loop3A_364 = tpu.vector_load %arg14[%parallel_loop3A_362, %parallel_loop3A_363] {strides = array<i32>} : memref<128x128xf32, #tpu.memory_space<vmem>>, vector<16xf32>,
      %parallel_loop3A_365 = arith.index_cast %parallel_loop3A_287 : i32 to index
      %parallel_loop3A_366 = arith.constant 96 : index
      %parallel_loop3A_367 = tpu.vector_load %arg15[%parallel_loop3A_365, %parallel_loop3A_366] {strides = array<i32>} : memref<128x128xf32, #tpu.memory_space<vmem>>, vector<16xf32>,
      %parallel_loop3A_368 = arith.index_cast %parallel_loop3A_287 : i32 to index
      %parallel_loop3A_369 = arith.constant 96 : index
      %parallel_loop3A_370 = tpu.vector_load %arg16[%parallel_loop3A_368, %parallel_loop3A_369] {strides = array<i32>} : memref<128x128xf32, #tpu.memory_space<vmem>>, vector<16xf32>,
      %parallel_loop3A_371 = arith.subf %parallel_loop3A_367, %parallel_loop3A_370 : vector<16xf32>
      %parallel_loop3A_372 = arith.mulf %parallel_loop3A_364, %parallel_loop3A_371 : vector<16xf32>
      %parallel_loop3A_373 = arith.addf %parallel_loop3A_361, %parallel_loop3A_372 : vector<16xf32>
      %parallel_loop3A_374 = arith.index_cast %parallel_loop3A_287 : i32 to index
      %parallel_loop3A_375 = arith.constant 112 : index
      %parallel_loop3A_376 = tpu.vector_load %arg14[%parallel_loop3A_374, %parallel_loop3A_375] {strides = array<i32>} : memref<128x128xf32, #tpu.memory_space<vmem>>, vector<16xf32>,
      %parallel_loop3A_377 = arith.index_cast %parallel_loop3A_287 : i32 to index
      %parallel_loop3A_378 = arith.constant 112 : index
      %parallel_loop3A_379 = tpu.vector_load %arg15[%parallel_loop3A_377, %parallel_loop3A_378] {strides = array<i32>} : memref<128x128xf32, #tpu.memory_space<vmem>>, vector<16xf32>,
      %parallel_loop3A_380 = arith.index_cast %parallel_loop3A_287 : i32 to index
      %parallel_loop3A_381 = arith.constant 112 : index
      %parallel_loop3A_382 = tpu.vector_load %arg16[%parallel_loop3A_380, %parallel_loop3A_381] {strides = array<i32>} : memref<128x128xf32, #tpu.memory_space<vmem>>, vector<16xf32>,
      %parallel_loop3A_383 = arith.subf %parallel_loop3A_379, %parallel_loop3A_382 : vector<16xf32>
      %parallel_loop3A_384 = arith.mulf %parallel_loop3A_376, %parallel_loop3A_383 : vector<16xf32>
      %parallel_loop3A_385 = arith.addf %parallel_loop3A_373, %parallel_loop3A_384 : vector<16xf32>
      %parallel_loop3A_386 = vector.broadcast %parallel_loop3A_287 : i32 to vector<16xi32>
      tpu.vector_store_idx %arg20[%iota3A, %parallel_loop3A_386], %parallel_loop3A_385 : memref<16x128xf32, #tpu.memory_space<vmem>>[vector<16xi32>, vector<16xi32>], vector<16xf32>,
    } {sc.loop_unroll_factor = 2 : i64, sc.parallel_access}
    %scan3A = arith.constant 0 : i32
    %scan3A_78 = arith.constant 0 : i32
    %scan3A_79 = arith.constant 8 : i32
    %scan3A_80 = arith.addi %scan3A_78, %scan3A_79 : i32
    %scan3A_81 = arith.constant 1 : i32
    scf.for %scan3A_287 = %scan3A_78 to %scan3A_80 step %scan3A_81  : i32 {
      %broadcast_in_dim3A = arith.constant 0.000000e+00 : f32
      %broadcast_in_dim3A_288 = vector.broadcast %broadcast_in_dim3A : f32 to vector<16xf32>
      %mul3A_289 = arith.constant 16 : i32
      %mul3A_290 = arith.muli %scan3A_287, %mul3A_289 : i32
      %get3A = arith.constant 0 : i32
      %get3A_291 = arith.index_cast %get3A : i32 to index
      %get3A_292 = arith.index_cast %mul3A_290 : i32 to index
      %get3A_293 = tpu.vector_load %arg20[%get3A_291, %get3A_292] {strides = array<i32>} : memref<16x128xf32, #tpu.memory_space<vmem>>, vector<16xf32>,
      %add3A_294 = arith.addf %broadcast_in_dim3A_288, %get3A_293 : vector<16xf32>
      %mul3A_295 = arith.constant 16 : i32
      %mul3A_296 = arith.muli %scan3A_287, %mul3A_295 : i32
      %get3A_297 = arith.constant 1 : i32
      %get3A_298 = arith.index_cast %get3A_297 : i32 to index
      %get3A_299 = arith.index_cast %mul3A_296 : i32 to index
      %get3A_300 = tpu.vector_load %arg20[%get3A_298, %get3A_299] {strides = array<i32>} : memref<16x128xf32, #tpu.memory_space<vmem>>, vector<16xf32>,
      %add3A_301 = arith.addf %add3A_294, %get3A_300 : vector<16xf32>
      %mul3A_302 = arith.constant 16 : i32
      %mul3A_303 = arith.muli %scan3A_287, %mul3A_302 : i32
      %get3A_304 = arith.constant 2 : i32
      %get3A_305 = arith.index_cast %get3A_304 : i32 to index
      %get3A_306 = arith.index_cast %mul3A_303 : i32 to index
      %get3A_307 = tpu.vector_load %arg20[%get3A_305, %get3A_306] {strides = array<i32>} : memref<16x128xf32, #tpu.memory_space<vmem>>, vector<16xf32>,
      %add3A_308 = arith.addf %add3A_301, %get3A_307 : vector<16xf32>
      %mul3A_309 = arith.constant 16 : i32
      %mul3A_310 = arith.muli %scan3A_287, %mul3A_309 : i32
      %get3A_311 = arith.constant 3 : i32
      %get3A_312 = arith.index_cast %get3A_311 : i32 to index
      %get3A_313 = arith.index_cast %mul3A_310 : i32 to index
      %get3A_314 = tpu.vector_load %arg20[%get3A_312, %get3A_313] {strides = array<i32>} : memref<16x128xf32, #tpu.memory_space<vmem>>, vector<16xf32>,
      %add3A_315 = arith.addf %add3A_308, %get3A_314 : vector<16xf32>
      %mul3A_316 = arith.constant 16 : i32
      %mul3A_317 = arith.muli %scan3A_287, %mul3A_316 : i32
      %get3A_318 = arith.constant 4 : i32
      %get3A_319 = arith.index_cast %get3A_318 : i32 to index
      %get3A_320 = arith.index_cast %mul3A_317 : i32 to index
      %get3A_321 = tpu.vector_load %arg20[%get3A_319, %get3A_320] {strides = array<i32>} : memref<16x128xf32, #tpu.memory_space<vmem>>, vector<16xf32>,
      %add3A_322 = arith.addf %add3A_315, %get3A_321 : vector<16xf32>
      %mul3A_323 = arith.constant 16 : i32
      %mul3A_324 = arith.muli %scan3A_287, %mul3A_323 : i32
      %get3A_325 = arith.constant 5 : i32
      %get3A_326 = arith.index_cast %get3A_325 : i32 to index
      %get3A_327 = arith.index_cast %mul3A_324 : i32 to index
      %get3A_328 = tpu.vector_load %arg20[%get3A_326, %get3A_327] {strides = array<i32>} : memref<16x128xf32, #tpu.memory_space<vmem>>, vector<16xf32>,
      %add3A_329 = arith.addf %add3A_322, %get3A_328 : vector<16xf32>
      %mul3A_330 = arith.constant 16 : i32
      %mul3A_331 = arith.muli %scan3A_287, %mul3A_330 : i32
      %get3A_332 = arith.constant 6 : i32
      %get3A_333 = arith.index_cast %get3A_332 : i32 to index
      %get3A_334 = arith.index_cast %mul3A_331 : i32 to index
      %get3A_335 = tpu.vector_load %arg20[%get3A_333, %get3A_334] {strides = array<i32>} : memref<16x128xf32, #tpu.memory_space<vmem>>, vector<16xf32>,
      %add3A_336 = arith.addf %add3A_329, %get3A_335 : vector<16xf32>
      %mul3A_337 = arith.constant 16 : i32
      %mul3A_338 = arith.muli %scan3A_287, %mul3A_337 : i32
      %get3A_339 = arith.constant 7 : i32
      %get3A_340 = arith.index_cast %get3A_339 : i32 to index
      %get3A_341 = arith.index_cast %mul3A_338 : i32 to index
      %get3A_342 = tpu.vector_load %arg20[%get3A_340, %get3A_341] {strides = array<i32>} : memref<16x128xf32, #tpu.memory_space<vmem>>, vector<16xf32>,
      %add3A_343 = arith.addf %add3A_336, %get3A_342 : vector<16xf32>
      %mul3A_344 = arith.constant 16 : i32
      %mul3A_345 = arith.muli %scan3A_287, %mul3A_344 : i32
      %get3A_346 = arith.constant 8 : i32
      %get3A_347 = arith.index_cast %get3A_346 : i32 to index
      %get3A_348 = arith.index_cast %mul3A_345 : i32 to index
      %get3A_349 = tpu.vector_load %arg20[%get3A_347, %get3A_348] {strides = array<i32>} : memref<16x128xf32, #tpu.memory_space<vmem>>, vector<16xf32>,
      %add3A_350 = arith.addf %add3A_343, %get3A_349 : vector<16xf32>
      %mul3A_351 = arith.constant 16 : i32
      %mul3A_352 = arith.muli %scan3A_287, %mul3A_351 : i32
      %get3A_353 = arith.constant 9 : i32
      %get3A_354 = arith.index_cast %get3A_353 : i32 to index
      %get3A_355 = arith.index_cast %mul3A_352 : i32 to index
      %get3A_356 = tpu.vector_load %arg20[%get3A_354, %get3A_355] {strides = array<i32>} : memref<16x128xf32, #tpu.memory_space<vmem>>, vector<16xf32>,
      %add3A_357 = arith.addf %add3A_350, %get3A_356 : vector<16xf32>
      %mul3A_358 = arith.constant 16 : i32
      %mul3A_359 = arith.muli %scan3A_287, %mul3A_358 : i32
      %get3A_360 = arith.constant 10 : i32
      %get3A_361 = arith.index_cast %get3A_360 : i32 to index
      %get3A_362 = arith.index_cast %mul3A_359 : i32 to index
      %get3A_363 = tpu.vector_load %arg20[%get3A_361, %get3A_362] {strides = array<i32>} : memref<16x128xf32, #tpu.memory_space<vmem>>, vector<16xf32>,
      %add3A_364 = arith.addf %add3A_357, %get3A_363 : vector<16xf32>
      %mul3A_365 = arith.constant 16 : i32
      %mul3A_366 = arith.muli %scan3A_287, %mul3A_365 : i32
      %get3A_367 = arith.constant 11 : i32
      %get3A_368 = arith.index_cast %get3A_367 : i32 to index
      %get3A_369 = arith.index_cast %mul3A_366 : i32 to index
      %get3A_370 = tpu.vector_load %arg20[%get3A_368, %get3A_369] {strides = array<i32>} : memref<16x128xf32, #tpu.memory_space<vmem>>, vector<16xf32>,
      %add3A_371 = arith.addf %add3A_364, %get3A_370 : vector<16xf32>
      %mul3A_372 = arith.constant 16 : i32
      %mul3A_373 = arith.muli %scan3A_287, %mul3A_372 : i32
      %get3A_374 = arith.constant 12 : i32
      %get3A_375 = arith.index_cast %get3A_374 : i32 to index
      %get3A_376 = arith.index_cast %mul3A_373 : i32 to index
      %get3A_377 = tpu.vector_load %arg20[%get3A_375, %get3A_376] {strides = array<i32>} : memref<16x128xf32, #tpu.memory_space<vmem>>, vector<16xf32>,
      %add3A_378 = arith.addf %add3A_371, %get3A_377 : vector<16xf32>
      %mul3A_379 = arith.constant 16 : i32
      %mul3A_380 = arith.muli %scan3A_287, %mul3A_379 : i32
      %get3A_381 = arith.constant 13 : i32
      %get3A_382 = arith.index_cast %get3A_381 : i32 to index
      %get3A_383 = arith.index_cast %mul3A_380 : i32 to index
      %get3A_384 = tpu.vector_load %arg20[%get3A_382, %get3A_383] {strides = array<i32>} : memref<16x128xf32, #tpu.memory_space<vmem>>, vector<16xf32>,
      %add3A_385 = arith.addf %add3A_378, %get3A_384 : vector<16xf32>
      %mul3A_386 = arith.constant 16 : i32
      %mul3A_387 = arith.muli %scan3A_287, %mul3A_386 : i32
      %get3A_388 = arith.constant 14 : i32
      %get3A_389 = arith.index_cast %get3A_388 : i32 to index
      %get3A_390 = arith.index_cast %mul3A_387 : i32 to index
      %get3A_391 = tpu.vector_load %arg20[%get3A_389, %get3A_390] {strides = array<i32>} : memref<16x128xf32, #tpu.memory_space<vmem>>, vector<16xf32>,
      %add3A_392 = arith.addf %add3A_385, %get3A_391 : vector<16xf32>
      %mul3A_393 = arith.constant 16 : i32
      %mul3A_394 = arith.muli %scan3A_287, %mul3A_393 : i32
      %get3A_395 = arith.constant 15 : i32
      %get3A_396 = arith.index_cast %get3A_395 : i32 to index
      %get3A_397 = arith.index_cast %mul3A_394 : i32 to index
      %get3A_398 = tpu.vector_load %arg20[%get3A_396, %get3A_397] {strides = array<i32>} : memref<16x128xf32, #tpu.memory_space<vmem>>, vector<16xf32>,
      %add3A_399 = arith.addf %add3A_392, %get3A_398 : vector<16xf32>
      %mul3A_400 = arith.constant 16 : i32
      %mul3A_401 = arith.muli %scan3A_287, %mul3A_400 : i32
      %add3A_402 = arith.constant 0 : i32
      %add3A_403 = arith.addi %add3A_402, %mul3A_401 : i32
      %swap3A = arith.index_cast %add3A_403 : i32 to index
      %swap3A_404 = tpu.vector_load %arg21[%swap3A] {strides = array<i32>} : memref<512xf32, #tpu.memory_space<vmem>>, vector<16xf32>,
      tpu.vector_store %arg21[%swap3A], %add3A_399 {strides = array<i32>} : memref<512xf32, #tpu.memory_space<vmem>>, vector<16xf32>,
    }
    %scan3A_82 = arith.constant 8 : i32
    %dma_wait3A_83 = arith.constant 0 : i32
    %dma_wait3A_84 = tpu.memref_slice %arg8[%add3A_59, %dma_wait3A_83] : memref<16384x128xf32, #tpu.memory_space<hbm>> -> memref<128x128xf32, #tpu.memory_space<hbm>>
    %dma_wait3A_85 = arith.constant 0 : i32
    %dma_wait3A_86 = tpu.memref_slice %arg8[%add3A_59, %dma_wait3A_85] : memref<16384x128xf32, #tpu.memory_space<hbm>> -> memref<128x128xf32, #tpu.memory_space<hbm>>
    tpu.wait_dma2 semaphore(%arg31 : memref<!tpu.dma_semaphore, #tpu.memory_space<semaphore_mem>>) src(%arg14 : memref<128x128xf32, #tpu.memory_space<vmem>>) dst(%dma_wait3A_86 : memref<128x128xf32, #tpu.memory_space<hbm>>)
    %dma_wait3A_87 = arith.constant 0 : i32
    %dma_wait3A_88 = tpu.memref_slice %arg9[%add3A_65, %dma_wait3A_87] : memref<16384x128xf32, #tpu.memory_space<hbm>> -> memref<128x128xf32, #tpu.memory_space<hbm>>
    %dma_wait3A_89 = arith.constant 0 : i32
    %dma_wait3A_90 = tpu.memref_slice %arg9[%add3A_65, %dma_wait3A_89] : memref<16384x128xf32, #tpu.memory_space<hbm>> -> memref<128x128xf32, #tpu.memory_space<hbm>>
    tpu.wait_dma2 semaphore(%arg32 : memref<!tpu.dma_semaphore, #tpu.memory_space<semaphore_mem>>) src(%arg15 : memref<128x128xf32, #tpu.memory_space<vmem>>) dst(%dma_wait3A_90 : memref<128x128xf32, #tpu.memory_space<hbm>>)
    %dma_wait3A_91 = arith.constant 0 : i32
    %dma_wait3A_92 = tpu.memref_slice %arg10[%add3A_71, %dma_wait3A_91] : memref<16384x128xf32, #tpu.memory_space<hbm>> -> memref<128x128xf32, #tpu.memory_space<hbm>>
    %dma_wait3A_93 = arith.constant 0 : i32
    %dma_wait3A_94 = tpu.memref_slice %arg10[%add3A_71, %dma_wait3A_93] : memref<16384x128xf32, #tpu.memory_space<hbm>> -> memref<128x128xf32, #tpu.memory_space<hbm>>
    tpu.wait_dma2 semaphore(%arg33 : memref<!tpu.dma_semaphore, #tpu.memory_space<semaphore_mem>>) src(%arg16 : memref<128x128xf32, #tpu.memory_space<vmem>>) dst(%dma_wait3A_94 : memref<128x128xf32, #tpu.memory_space<hbm>>)
    %dma_start3A_95 = arith.constant 256 : i32
    %dma_start3A_96 = tpu.memref_slice %arg11[%dma_start3A_95] : memref<512xi32, #tpu.memory_space<vmem>> -> memref<128xi32, #tpu.memory_space<vmem>>
    %dma_start3A_97 = arith.constant 0 : i32
    %dma_start3A_98 = arith.constant 0 : i32
    %dma_start3A_99 = tpu.memref_slice %arg5[%dma_start3A_97, %dma_start3A_98] : memref<100000x128xf32, #tpu.memory_space<hbm>> -> memref<100000x128xf32, #tpu.memory_space<hbm>>
    tpu.enqueue_indirect_dma source(%dma_start3A_99 : memref<100000x128xf32, #tpu.memory_space<hbm>>) target(%arg14 : memref<128x128xf32, #tpu.memory_space<vmem>>) offsets(%dma_start3A_96 : memref<128xi32, #tpu.memory_space<vmem>>) semaphore(%arg25 : memref<!tpu.dma_semaphore, #tpu.memory_space<semaphore_mem>>)
    %dma_start3A_100 = arith.constant 256 : i32
    %dma_start3A_101 = tpu.memref_slice %arg12[%dma_start3A_100] : memref<512xi32, #tpu.memory_space<vmem>> -> memref<128xi32, #tpu.memory_space<vmem>>
    %dma_start3A_102 = arith.constant 0 : i32
    %dma_start3A_103 = arith.constant 0 : i32
    %dma_start3A_104 = tpu.memref_slice %arg6[%dma_start3A_102, %dma_start3A_103] : memref<1000000x128xf32, #tpu.memory_space<hbm>> -> memref<1000000x128xf32, #tpu.memory_space<hbm>>
    tpu.enqueue_indirect_dma source(%dma_start3A_104 : memref<1000000x128xf32, #tpu.memory_space<hbm>>) target(%arg15 : memref<128x128xf32, #tpu.memory_space<vmem>>) offsets(%dma_start3A_101 : memref<128xi32, #tpu.memory_space<vmem>>) semaphore(%arg26 : memref<!tpu.dma_semaphore, #tpu.memory_space<semaphore_mem>>)
    %dma_start3A_105 = arith.constant 256 : i32
    %dma_start3A_106 = tpu.memref_slice %arg13[%dma_start3A_105] : memref<512xi32, #tpu.memory_space<vmem>> -> memref<128xi32, #tpu.memory_space<vmem>>
    %dma_start3A_107 = arith.constant 0 : i32
    %dma_start3A_108 = arith.constant 0 : i32
    %dma_start3A_109 = tpu.memref_slice %arg6[%dma_start3A_107, %dma_start3A_108] : memref<1000000x128xf32, #tpu.memory_space<hbm>> -> memref<1000000x128xf32, #tpu.memory_space<hbm>>
    tpu.enqueue_indirect_dma source(%dma_start3A_109 : memref<1000000x128xf32, #tpu.memory_space<hbm>>) target(%arg16 : memref<128x128xf32, #tpu.memory_space<vmem>>) offsets(%dma_start3A_106 : memref<128xi32, #tpu.memory_space<vmem>>) semaphore(%arg27 : memref<!tpu.dma_semaphore, #tpu.memory_space<semaphore_mem>>)
    %dma_wait3A_110 = arith.constant 128 : i32
    %dma_wait3A_111 = tpu.memref_slice %arg11[%dma_wait3A_110] : memref<512xi32, #tpu.memory_space<vmem>> -> memref<128xi32, #tpu.memory_space<vmem>>
    %dma_wait3A_112 = arith.constant 0 : i32
    %dma_wait3A_113 = arith.constant 0 : i32
    %dma_wait3A_114 = tpu.memref_slice %arg5[%dma_wait3A_112, %dma_wait3A_113] : memref<100000x128xf32, #tpu.memory_space<hbm>> -> memref<100000x128xf32, #tpu.memory_space<hbm>>
    tpu.wait_indirect_dma semaphore(%arg28 : memref<!tpu.dma_semaphore, #tpu.memory_space<semaphore_mem>>) src(%dma_wait3A_114 : memref<100000x128xf32, #tpu.memory_space<hbm>>) dst(%arg17 : memref<128x128xf32, #tpu.memory_space<vmem>>)
    %dma_wait3A_115 = arith.constant 128 : i32
    %dma_wait3A_116 = tpu.memref_slice %arg12[%dma_wait3A_115] : memref<512xi32, #tpu.memory_space<vmem>> -> memref<128xi32, #tpu.memory_space<vmem>>
    %dma_wait3A_117 = arith.constant 0 : i32
    %dma_wait3A_118 = arith.constant 0 : i32
    %dma_wait3A_119 = tpu.memref_slice %arg6[%dma_wait3A_117, %dma_wait3A_118] : memref<1000000x128xf32, #tpu.memory_space<hbm>> -> memref<1000000x128xf32, #tpu.memory_space<hbm>>
    tpu.wait_indirect_dma semaphore(%arg29 : memref<!tpu.dma_semaphore, #tpu.memory_space<semaphore_mem>>) src(%dma_wait3A_119 : memref<1000000x128xf32, #tpu.memory_space<hbm>>) dst(%arg18 : memref<128x128xf32, #tpu.memory_space<vmem>>)
    %dma_wait3A_120 = arith.constant 128 : i32
    %dma_wait3A_121 = tpu.memref_slice %arg13[%dma_wait3A_120] : memref<512xi32, #tpu.memory_space<vmem>> -> memref<128xi32, #tpu.memory_space<vmem>>
    %dma_wait3A_122 = arith.constant 0 : i32
    %dma_wait3A_123 = arith.constant 0 : i32
    %dma_wait3A_124 = tpu.memref_slice %arg6[%dma_wait3A_122, %dma_wait3A_123] : memref<1000000x128xf32, #tpu.memory_space<hbm>> -> memref<1000000x128xf32, #tpu.memory_space<hbm>>
    tpu.wait_indirect_dma semaphore(%arg30 : memref<!tpu.dma_semaphore, #tpu.memory_space<semaphore_mem>>) src(%dma_wait3A_124 : memref<1000000x128xf32, #tpu.memory_space<hbm>>) dst(%arg19 : memref<128x128xf32, #tpu.memory_space<vmem>>)
    %add3A_125 = arith.constant 128 : i32
    %add3A_126 = arith.addi %mul3A_2, %add3A_125 : i32
    %dma_start3A_127 = arith.constant 0 : i32
    %dma_start3A_128 = tpu.memref_slice %arg8[%add3A_126, %dma_start3A_127] : memref<16384x128xf32, #tpu.memory_space<hbm>> -> memref<128x128xf32, #tpu.memory_space<hbm>>
    %dma_start3A_129 = arith.constant 0 : i32
    %dma_start3A_130 = tpu.memref_slice %arg8[%add3A_126, %dma_start3A_129] : memref<16384x128xf32, #tpu.memory_space<hbm>> -> memref<128x128xf32, #tpu.memory_space<hbm>>
    tpu.enqueue_dma source(%arg17 : memref<128x128xf32, #tpu.memory_space<vmem>>) target(%dma_start3A_130 : memref<128x128xf32, #tpu.memory_space<hbm>>) target_semaphore(%arg34 : memref<!tpu.dma_semaphore, #tpu.memory_space<semaphore_mem>>)
    %add3A_131 = arith.constant 128 : i32
    %add3A_132 = arith.addi %mul3A_2, %add3A_131 : i32
    %dma_start3A_133 = arith.constant 0 : i32
    %dma_start3A_134 = tpu.memref_slice %arg9[%add3A_132, %dma_start3A_133] : memref<16384x128xf32, #tpu.memory_space<hbm>> -> memref<128x128xf32, #tpu.memory_space<hbm>>
    %dma_start3A_135 = arith.constant 0 : i32
    %dma_start3A_136 = tpu.memref_slice %arg9[%add3A_132, %dma_start3A_135] : memref<16384x128xf32, #tpu.memory_space<hbm>> -> memref<128x128xf32, #tpu.memory_space<hbm>>
    tpu.enqueue_dma source(%arg18 : memref<128x128xf32, #tpu.memory_space<vmem>>) target(%dma_start3A_136 : memref<128x128xf32, #tpu.memory_space<hbm>>) target_semaphore(%arg35 : memref<!tpu.dma_semaphore, #tpu.memory_space<semaphore_mem>>)
    %add3A_137 = arith.constant 128 : i32
    %add3A_138 = arith.addi %mul3A_2, %add3A_137 : i32
    %dma_start3A_139 = arith.constant 0 : i32
    %dma_start3A_140 = tpu.memref_slice %arg10[%add3A_138, %dma_start3A_139] : memref<16384x128xf32, #tpu.memory_space<hbm>> -> memref<128x128xf32, #tpu.memory_space<hbm>>
    %dma_start3A_141 = arith.constant 0 : i32
    %dma_start3A_142 = tpu.memref_slice %arg10[%add3A_138, %dma_start3A_141] : memref<16384x128xf32, #tpu.memory_space<hbm>> -> memref<128x128xf32, #tpu.memory_space<hbm>>
    tpu.enqueue_dma source(%arg19 : memref<128x128xf32, #tpu.memory_space<vmem>>) target(%dma_start3A_142 : memref<128x128xf32, #tpu.memory_space<hbm>>) target_semaphore(%arg36 : memref<!tpu.dma_semaphore, #tpu.memory_space<semaphore_mem>>)
    %parallel_loop3A_143 = arith.constant 0 : i32
    %parallel_loop3A_144 = arith.constant 128 : i32
    %parallel_loop3A_145 = arith.constant 1 : i32
    scf.for %parallel_loop3A_287 = %parallel_loop3A_143 to %parallel_loop3A_144 step %parallel_loop3A_145  : i32 {
      %parallel_loop3A_288 = arith.constant 0.000000e+00 : f32
      %parallel_loop3A_289 = vector.broadcast %parallel_loop3A_288 : f32 to vector<16xf32>
      %parallel_loop3A_290 = arith.index_cast %parallel_loop3A_287 : i32 to index
      %parallel_loop3A_291 = arith.constant 0 : index
      %parallel_loop3A_292 = tpu.vector_load %arg17[%parallel_loop3A_290, %parallel_loop3A_291] {strides = array<i32>} : memref<128x128xf32, #tpu.memory_space<vmem>>, vector<16xf32>,
      %parallel_loop3A_293 = arith.index_cast %parallel_loop3A_287 : i32 to index
      %parallel_loop3A_294 = arith.constant 0 : index
      %parallel_loop3A_295 = tpu.vector_load %arg18[%parallel_loop3A_293, %parallel_loop3A_294] {strides = array<i32>} : memref<128x128xf32, #tpu.memory_space<vmem>>, vector<16xf32>,
      %parallel_loop3A_296 = arith.index_cast %parallel_loop3A_287 : i32 to index
      %parallel_loop3A_297 = arith.constant 0 : index
      %parallel_loop3A_298 = tpu.vector_load %arg19[%parallel_loop3A_296, %parallel_loop3A_297] {strides = array<i32>} : memref<128x128xf32, #tpu.memory_space<vmem>>, vector<16xf32>,
      %parallel_loop3A_299 = arith.subf %parallel_loop3A_295, %parallel_loop3A_298 : vector<16xf32>
      %parallel_loop3A_300 = arith.mulf %parallel_loop3A_292, %parallel_loop3A_299 : vector<16xf32>
      %parallel_loop3A_301 = arith.addf %parallel_loop3A_289, %parallel_loop3A_300 : vector<16xf32>
      %parallel_loop3A_302 = arith.index_cast %parallel_loop3A_287 : i32 to index
      %parallel_loop3A_303 = arith.constant 16 : index
      %parallel_loop3A_304 = tpu.vector_load %arg17[%parallel_loop3A_302, %parallel_loop3A_303] {strides = array<i32>} : memref<128x128xf32, #tpu.memory_space<vmem>>, vector<16xf32>,
      %parallel_loop3A_305 = arith.index_cast %parallel_loop3A_287 : i32 to index
      %parallel_loop3A_306 = arith.constant 16 : index
      %parallel_loop3A_307 = tpu.vector_load %arg18[%parallel_loop3A_305, %parallel_loop3A_306] {strides = array<i32>} : memref<128x128xf32, #tpu.memory_space<vmem>>, vector<16xf32>,
      %parallel_loop3A_308 = arith.index_cast %parallel_loop3A_287 : i32 to index
      %parallel_loop3A_309 = arith.constant 16 : index
      %parallel_loop3A_310 = tpu.vector_load %arg19[%parallel_loop3A_308, %parallel_loop3A_309] {strides = array<i32>} : memref<128x128xf32, #tpu.memory_space<vmem>>, vector<16xf32>,
      %parallel_loop3A_311 = arith.subf %parallel_loop3A_307, %parallel_loop3A_310 : vector<16xf32>
      %parallel_loop3A_312 = arith.mulf %parallel_loop3A_304, %parallel_loop3A_311 : vector<16xf32>
      %parallel_loop3A_313 = arith.addf %parallel_loop3A_301, %parallel_loop3A_312 : vector<16xf32>
      %parallel_loop3A_314 = arith.index_cast %parallel_loop3A_287 : i32 to index
      %parallel_loop3A_315 = arith.constant 32 : index
      %parallel_loop3A_316 = tpu.vector_load %arg17[%parallel_loop3A_314, %parallel_loop3A_315] {strides = array<i32>} : memref<128x128xf32, #tpu.memory_space<vmem>>, vector<16xf32>,
      %parallel_loop3A_317 = arith.index_cast %parallel_loop3A_287 : i32 to index
      %parallel_loop3A_318 = arith.constant 32 : index
      %parallel_loop3A_319 = tpu.vector_load %arg18[%parallel_loop3A_317, %parallel_loop3A_318] {strides = array<i32>} : memref<128x128xf32, #tpu.memory_space<vmem>>, vector<16xf32>,
      %parallel_loop3A_320 = arith.index_cast %parallel_loop3A_287 : i32 to index
      %parallel_loop3A_321 = arith.constant 32 : index
      %parallel_loop3A_322 = tpu.vector_load %arg19[%parallel_loop3A_320, %parallel_loop3A_321] {strides = array<i32>} : memref<128x128xf32, #tpu.memory_space<vmem>>, vector<16xf32>,
      %parallel_loop3A_323 = arith.subf %parallel_loop3A_319, %parallel_loop3A_322 : vector<16xf32>
      %parallel_loop3A_324 = arith.mulf %parallel_loop3A_316, %parallel_loop3A_323 : vector<16xf32>
      %parallel_loop3A_325 = arith.addf %parallel_loop3A_313, %parallel_loop3A_324 : vector<16xf32>
      %parallel_loop3A_326 = arith.index_cast %parallel_loop3A_287 : i32 to index
      %parallel_loop3A_327 = arith.constant 48 : index
      %parallel_loop3A_328 = tpu.vector_load %arg17[%parallel_loop3A_326, %parallel_loop3A_327] {strides = array<i32>} : memref<128x128xf32, #tpu.memory_space<vmem>>, vector<16xf32>,
      %parallel_loop3A_329 = arith.index_cast %parallel_loop3A_287 : i32 to index
      %parallel_loop3A_330 = arith.constant 48 : index
      %parallel_loop3A_331 = tpu.vector_load %arg18[%parallel_loop3A_329, %parallel_loop3A_330] {strides = array<i32>} : memref<128x128xf32, #tpu.memory_space<vmem>>, vector<16xf32>,
      %parallel_loop3A_332 = arith.index_cast %parallel_loop3A_287 : i32 to index
      %parallel_loop3A_333 = arith.constant 48 : index
      %parallel_loop3A_334 = tpu.vector_load %arg19[%parallel_loop3A_332, %parallel_loop3A_333] {strides = array<i32>} : memref<128x128xf32, #tpu.memory_space<vmem>>, vector<16xf32>,
      %parallel_loop3A_335 = arith.subf %parallel_loop3A_331, %parallel_loop3A_334 : vector<16xf32>
      %parallel_loop3A_336 = arith.mulf %parallel_loop3A_328, %parallel_loop3A_335 : vector<16xf32>
      %parallel_loop3A_337 = arith.addf %parallel_loop3A_325, %parallel_loop3A_336 : vector<16xf32>
      %parallel_loop3A_338 = arith.index_cast %parallel_loop3A_287 : i32 to index
      %parallel_loop3A_339 = arith.constant 64 : index
      %parallel_loop3A_340 = tpu.vector_load %arg17[%parallel_loop3A_338, %parallel_loop3A_339] {strides = array<i32>} : memref<128x128xf32, #tpu.memory_space<vmem>>, vector<16xf32>,
      %parallel_loop3A_341 = arith.index_cast %parallel_loop3A_287 : i32 to index
      %parallel_loop3A_342 = arith.constant 64 : index
      %parallel_loop3A_343 = tpu.vector_load %arg18[%parallel_loop3A_341, %parallel_loop3A_342] {strides = array<i32>} : memref<128x128xf32, #tpu.memory_space<vmem>>, vector<16xf32>,
      %parallel_loop3A_344 = arith.index_cast %parallel_loop3A_287 : i32 to index
      %parallel_loop3A_345 = arith.constant 64 : index
      %parallel_loop3A_346 = tpu.vector_load %arg19[%parallel_loop3A_344, %parallel_loop3A_345] {strides = array<i32>} : memref<128x128xf32, #tpu.memory_space<vmem>>, vector<16xf32>,
      %parallel_loop3A_347 = arith.subf %parallel_loop3A_343, %parallel_loop3A_346 : vector<16xf32>
      %parallel_loop3A_348 = arith.mulf %parallel_loop3A_340, %parallel_loop3A_347 : vector<16xf32>
      %parallel_loop3A_349 = arith.addf %parallel_loop3A_337, %parallel_loop3A_348 : vector<16xf32>
      %parallel_loop3A_350 = arith.index_cast %parallel_loop3A_287 : i32 to index
      %parallel_loop3A_351 = arith.constant 80 : index
      %parallel_loop3A_352 = tpu.vector_load %arg17[%parallel_loop3A_350, %parallel_loop3A_351] {strides = array<i32>} : memref<128x128xf32, #tpu.memory_space<vmem>>, vector<16xf32>,
      %parallel_loop3A_353 = arith.index_cast %parallel_loop3A_287 : i32 to index
      %parallel_loop3A_354 = arith.constant 80 : index
      %parallel_loop3A_355 = tpu.vector_load %arg18[%parallel_loop3A_353, %parallel_loop3A_354] {strides = array<i32>} : memref<128x128xf32, #tpu.memory_space<vmem>>, vector<16xf32>,
      %parallel_loop3A_356 = arith.index_cast %parallel_loop3A_287 : i32 to index
      %parallel_loop3A_357 = arith.constant 80 : index
      %parallel_loop3A_358 = tpu.vector_load %arg19[%parallel_loop3A_356, %parallel_loop3A_357] {strides = array<i32>} : memref<128x128xf32, #tpu.memory_space<vmem>>, vector<16xf32>,
      %parallel_loop3A_359 = arith.subf %parallel_loop3A_355, %parallel_loop3A_358 : vector<16xf32>
      %parallel_loop3A_360 = arith.mulf %parallel_loop3A_352, %parallel_loop3A_359 : vector<16xf32>
      %parallel_loop3A_361 = arith.addf %parallel_loop3A_349, %parallel_loop3A_360 : vector<16xf32>
      %parallel_loop3A_362 = arith.index_cast %parallel_loop3A_287 : i32 to index
      %parallel_loop3A_363 = arith.constant 96 : index
      %parallel_loop3A_364 = tpu.vector_load %arg17[%parallel_loop3A_362, %parallel_loop3A_363] {strides = array<i32>} : memref<128x128xf32, #tpu.memory_space<vmem>>, vector<16xf32>,
      %parallel_loop3A_365 = arith.index_cast %parallel_loop3A_287 : i32 to index
      %parallel_loop3A_366 = arith.constant 96 : index
      %parallel_loop3A_367 = tpu.vector_load %arg18[%parallel_loop3A_365, %parallel_loop3A_366] {strides = array<i32>} : memref<128x128xf32, #tpu.memory_space<vmem>>, vector<16xf32>,
      %parallel_loop3A_368 = arith.index_cast %parallel_loop3A_287 : i32 to index
      %parallel_loop3A_369 = arith.constant 96 : index
      %parallel_loop3A_370 = tpu.vector_load %arg19[%parallel_loop3A_368, %parallel_loop3A_369] {strides = array<i32>} : memref<128x128xf32, #tpu.memory_space<vmem>>, vector<16xf32>,
      %parallel_loop3A_371 = arith.subf %parallel_loop3A_367, %parallel_loop3A_370 : vector<16xf32>
      %parallel_loop3A_372 = arith.mulf %parallel_loop3A_364, %parallel_loop3A_371 : vector<16xf32>
      %parallel_loop3A_373 = arith.addf %parallel_loop3A_361, %parallel_loop3A_372 : vector<16xf32>
      %parallel_loop3A_374 = arith.index_cast %parallel_loop3A_287 : i32 to index
      %parallel_loop3A_375 = arith.constant 112 : index
      %parallel_loop3A_376 = tpu.vector_load %arg17[%parallel_loop3A_374, %parallel_loop3A_375] {strides = array<i32>} : memref<128x128xf32, #tpu.memory_space<vmem>>, vector<16xf32>,
      %parallel_loop3A_377 = arith.index_cast %parallel_loop3A_287 : i32 to index
      %parallel_loop3A_378 = arith.constant 112 : index
      %parallel_loop3A_379 = tpu.vector_load %arg18[%parallel_loop3A_377, %parallel_loop3A_378] {strides = array<i32>} : memref<128x128xf32, #tpu.memory_space<vmem>>, vector<16xf32>,
      %parallel_loop3A_380 = arith.index_cast %parallel_loop3A_287 : i32 to index
      %parallel_loop3A_381 = arith.constant 112 : index
      %parallel_loop3A_382 = tpu.vector_load %arg19[%parallel_loop3A_380, %parallel_loop3A_381] {strides = array<i32>} : memref<128x128xf32, #tpu.memory_space<vmem>>, vector<16xf32>,
      %parallel_loop3A_383 = arith.subf %parallel_loop3A_379, %parallel_loop3A_382 : vector<16xf32>
      %parallel_loop3A_384 = arith.mulf %parallel_loop3A_376, %parallel_loop3A_383 : vector<16xf32>
      %parallel_loop3A_385 = arith.addf %parallel_loop3A_373, %parallel_loop3A_384 : vector<16xf32>
      %parallel_loop3A_386 = vector.broadcast %parallel_loop3A_287 : i32 to vector<16xi32>
      tpu.vector_store_idx %arg20[%iota3A, %parallel_loop3A_386], %parallel_loop3A_385 : memref<16x128xf32, #tpu.memory_space<vmem>>[vector<16xi32>, vector<16xi32>], vector<16xf32>,
    } {sc.loop_unroll_factor = 2 : i64, sc.parallel_access}
    %scan3A_146 = arith.constant 0 : i32
    %scan3A_147 = arith.constant 0 : i32
    %scan3A_148 = arith.constant 8 : i32
    %scan3A_149 = arith.addi %scan3A_147, %scan3A_148 : i32
    %scan3A_150 = arith.constant 1 : i32
    scf.for %scan3A_287 = %scan3A_147 to %scan3A_149 step %scan3A_150  : i32 {
      %broadcast_in_dim3A = arith.constant 0.000000e+00 : f32
      %broadcast_in_dim3A_288 = vector.broadcast %broadcast_in_dim3A : f32 to vector<16xf32>
      %mul3A_289 = arith.constant 16 : i32
      %mul3A_290 = arith.muli %scan3A_287, %mul3A_289 : i32
      %get3A = arith.constant 0 : i32
      %get3A_291 = arith.index_cast %get3A : i32 to index
      %get3A_292 = arith.index_cast %mul3A_290 : i32 to index
      %get3A_293 = tpu.vector_load %arg20[%get3A_291, %get3A_292] {strides = array<i32>} : memref<16x128xf32, #tpu.memory_space<vmem>>, vector<16xf32>,
      %add3A_294 = arith.addf %broadcast_in_dim3A_288, %get3A_293 : vector<16xf32>
      %mul3A_295 = arith.constant 16 : i32
      %mul3A_296 = arith.muli %scan3A_287, %mul3A_295 : i32
      %get3A_297 = arith.constant 1 : i32
      %get3A_298 = arith.index_cast %get3A_297 : i32 to index
      %get3A_299 = arith.index_cast %mul3A_296 : i32 to index
      %get3A_300 = tpu.vector_load %arg20[%get3A_298, %get3A_299] {strides = array<i32>} : memref<16x128xf32, #tpu.memory_space<vmem>>, vector<16xf32>,
      %add3A_301 = arith.addf %add3A_294, %get3A_300 : vector<16xf32>
      %mul3A_302 = arith.constant 16 : i32
      %mul3A_303 = arith.muli %scan3A_287, %mul3A_302 : i32
      %get3A_304 = arith.constant 2 : i32
      %get3A_305 = arith.index_cast %get3A_304 : i32 to index
      %get3A_306 = arith.index_cast %mul3A_303 : i32 to index
      %get3A_307 = tpu.vector_load %arg20[%get3A_305, %get3A_306] {strides = array<i32>} : memref<16x128xf32, #tpu.memory_space<vmem>>, vector<16xf32>,
      %add3A_308 = arith.addf %add3A_301, %get3A_307 : vector<16xf32>
      %mul3A_309 = arith.constant 16 : i32
      %mul3A_310 = arith.muli %scan3A_287, %mul3A_309 : i32
      %get3A_311 = arith.constant 3 : i32
      %get3A_312 = arith.index_cast %get3A_311 : i32 to index
      %get3A_313 = arith.index_cast %mul3A_310 : i32 to index
      %get3A_314 = tpu.vector_load %arg20[%get3A_312, %get3A_313] {strides = array<i32>} : memref<16x128xf32, #tpu.memory_space<vmem>>, vector<16xf32>,
      %add3A_315 = arith.addf %add3A_308, %get3A_314 : vector<16xf32>
      %mul3A_316 = arith.constant 16 : i32
      %mul3A_317 = arith.muli %scan3A_287, %mul3A_316 : i32
      %get3A_318 = arith.constant 4 : i32
      %get3A_319 = arith.index_cast %get3A_318 : i32 to index
      %get3A_320 = arith.index_cast %mul3A_317 : i32 to index
      %get3A_321 = tpu.vector_load %arg20[%get3A_319, %get3A_320] {strides = array<i32>} : memref<16x128xf32, #tpu.memory_space<vmem>>, vector<16xf32>,
      %add3A_322 = arith.addf %add3A_315, %get3A_321 : vector<16xf32>
      %mul3A_323 = arith.constant 16 : i32
      %mul3A_324 = arith.muli %scan3A_287, %mul3A_323 : i32
      %get3A_325 = arith.constant 5 : i32
      %get3A_326 = arith.index_cast %get3A_325 : i32 to index
      %get3A_327 = arith.index_cast %mul3A_324 : i32 to index
      %get3A_328 = tpu.vector_load %arg20[%get3A_326, %get3A_327] {strides = array<i32>} : memref<16x128xf32, #tpu.memory_space<vmem>>, vector<16xf32>,
      %add3A_329 = arith.addf %add3A_322, %get3A_328 : vector<16xf32>
      %mul3A_330 = arith.constant 16 : i32
      %mul3A_331 = arith.muli %scan3A_287, %mul3A_330 : i32
      %get3A_332 = arith.constant 6 : i32
      %get3A_333 = arith.index_cast %get3A_332 : i32 to index
      %get3A_334 = arith.index_cast %mul3A_331 : i32 to index
      %get3A_335 = tpu.vector_load %arg20[%get3A_333, %get3A_334] {strides = array<i32>} : memref<16x128xf32, #tpu.memory_space<vmem>>, vector<16xf32>,
      %add3A_336 = arith.addf %add3A_329, %get3A_335 : vector<16xf32>
      %mul3A_337 = arith.constant 16 : i32
      %mul3A_338 = arith.muli %scan3A_287, %mul3A_337 : i32
      %get3A_339 = arith.constant 7 : i32
      %get3A_340 = arith.index_cast %get3A_339 : i32 to index
      %get3A_341 = arith.index_cast %mul3A_338 : i32 to index
      %get3A_342 = tpu.vector_load %arg20[%get3A_340, %get3A_341] {strides = array<i32>} : memref<16x128xf32, #tpu.memory_space<vmem>>, vector<16xf32>,
      %add3A_343 = arith.addf %add3A_336, %get3A_342 : vector<16xf32>
      %mul3A_344 = arith.constant 16 : i32
      %mul3A_345 = arith.muli %scan3A_287, %mul3A_344 : i32
      %get3A_346 = arith.constant 8 : i32
      %get3A_347 = arith.index_cast %get3A_346 : i32 to index
      %get3A_348 = arith.index_cast %mul3A_345 : i32 to index
      %get3A_349 = tpu.vector_load %arg20[%get3A_347, %get3A_348] {strides = array<i32>} : memref<16x128xf32, #tpu.memory_space<vmem>>, vector<16xf32>,
      %add3A_350 = arith.addf %add3A_343, %get3A_349 : vector<16xf32>
      %mul3A_351 = arith.constant 16 : i32
      %mul3A_352 = arith.muli %scan3A_287, %mul3A_351 : i32
      %get3A_353 = arith.constant 9 : i32
      %get3A_354 = arith.index_cast %get3A_353 : i32 to index
      %get3A_355 = arith.index_cast %mul3A_352 : i32 to index
      %get3A_356 = tpu.vector_load %arg20[%get3A_354, %get3A_355] {strides = array<i32>} : memref<16x128xf32, #tpu.memory_space<vmem>>, vector<16xf32>,
      %add3A_357 = arith.addf %add3A_350, %get3A_356 : vector<16xf32>
      %mul3A_358 = arith.constant 16 : i32
      %mul3A_359 = arith.muli %scan3A_287, %mul3A_358 : i32
      %get3A_360 = arith.constant 10 : i32
      %get3A_361 = arith.index_cast %get3A_360 : i32 to index
      %get3A_362 = arith.index_cast %mul3A_359 : i32 to index
      %get3A_363 = tpu.vector_load %arg20[%get3A_361, %get3A_362] {strides = array<i32>} : memref<16x128xf32, #tpu.memory_space<vmem>>, vector<16xf32>,
      %add3A_364 = arith.addf %add3A_357, %get3A_363 : vector<16xf32>
      %mul3A_365 = arith.constant 16 : i32
      %mul3A_366 = arith.muli %scan3A_287, %mul3A_365 : i32
      %get3A_367 = arith.constant 11 : i32
      %get3A_368 = arith.index_cast %get3A_367 : i32 to index
      %get3A_369 = arith.index_cast %mul3A_366 : i32 to index
      %get3A_370 = tpu.vector_load %arg20[%get3A_368, %get3A_369] {strides = array<i32>} : memref<16x128xf32, #tpu.memory_space<vmem>>, vector<16xf32>,
      %add3A_371 = arith.addf %add3A_364, %get3A_370 : vector<16xf32>
      %mul3A_372 = arith.constant 16 : i32
      %mul3A_373 = arith.muli %scan3A_287, %mul3A_372 : i32
      %get3A_374 = arith.constant 12 : i32
      %get3A_375 = arith.index_cast %get3A_374 : i32 to index
      %get3A_376 = arith.index_cast %mul3A_373 : i32 to index
      %get3A_377 = tpu.vector_load %arg20[%get3A_375, %get3A_376] {strides = array<i32>} : memref<16x128xf32, #tpu.memory_space<vmem>>, vector<16xf32>,
      %add3A_378 = arith.addf %add3A_371, %get3A_377 : vector<16xf32>
      %mul3A_379 = arith.constant 16 : i32
      %mul3A_380 = arith.muli %scan3A_287, %mul3A_379 : i32
      %get3A_381 = arith.constant 13 : i32
      %get3A_382 = arith.index_cast %get3A_381 : i32 to index
      %get3A_383 = arith.index_cast %mul3A_380 : i32 to index
      %get3A_384 = tpu.vector_load %arg20[%get3A_382, %get3A_383] {strides = array<i32>} : memref<16x128xf32, #tpu.memory_space<vmem>>, vector<16xf32>,
      %add3A_385 = arith.addf %add3A_378, %get3A_384 : vector<16xf32>
      %mul3A_386 = arith.constant 16 : i32
      %mul3A_387 = arith.muli %scan3A_287, %mul3A_386 : i32
      %get3A_388 = arith.constant 14 : i32
      %get3A_389 = arith.index_cast %get3A_388 : i32 to index
      %get3A_390 = arith.index_cast %mul3A_387 : i32 to index
      %get3A_391 = tpu.vector_load %arg20[%get3A_389, %get3A_390] {strides = array<i32>} : memref<16x128xf32, #tpu.memory_space<vmem>>, vector<16xf32>,
      %add3A_392 = arith.addf %add3A_385, %get3A_391 : vector<16xf32>
      %mul3A_393 = arith.constant 16 : i32
      %mul3A_394 = arith.muli %scan3A_287, %mul3A_393 : i32
      %get3A_395 = arith.constant 15 : i32
      %get3A_396 = arith.index_cast %get3A_395 : i32 to index
      %get3A_397 = arith.index_cast %mul3A_394 : i32 to index
      %get3A_398 = tpu.vector_load %arg20[%get3A_396, %get3A_397] {strides = array<i32>} : memref<16x128xf32, #tpu.memory_space<vmem>>, vector<16xf32>,
      %add3A_399 = arith.addf %add3A_392, %get3A_398 : vector<16xf32>
      %mul3A_400 = arith.constant 16 : i32
      %mul3A_401 = arith.muli %scan3A_287, %mul3A_400 : i32
      %add3A_402 = arith.constant 128 : i32
      %add3A_403 = arith.addi %add3A_402, %mul3A_401 : i32
      %swap3A = arith.index_cast %add3A_403 : i32 to index
      %swap3A_404 = tpu.vector_load %arg21[%swap3A] {strides = array<i32>} : memref<512xf32, #tpu.memory_space<vmem>>, vector<16xf32>,
      tpu.vector_store %arg21[%swap3A], %add3A_399 {strides = array<i32>} : memref<512xf32, #tpu.memory_space<vmem>>, vector<16xf32>,
    }
    %scan3A_151 = arith.constant 8 : i32
    %dma_wait3A_152 = arith.constant 0 : i32
    %dma_wait3A_153 = tpu.memref_slice %arg8[%add3A_126, %dma_wait3A_152] : memref<16384x128xf32, #tpu.memory_space<hbm>> -> memref<128x128xf32, #tpu.memory_space<hbm>>
    %dma_wait3A_154 = arith.constant 0 : i32
    %dma_wait3A_155 = tpu.memref_slice %arg8[%add3A_126, %dma_wait3A_154] : memref<16384x128xf32, #tpu.memory_space<hbm>> -> memref<128x128xf32, #tpu.memory_space<hbm>>
    tpu.wait_dma2 semaphore(%arg34 : memref<!tpu.dma_semaphore, #tpu.memory_space<semaphore_mem>>) src(%arg17 : memref<128x128xf32, #tpu.memory_space<vmem>>) dst(%dma_wait3A_155 : memref<128x128xf32, #tpu.memory_space<hbm>>)
    %dma_wait3A_156 = arith.constant 0 : i32
    %dma_wait3A_157 = tpu.memref_slice %arg9[%add3A_132, %dma_wait3A_156] : memref<16384x128xf32, #tpu.memory_space<hbm>> -> memref<128x128xf32, #tpu.memory_space<hbm>>
    %dma_wait3A_158 = arith.constant 0 : i32
    %dma_wait3A_159 = tpu.memref_slice %arg9[%add3A_132, %dma_wait3A_158] : memref<16384x128xf32, #tpu.memory_space<hbm>> -> memref<128x128xf32, #tpu.memory_space<hbm>>
    tpu.wait_dma2 semaphore(%arg35 : memref<!tpu.dma_semaphore, #tpu.memory_space<semaphore_mem>>) src(%arg18 : memref<128x128xf32, #tpu.memory_space<vmem>>) dst(%dma_wait3A_159 : memref<128x128xf32, #tpu.memory_space<hbm>>)
    %dma_wait3A_160 = arith.constant 0 : i32
    %dma_wait3A_161 = tpu.memref_slice %arg10[%add3A_138, %dma_wait3A_160] : memref<16384x128xf32, #tpu.memory_space<hbm>> -> memref<128x128xf32, #tpu.memory_space<hbm>>
    %dma_wait3A_162 = arith.constant 0 : i32
    %dma_wait3A_163 = tpu.memref_slice %arg10[%add3A_138, %dma_wait3A_162] : memref<16384x128xf32, #tpu.memory_space<hbm>> -> memref<128x128xf32, #tpu.memory_space<hbm>>
    tpu.wait_dma2 semaphore(%arg36 : memref<!tpu.dma_semaphore, #tpu.memory_space<semaphore_mem>>) src(%arg19 : memref<128x128xf32, #tpu.memory_space<vmem>>) dst(%dma_wait3A_163 : memref<128x128xf32, #tpu.memory_space<hbm>>)
    %dma_start3A_164 = arith.constant 384 : i32
    %dma_start3A_165 = tpu.memref_slice %arg11[%dma_start3A_164] : memref<512xi32, #tpu.memory_space<vmem>> -> memref<128xi32, #tpu.memory_space<vmem>>
    %dma_start3A_166 = arith.constant 0 : i32
    %dma_start3A_167 = arith.constant 0 : i32
    %dma_start3A_168 = tpu.memref_slice %arg5[%dma_start3A_166, %dma_start3A_167] : memref<100000x128xf32, #tpu.memory_space<hbm>> -> memref<100000x128xf32, #tpu.memory_space<hbm>>
    tpu.enqueue_indirect_dma source(%dma_start3A_168 : memref<100000x128xf32, #tpu.memory_space<hbm>>) target(%arg17 : memref<128x128xf32, #tpu.memory_space<vmem>>) offsets(%dma_start3A_165 : memref<128xi32, #tpu.memory_space<vmem>>) semaphore(%arg28 : memref<!tpu.dma_semaphore, #tpu.memory_space<semaphore_mem>>)
    %dma_start3A_169 = arith.constant 384 : i32
    %dma_start3A_170 = tpu.memref_slice %arg12[%dma_start3A_169] : memref<512xi32, #tpu.memory_space<vmem>> -> memref<128xi32, #tpu.memory_space<vmem>>
    %dma_start3A_171 = arith.constant 0 : i32
    %dma_start3A_172 = arith.constant 0 : i32
    %dma_start3A_173 = tpu.memref_slice %arg6[%dma_start3A_171, %dma_start3A_172] : memref<1000000x128xf32, #tpu.memory_space<hbm>> -> memref<1000000x128xf32, #tpu.memory_space<hbm>>
    tpu.enqueue_indirect_dma source(%dma_start3A_173 : memref<1000000x128xf32, #tpu.memory_space<hbm>>) target(%arg18 : memref<128x128xf32, #tpu.memory_space<vmem>>) offsets(%dma_start3A_170 : memref<128xi32, #tpu.memory_space<vmem>>) semaphore(%arg29 : memref<!tpu.dma_semaphore, #tpu.memory_space<semaphore_mem>>)
    %dma_start3A_174 = arith.constant 384 : i32
    %dma_start3A_175 = tpu.memref_slice %arg13[%dma_start3A_174] : memref<512xi32, #tpu.memory_space<vmem>> -> memref<128xi32, #tpu.memory_space<vmem>>
    %dma_start3A_176 = arith.constant 0 : i32
    %dma_start3A_177 = arith.constant 0 : i32
    %dma_start3A_178 = tpu.memref_slice %arg6[%dma_start3A_176, %dma_start3A_177] : memref<1000000x128xf32, #tpu.memory_space<hbm>> -> memref<1000000x128xf32, #tpu.memory_space<hbm>>
    tpu.enqueue_indirect_dma source(%dma_start3A_178 : memref<1000000x128xf32, #tpu.memory_space<hbm>>) target(%arg19 : memref<128x128xf32, #tpu.memory_space<vmem>>) offsets(%dma_start3A_175 : memref<128xi32, #tpu.memory_space<vmem>>) semaphore(%arg30 : memref<!tpu.dma_semaphore, #tpu.memory_space<semaphore_mem>>)
    %dma_wait3A_179 = arith.constant 256 : i32
    %dma_wait3A_180 = tpu.memref_slice %arg11[%dma_wait3A_179] : memref<512xi32, #tpu.memory_space<vmem>> -> memref<128xi32, #tpu.memory_space<vmem>>
    %dma_wait3A_181 = arith.constant 0 : i32
    %dma_wait3A_182 = arith.constant 0 : i32
    %dma_wait3A_183 = tpu.memref_slice %arg5[%dma_wait3A_181, %dma_wait3A_182] : memref<100000x128xf32, #tpu.memory_space<hbm>> -> memref<100000x128xf32, #tpu.memory_space<hbm>>
    tpu.wait_indirect_dma semaphore(%arg25 : memref<!tpu.dma_semaphore, #tpu.memory_space<semaphore_mem>>) src(%dma_wait3A_183 : memref<100000x128xf32, #tpu.memory_space<hbm>>) dst(%arg14 : memref<128x128xf32, #tpu.memory_space<vmem>>)
    %dma_wait3A_184 = arith.constant 256 : i32
    %dma_wait3A_185 = tpu.memref_slice %arg12[%dma_wait3A_184] : memref<512xi32, #tpu.memory_space<vmem>> -> memref<128xi32, #tpu.memory_space<vmem>>
    %dma_wait3A_186 = arith.constant 0 : i32
    %dma_wait3A_187 = arith.constant 0 : i32
    %dma_wait3A_188 = tpu.memref_slice %arg6[%dma_wait3A_186, %dma_wait3A_187] : memref<1000000x128xf32, #tpu.memory_space<hbm>> -> memref<1000000x128xf32, #tpu.memory_space<hbm>>
    tpu.wait_indirect_dma semaphore(%arg26 : memref<!tpu.dma_semaphore, #tpu.memory_space<semaphore_mem>>) src(%dma_wait3A_188 : memref<1000000x128xf32, #tpu.memory_space<hbm>>) dst(%arg15 : memref<128x128xf32, #tpu.memory_space<vmem>>)
    %dma_wait3A_189 = arith.constant 256 : i32
    %dma_wait3A_190 = tpu.memref_slice %arg13[%dma_wait3A_189] : memref<512xi32, #tpu.memory_space<vmem>> -> memref<128xi32, #tpu.memory_space<vmem>>
    %dma_wait3A_191 = arith.constant 0 : i32
    %dma_wait3A_192 = arith.constant 0 : i32
    %dma_wait3A_193 = tpu.memref_slice %arg6[%dma_wait3A_191, %dma_wait3A_192] : memref<1000000x128xf32, #tpu.memory_space<hbm>> -> memref<1000000x128xf32, #tpu.memory_space<hbm>>
    tpu.wait_indirect_dma semaphore(%arg27 : memref<!tpu.dma_semaphore, #tpu.memory_space<semaphore_mem>>) src(%dma_wait3A_193 : memref<1000000x128xf32, #tpu.memory_space<hbm>>) dst(%arg16 : memref<128x128xf32, #tpu.memory_space<vmem>>)
    %add3A_194 = arith.constant 256 : i32
    %add3A_195 = arith.addi %mul3A_2, %add3A_194 : i32
    %dma_start3A_196 = arith.constant 0 : i32
    %dma_start3A_197 = tpu.memref_slice %arg8[%add3A_195, %dma_start3A_196] : memref<16384x128xf32, #tpu.memory_space<hbm>> -> memref<128x128xf32, #tpu.memory_space<hbm>>
    %dma_start3A_198 = arith.constant 0 : i32
    %dma_start3A_199 = tpu.memref_slice %arg8[%add3A_195, %dma_start3A_198] : memref<16384x128xf32, #tpu.memory_space<hbm>> -> memref<128x128xf32, #tpu.memory_space<hbm>>
    tpu.enqueue_dma source(%arg14 : memref<128x128xf32, #tpu.memory_space<vmem>>) target(%dma_start3A_199 : memref<128x128xf32, #tpu.memory_space<hbm>>) target_semaphore(%arg31 : memref<!tpu.dma_semaphore, #tpu.memory_space<semaphore_mem>>)
    %add3A_200 = arith.constant 256 : i32
    %add3A_201 = arith.addi %mul3A_2, %add3A_200 : i32
    %dma_start3A_202 = arith.constant 0 : i32
    %dma_start3A_203 = tpu.memref_slice %arg9[%add3A_201, %dma_start3A_202] : memref<16384x128xf32, #tpu.memory_space<hbm>> -> memref<128x128xf32, #tpu.memory_space<hbm>>
    %dma_start3A_204 = arith.constant 0 : i32
    %dma_start3A_205 = tpu.memref_slice %arg9[%add3A_201, %dma_start3A_204] : memref<16384x128xf32, #tpu.memory_space<hbm>> -> memref<128x128xf32, #tpu.memory_space<hbm>>
    tpu.enqueue_dma source(%arg15 : memref<128x128xf32, #tpu.memory_space<vmem>>) target(%dma_start3A_205 : memref<128x128xf32, #tpu.memory_space<hbm>>) target_semaphore(%arg32 : memref<!tpu.dma_semaphore, #tpu.memory_space<semaphore_mem>>)
    %add3A_206 = arith.constant 256 : i32
    %add3A_207 = arith.addi %mul3A_2, %add3A_206 : i32
    %dma_start3A_208 = arith.constant 0 : i32
    %dma_start3A_209 = tpu.memref_slice %arg10[%add3A_207, %dma_start3A_208] : memref<16384x128xf32, #tpu.memory_space<hbm>> -> memref<128x128xf32, #tpu.memory_space<hbm>>
    %dma_start3A_210 = arith.constant 0 : i32
    %dma_start3A_211 = tpu.memref_slice %arg10[%add3A_207, %dma_start3A_210] : memref<16384x128xf32, #tpu.memory_space<hbm>> -> memref<128x128xf32, #tpu.memory_space<hbm>>
    tpu.enqueue_dma source(%arg16 : memref<128x128xf32, #tpu.memory_space<vmem>>) target(%dma_start3A_211 : memref<128x128xf32, #tpu.memory_space<hbm>>) target_semaphore(%arg33 : memref<!tpu.dma_semaphore, #tpu.memory_space<semaphore_mem>>)
    %parallel_loop3A_212 = arith.constant 0 : i32
    %parallel_loop3A_213 = arith.constant 128 : i32
    %parallel_loop3A_214 = arith.constant 1 : i32
    scf.for %parallel_loop3A_287 = %parallel_loop3A_212 to %parallel_loop3A_213 step %parallel_loop3A_214  : i32 {
      %parallel_loop3A_288 = arith.constant 0.000000e+00 : f32
      %parallel_loop3A_289 = vector.broadcast %parallel_loop3A_288 : f32 to vector<16xf32>
      %parallel_loop3A_290 = arith.index_cast %parallel_loop3A_287 : i32 to index
      %parallel_loop3A_291 = arith.constant 0 : index
      %parallel_loop3A_292 = tpu.vector_load %arg14[%parallel_loop3A_290, %parallel_loop3A_291] {strides = array<i32>} : memref<128x128xf32, #tpu.memory_space<vmem>>, vector<16xf32>,
      %parallel_loop3A_293 = arith.index_cast %parallel_loop3A_287 : i32 to index
      %parallel_loop3A_294 = arith.constant 0 : index
      %parallel_loop3A_295 = tpu.vector_load %arg15[%parallel_loop3A_293, %parallel_loop3A_294] {strides = array<i32>} : memref<128x128xf32, #tpu.memory_space<vmem>>, vector<16xf32>,
      %parallel_loop3A_296 = arith.index_cast %parallel_loop3A_287 : i32 to index
      %parallel_loop3A_297 = arith.constant 0 : index
      %parallel_loop3A_298 = tpu.vector_load %arg16[%parallel_loop3A_296, %parallel_loop3A_297] {strides = array<i32>} : memref<128x128xf32, #tpu.memory_space<vmem>>, vector<16xf32>,
      %parallel_loop3A_299 = arith.subf %parallel_loop3A_295, %parallel_loop3A_298 : vector<16xf32>
      %parallel_loop3A_300 = arith.mulf %parallel_loop3A_292, %parallel_loop3A_299 : vector<16xf32>
      %parallel_loop3A_301 = arith.addf %parallel_loop3A_289, %parallel_loop3A_300 : vector<16xf32>
      %parallel_loop3A_302 = arith.index_cast %parallel_loop3A_287 : i32 to index
      %parallel_loop3A_303 = arith.constant 16 : index
      %parallel_loop3A_304 = tpu.vector_load %arg14[%parallel_loop3A_302, %parallel_loop3A_303] {strides = array<i32>} : memref<128x128xf32, #tpu.memory_space<vmem>>, vector<16xf32>,
      %parallel_loop3A_305 = arith.index_cast %parallel_loop3A_287 : i32 to index
      %parallel_loop3A_306 = arith.constant 16 : index
      %parallel_loop3A_307 = tpu.vector_load %arg15[%parallel_loop3A_305, %parallel_loop3A_306] {strides = array<i32>} : memref<128x128xf32, #tpu.memory_space<vmem>>, vector<16xf32>,
      %parallel_loop3A_308 = arith.index_cast %parallel_loop3A_287 : i32 to index
      %parallel_loop3A_309 = arith.constant 16 : index
      %parallel_loop3A_310 = tpu.vector_load %arg16[%parallel_loop3A_308, %parallel_loop3A_309] {strides = array<i32>} : memref<128x128xf32, #tpu.memory_space<vmem>>, vector<16xf32>,
      %parallel_loop3A_311 = arith.subf %parallel_loop3A_307, %parallel_loop3A_310 : vector<16xf32>
      %parallel_loop3A_312 = arith.mulf %parallel_loop3A_304, %parallel_loop3A_311 : vector<16xf32>
      %parallel_loop3A_313 = arith.addf %parallel_loop3A_301, %parallel_loop3A_312 : vector<16xf32>
      %parallel_loop3A_314 = arith.index_cast %parallel_loop3A_287 : i32 to index
      %parallel_loop3A_315 = arith.constant 32 : index
      %parallel_loop3A_316 = tpu.vector_load %arg14[%parallel_loop3A_314, %parallel_loop3A_315] {strides = array<i32>} : memref<128x128xf32, #tpu.memory_space<vmem>>, vector<16xf32>,
      %parallel_loop3A_317 = arith.index_cast %parallel_loop3A_287 : i32 to index
      %parallel_loop3A_318 = arith.constant 32 : index
      %parallel_loop3A_319 = tpu.vector_load %arg15[%parallel_loop3A_317, %parallel_loop3A_318] {strides = array<i32>} : memref<128x128xf32, #tpu.memory_space<vmem>>, vector<16xf32>,
      %parallel_loop3A_320 = arith.index_cast %parallel_loop3A_287 : i32 to index
      %parallel_loop3A_321 = arith.constant 32 : index
      %parallel_loop3A_322 = tpu.vector_load %arg16[%parallel_loop3A_320, %parallel_loop3A_321] {strides = array<i32>} : memref<128x128xf32, #tpu.memory_space<vmem>>, vector<16xf32>,
      %parallel_loop3A_323 = arith.subf %parallel_loop3A_319, %parallel_loop3A_322 : vector<16xf32>
      %parallel_loop3A_324 = arith.mulf %parallel_loop3A_316, %parallel_loop3A_323 : vector<16xf32>
      %parallel_loop3A_325 = arith.addf %parallel_loop3A_313, %parallel_loop3A_324 : vector<16xf32>
      %parallel_loop3A_326 = arith.index_cast %parallel_loop3A_287 : i32 to index
      %parallel_loop3A_327 = arith.constant 48 : index
      %parallel_loop3A_328 = tpu.vector_load %arg14[%parallel_loop3A_326, %parallel_loop3A_327] {strides = array<i32>} : memref<128x128xf32, #tpu.memory_space<vmem>>, vector<16xf32>,
      %parallel_loop3A_329 = arith.index_cast %parallel_loop3A_287 : i32 to index
      %parallel_loop3A_330 = arith.constant 48 : index
      %parallel_loop3A_331 = tpu.vector_load %arg15[%parallel_loop3A_329, %parallel_loop3A_330] {strides = array<i32>} : memref<128x128xf32, #tpu.memory_space<vmem>>, vector<16xf32>,
      %parallel_loop3A_332 = arith.index_cast %parallel_loop3A_287 : i32 to index
      %parallel_loop3A_333 = arith.constant 48 : index
      %parallel_loop3A_334 = tpu.vector_load %arg16[%parallel_loop3A_332, %parallel_loop3A_333] {strides = array<i32>} : memref<128x128xf32, #tpu.memory_space<vmem>>, vector<16xf32>,
      %parallel_loop3A_335 = arith.subf %parallel_loop3A_331, %parallel_loop3A_334 : vector<16xf32>
      %parallel_loop3A_336 = arith.mulf %parallel_loop3A_328, %parallel_loop3A_335 : vector<16xf32>
      %parallel_loop3A_337 = arith.addf %parallel_loop3A_325, %parallel_loop3A_336 : vector<16xf32>
      %parallel_loop3A_338 = arith.index_cast %parallel_loop3A_287 : i32 to index
      %parallel_loop3A_339 = arith.constant 64 : index
      %parallel_loop3A_340 = tpu.vector_load %arg14[%parallel_loop3A_338, %parallel_loop3A_339] {strides = array<i32>} : memref<128x128xf32, #tpu.memory_space<vmem>>, vector<16xf32>,
      %parallel_loop3A_341 = arith.index_cast %parallel_loop3A_287 : i32 to index
      %parallel_loop3A_342 = arith.constant 64 : index
      %parallel_loop3A_343 = tpu.vector_load %arg15[%parallel_loop3A_341, %parallel_loop3A_342] {strides = array<i32>} : memref<128x128xf32, #tpu.memory_space<vmem>>, vector<16xf32>,
      %parallel_loop3A_344 = arith.index_cast %parallel_loop3A_287 : i32 to index
      %parallel_loop3A_345 = arith.constant 64 : index
      %parallel_loop3A_346 = tpu.vector_load %arg16[%parallel_loop3A_344, %parallel_loop3A_345] {strides = array<i32>} : memref<128x128xf32, #tpu.memory_space<vmem>>, vector<16xf32>,
      %parallel_loop3A_347 = arith.subf %parallel_loop3A_343, %parallel_loop3A_346 : vector<16xf32>
      %parallel_loop3A_348 = arith.mulf %parallel_loop3A_340, %parallel_loop3A_347 : vector<16xf32>
      %parallel_loop3A_349 = arith.addf %parallel_loop3A_337, %parallel_loop3A_348 : vector<16xf32>
      %parallel_loop3A_350 = arith.index_cast %parallel_loop3A_287 : i32 to index
      %parallel_loop3A_351 = arith.constant 80 : index
      %parallel_loop3A_352 = tpu.vector_load %arg14[%parallel_loop3A_350, %parallel_loop3A_351] {strides = array<i32>} : memref<128x128xf32, #tpu.memory_space<vmem>>, vector<16xf32>,
      %parallel_loop3A_353 = arith.index_cast %parallel_loop3A_287 : i32 to index
      %parallel_loop3A_354 = arith.constant 80 : index
      %parallel_loop3A_355 = tpu.vector_load %arg15[%parallel_loop3A_353, %parallel_loop3A_354] {strides = array<i32>} : memref<128x128xf32, #tpu.memory_space<vmem>>, vector<16xf32>,
      %parallel_loop3A_356 = arith.index_cast %parallel_loop3A_287 : i32 to index
      %parallel_loop3A_357 = arith.constant 80 : index
      %parallel_loop3A_358 = tpu.vector_load %arg16[%parallel_loop3A_356, %parallel_loop3A_357] {strides = array<i32>} : memref<128x128xf32, #tpu.memory_space<vmem>>, vector<16xf32>,
      %parallel_loop3A_359 = arith.subf %parallel_loop3A_355, %parallel_loop3A_358 : vector<16xf32>
      %parallel_loop3A_360 = arith.mulf %parallel_loop3A_352, %parallel_loop3A_359 : vector<16xf32>
      %parallel_loop3A_361 = arith.addf %parallel_loop3A_349, %parallel_loop3A_360 : vector<16xf32>
      %parallel_loop3A_362 = arith.index_cast %parallel_loop3A_287 : i32 to index
      %parallel_loop3A_363 = arith.constant 96 : index
      %parallel_loop3A_364 = tpu.vector_load %arg14[%parallel_loop3A_362, %parallel_loop3A_363] {strides = array<i32>} : memref<128x128xf32, #tpu.memory_space<vmem>>, vector<16xf32>,
      %parallel_loop3A_365 = arith.index_cast %parallel_loop3A_287 : i32 to index
      %parallel_loop3A_366 = arith.constant 96 : index
      %parallel_loop3A_367 = tpu.vector_load %arg15[%parallel_loop3A_365, %parallel_loop3A_366] {strides = array<i32>} : memref<128x128xf32, #tpu.memory_space<vmem>>, vector<16xf32>,
      %parallel_loop3A_368 = arith.index_cast %parallel_loop3A_287 : i32 to index
      %parallel_loop3A_369 = arith.constant 96 : index
      %parallel_loop3A_370 = tpu.vector_load %arg16[%parallel_loop3A_368, %parallel_loop3A_369] {strides = array<i32>} : memref<128x128xf32, #tpu.memory_space<vmem>>, vector<16xf32>,
      %parallel_loop3A_371 = arith.subf %parallel_loop3A_367, %parallel_loop3A_370 : vector<16xf32>
      %parallel_loop3A_372 = arith.mulf %parallel_loop3A_364, %parallel_loop3A_371 : vector<16xf32>
      %parallel_loop3A_373 = arith.addf %parallel_loop3A_361, %parallel_loop3A_372 : vector<16xf32>
      %parallel_loop3A_374 = arith.index_cast %parallel_loop3A_287 : i32 to index
      %parallel_loop3A_375 = arith.constant 112 : index
      %parallel_loop3A_376 = tpu.vector_load %arg14[%parallel_loop3A_374, %parallel_loop3A_375] {strides = array<i32>} : memref<128x128xf32, #tpu.memory_space<vmem>>, vector<16xf32>,
      %parallel_loop3A_377 = arith.index_cast %parallel_loop3A_287 : i32 to index
      %parallel_loop3A_378 = arith.constant 112 : index
      %parallel_loop3A_379 = tpu.vector_load %arg15[%parallel_loop3A_377, %parallel_loop3A_378] {strides = array<i32>} : memref<128x128xf32, #tpu.memory_space<vmem>>, vector<16xf32>,
      %parallel_loop3A_380 = arith.index_cast %parallel_loop3A_287 : i32 to index
      %parallel_loop3A_381 = arith.constant 112 : index
      %parallel_loop3A_382 = tpu.vector_load %arg16[%parallel_loop3A_380, %parallel_loop3A_381] {strides = array<i32>} : memref<128x128xf32, #tpu.memory_space<vmem>>, vector<16xf32>,
      %parallel_loop3A_383 = arith.subf %parallel_loop3A_379, %parallel_loop3A_382 : vector<16xf32>
      %parallel_loop3A_384 = arith.mulf %parallel_loop3A_376, %parallel_loop3A_383 : vector<16xf32>
      %parallel_loop3A_385 = arith.addf %parallel_loop3A_373, %parallel_loop3A_384 : vector<16xf32>
      %parallel_loop3A_386 = vector.broadcast %parallel_loop3A_287 : i32 to vector<16xi32>
      tpu.vector_store_idx %arg20[%iota3A, %parallel_loop3A_386], %parallel_loop3A_385 : memref<16x128xf32, #tpu.memory_space<vmem>>[vector<16xi32>, vector<16xi32>], vector<16xf32>,
    } {sc.loop_unroll_factor = 2 : i64, sc.parallel_access}
    %scan3A_215 = arith.constant 0 : i32
    %scan3A_216 = arith.constant 0 : i32
    %scan3A_217 = arith.constant 8 : i32
    %scan3A_218 = arith.addi %scan3A_216, %scan3A_217 : i32
    %scan3A_219 = arith.constant 1 : i32
    scf.for %scan3A_287 = %scan3A_216 to %scan3A_218 step %scan3A_219  : i32 {
      %broadcast_in_dim3A = arith.constant 0.000000e+00 : f32
      %broadcast_in_dim3A_288 = vector.broadcast %broadcast_in_dim3A : f32 to vector<16xf32>
      %mul3A_289 = arith.constant 16 : i32
      %mul3A_290 = arith.muli %scan3A_287, %mul3A_289 : i32
      %get3A = arith.constant 0 : i32
      %get3A_291 = arith.index_cast %get3A : i32 to index
      %get3A_292 = arith.index_cast %mul3A_290 : i32 to index
      %get3A_293 = tpu.vector_load %arg20[%get3A_291, %get3A_292] {strides = array<i32>} : memref<16x128xf32, #tpu.memory_space<vmem>>, vector<16xf32>,
      %add3A_294 = arith.addf %broadcast_in_dim3A_288, %get3A_293 : vector<16xf32>
      %mul3A_295 = arith.constant 16 : i32
      %mul3A_296 = arith.muli %scan3A_287, %mul3A_295 : i32
      %get3A_297 = arith.constant 1 : i32
      %get3A_298 = arith.index_cast %get3A_297 : i32 to index
      %get3A_299 = arith.index_cast %mul3A_296 : i32 to index
      %get3A_300 = tpu.vector_load %arg20[%get3A_298, %get3A_299] {strides = array<i32>} : memref<16x128xf32, #tpu.memory_space<vmem>>, vector<16xf32>,
      %add3A_301 = arith.addf %add3A_294, %get3A_300 : vector<16xf32>
      %mul3A_302 = arith.constant 16 : i32
      %mul3A_303 = arith.muli %scan3A_287, %mul3A_302 : i32
      %get3A_304 = arith.constant 2 : i32
      %get3A_305 = arith.index_cast %get3A_304 : i32 to index
      %get3A_306 = arith.index_cast %mul3A_303 : i32 to index
      %get3A_307 = tpu.vector_load %arg20[%get3A_305, %get3A_306] {strides = array<i32>} : memref<16x128xf32, #tpu.memory_space<vmem>>, vector<16xf32>,
      %add3A_308 = arith.addf %add3A_301, %get3A_307 : vector<16xf32>
      %mul3A_309 = arith.constant 16 : i32
      %mul3A_310 = arith.muli %scan3A_287, %mul3A_309 : i32
      %get3A_311 = arith.constant 3 : i32
      %get3A_312 = arith.index_cast %get3A_311 : i32 to index
      %get3A_313 = arith.index_cast %mul3A_310 : i32 to index
      %get3A_314 = tpu.vector_load %arg20[%get3A_312, %get3A_313] {strides = array<i32>} : memref<16x128xf32, #tpu.memory_space<vmem>>, vector<16xf32>,
      %add3A_315 = arith.addf %add3A_308, %get3A_314 : vector<16xf32>
      %mul3A_316 = arith.constant 16 : i32
      %mul3A_317 = arith.muli %scan3A_287, %mul3A_316 : i32
      %get3A_318 = arith.constant 4 : i32
      %get3A_319 = arith.index_cast %get3A_318 : i32 to index
      %get3A_320 = arith.index_cast %mul3A_317 : i32 to index
      %get3A_321 = tpu.vector_load %arg20[%get3A_319, %get3A_320] {strides = array<i32>} : memref<16x128xf32, #tpu.memory_space<vmem>>, vector<16xf32>,
      %add3A_322 = arith.addf %add3A_315, %get3A_321 : vector<16xf32>
      %mul3A_323 = arith.constant 16 : i32
      %mul3A_324 = arith.muli %scan3A_287, %mul3A_323 : i32
      %get3A_325 = arith.constant 5 : i32
      %get3A_326 = arith.index_cast %get3A_325 : i32 to index
      %get3A_327 = arith.index_cast %mul3A_324 : i32 to index
      %get3A_328 = tpu.vector_load %arg20[%get3A_326, %get3A_327] {strides = array<i32>} : memref<16x128xf32, #tpu.memory_space<vmem>>, vector<16xf32>,
      %add3A_329 = arith.addf %add3A_322, %get3A_328 : vector<16xf32>
      %mul3A_330 = arith.constant 16 : i32
      %mul3A_331 = arith.muli %scan3A_287, %mul3A_330 : i32
      %get3A_332 = arith.constant 6 : i32
      %get3A_333 = arith.index_cast %get3A_332 : i32 to index
      %get3A_334 = arith.index_cast %mul3A_331 : i32 to index
      %get3A_335 = tpu.vector_load %arg20[%get3A_333, %get3A_334] {strides = array<i32>} : memref<16x128xf32, #tpu.memory_space<vmem>>, vector<16xf32>,
      %add3A_336 = arith.addf %add3A_329, %get3A_335 : vector<16xf32>
      %mul3A_337 = arith.constant 16 : i32
      %mul3A_338 = arith.muli %scan3A_287, %mul3A_337 : i32
      %get3A_339 = arith.constant 7 : i32
      %get3A_340 = arith.index_cast %get3A_339 : i32 to index
      %get3A_341 = arith.index_cast %mul3A_338 : i32 to index
      %get3A_342 = tpu.vector_load %arg20[%get3A_340, %get3A_341] {strides = array<i32>} : memref<16x128xf32, #tpu.memory_space<vmem>>, vector<16xf32>,
      %add3A_343 = arith.addf %add3A_336, %get3A_342 : vector<16xf32>
      %mul3A_344 = arith.constant 16 : i32
      %mul3A_345 = arith.muli %scan3A_287, %mul3A_344 : i32
      %get3A_346 = arith.constant 8 : i32
      %get3A_347 = arith.index_cast %get3A_346 : i32 to index
      %get3A_348 = arith.index_cast %mul3A_345 : i32 to index
      %get3A_349 = tpu.vector_load %arg20[%get3A_347, %get3A_348] {strides = array<i32>} : memref<16x128xf32, #tpu.memory_space<vmem>>, vector<16xf32>,
      %add3A_350 = arith.addf %add3A_343, %get3A_349 : vector<16xf32>
      %mul3A_351 = arith.constant 16 : i32
      %mul3A_352 = arith.muli %scan3A_287, %mul3A_351 : i32
      %get3A_353 = arith.constant 9 : i32
      %get3A_354 = arith.index_cast %get3A_353 : i32 to index
      %get3A_355 = arith.index_cast %mul3A_352 : i32 to index
      %get3A_356 = tpu.vector_load %arg20[%get3A_354, %get3A_355] {strides = array<i32>} : memref<16x128xf32, #tpu.memory_space<vmem>>, vector<16xf32>,
      %add3A_357 = arith.addf %add3A_350, %get3A_356 : vector<16xf32>
      %mul3A_358 = arith.constant 16 : i32
      %mul3A_359 = arith.muli %scan3A_287, %mul3A_358 : i32
      %get3A_360 = arith.constant 10 : i32
      %get3A_361 = arith.index_cast %get3A_360 : i32 to index
      %get3A_362 = arith.index_cast %mul3A_359 : i32 to index
      %get3A_363 = tpu.vector_load %arg20[%get3A_361, %get3A_362] {strides = array<i32>} : memref<16x128xf32, #tpu.memory_space<vmem>>, vector<16xf32>,
      %add3A_364 = arith.addf %add3A_357, %get3A_363 : vector<16xf32>
      %mul3A_365 = arith.constant 16 : i32
      %mul3A_366 = arith.muli %scan3A_287, %mul3A_365 : i32
      %get3A_367 = arith.constant 11 : i32
      %get3A_368 = arith.index_cast %get3A_367 : i32 to index
      %get3A_369 = arith.index_cast %mul3A_366 : i32 to index
      %get3A_370 = tpu.vector_load %arg20[%get3A_368, %get3A_369] {strides = array<i32>} : memref<16x128xf32, #tpu.memory_space<vmem>>, vector<16xf32>,
      %add3A_371 = arith.addf %add3A_364, %get3A_370 : vector<16xf32>
      %mul3A_372 = arith.constant 16 : i32
      %mul3A_373 = arith.muli %scan3A_287, %mul3A_372 : i32
      %get3A_374 = arith.constant 12 : i32
      %get3A_375 = arith.index_cast %get3A_374 : i32 to index
      %get3A_376 = arith.index_cast %mul3A_373 : i32 to index
      %get3A_377 = tpu.vector_load %arg20[%get3A_375, %get3A_376] {strides = array<i32>} : memref<16x128xf32, #tpu.memory_space<vmem>>, vector<16xf32>,
      %add3A_378 = arith.addf %add3A_371, %get3A_377 : vector<16xf32>
      %mul3A_379 = arith.constant 16 : i32
      %mul3A_380 = arith.muli %scan3A_287, %mul3A_379 : i32
      %get3A_381 = arith.constant 13 : i32
      %get3A_382 = arith.index_cast %get3A_381 : i32 to index
      %get3A_383 = arith.index_cast %mul3A_380 : i32 to index
      %get3A_384 = tpu.vector_load %arg20[%get3A_382, %get3A_383] {strides = array<i32>} : memref<16x128xf32, #tpu.memory_space<vmem>>, vector<16xf32>,
      %add3A_385 = arith.addf %add3A_378, %get3A_384 : vector<16xf32>
      %mul3A_386 = arith.constant 16 : i32
      %mul3A_387 = arith.muli %scan3A_287, %mul3A_386 : i32
      %get3A_388 = arith.constant 14 : i32
      %get3A_389 = arith.index_cast %get3A_388 : i32 to index
      %get3A_390 = arith.index_cast %mul3A_387 : i32 to index
      %get3A_391 = tpu.vector_load %arg20[%get3A_389, %get3A_390] {strides = array<i32>} : memref<16x128xf32, #tpu.memory_space<vmem>>, vector<16xf32>,
      %add3A_392 = arith.addf %add3A_385, %get3A_391 : vector<16xf32>
      %mul3A_393 = arith.constant 16 : i32
      %mul3A_394 = arith.muli %scan3A_287, %mul3A_393 : i32
      %get3A_395 = arith.constant 15 : i32
      %get3A_396 = arith.index_cast %get3A_395 : i32 to index
      %get3A_397 = arith.index_cast %mul3A_394 : i32 to index
      %get3A_398 = tpu.vector_load %arg20[%get3A_396, %get3A_397] {strides = array<i32>} : memref<16x128xf32, #tpu.memory_space<vmem>>, vector<16xf32>,
      %add3A_399 = arith.addf %add3A_392, %get3A_398 : vector<16xf32>
      %mul3A_400 = arith.constant 16 : i32
      %mul3A_401 = arith.muli %scan3A_287, %mul3A_400 : i32
      %add3A_402 = arith.constant 256 : i32
      %add3A_403 = arith.addi %add3A_402, %mul3A_401 : i32
      %swap3A = arith.index_cast %add3A_403 : i32 to index
      %swap3A_404 = tpu.vector_load %arg21[%swap3A] {strides = array<i32>} : memref<512xf32, #tpu.memory_space<vmem>>, vector<16xf32>,
      tpu.vector_store %arg21[%swap3A], %add3A_399 {strides = array<i32>} : memref<512xf32, #tpu.memory_space<vmem>>, vector<16xf32>,
    }
    %scan3A_220 = arith.constant 8 : i32
    %dma_wait3A_221 = arith.constant 384 : i32
    %dma_wait3A_222 = tpu.memref_slice %arg11[%dma_wait3A_221] : memref<512xi32, #tpu.memory_space<vmem>> -> memref<128xi32, #tpu.memory_space<vmem>>
    %dma_wait3A_223 = arith.constant 0 : i32
    %dma_wait3A_224 = arith.constant 0 : i32
    %dma_wait3A_225 = tpu.memref_slice %arg5[%dma_wait3A_223, %dma_wait3A_224] : memref<100000x128xf32, #tpu.memory_space<hbm>> -> memref<100000x128xf32, #tpu.memory_space<hbm>>
    tpu.wait_indirect_dma semaphore(%arg28 : memref<!tpu.dma_semaphore, #tpu.memory_space<semaphore_mem>>) src(%dma_wait3A_225 : memref<100000x128xf32, #tpu.memory_space<hbm>>) dst(%arg17 : memref<128x128xf32, #tpu.memory_space<vmem>>)
    %dma_wait3A_226 = arith.constant 384 : i32
    %dma_wait3A_227 = tpu.memref_slice %arg12[%dma_wait3A_226] : memref<512xi32, #tpu.memory_space<vmem>> -> memref<128xi32, #tpu.memory_space<vmem>>
    %dma_wait3A_228 = arith.constant 0 : i32
    %dma_wait3A_229 = arith.constant 0 : i32
    %dma_wait3A_230 = tpu.memref_slice %arg6[%dma_wait3A_228, %dma_wait3A_229] : memref<1000000x128xf32, #tpu.memory_space<hbm>> -> memref<1000000x128xf32, #tpu.memory_space<hbm>>
    tpu.wait_indirect_dma semaphore(%arg29 : memref<!tpu.dma_semaphore, #tpu.memory_space<semaphore_mem>>) src(%dma_wait3A_230 : memref<1000000x128xf32, #tpu.memory_space<hbm>>) dst(%arg18 : memref<128x128xf32, #tpu.memory_space<vmem>>)
    %dma_wait3A_231 = arith.constant 384 : i32
    %dma_wait3A_232 = tpu.memref_slice %arg13[%dma_wait3A_231] : memref<512xi32, #tpu.memory_space<vmem>> -> memref<128xi32, #tpu.memory_space<vmem>>
    %dma_wait3A_233 = arith.constant 0 : i32
    %dma_wait3A_234 = arith.constant 0 : i32
    %dma_wait3A_235 = tpu.memref_slice %arg6[%dma_wait3A_233, %dma_wait3A_234] : memref<1000000x128xf32, #tpu.memory_space<hbm>> -> memref<1000000x128xf32, #tpu.memory_space<hbm>>
    tpu.wait_indirect_dma semaphore(%arg30 : memref<!tpu.dma_semaphore, #tpu.memory_space<semaphore_mem>>) src(%dma_wait3A_235 : memref<1000000x128xf32, #tpu.memory_space<hbm>>) dst(%arg19 : memref<128x128xf32, #tpu.memory_space<vmem>>)
    %add3A_236 = arith.constant 384 : i32
    %add3A_237 = arith.addi %mul3A_2, %add3A_236 : i32
    %dma_start3A_238 = arith.constant 0 : i32
    %dma_start3A_239 = tpu.memref_slice %arg8[%add3A_237, %dma_start3A_238] : memref<16384x128xf32, #tpu.memory_space<hbm>> -> memref<128x128xf32, #tpu.memory_space<hbm>>
    %dma_start3A_240 = arith.constant 0 : i32
    %dma_start3A_241 = tpu.memref_slice %arg8[%add3A_237, %dma_start3A_240] : memref<16384x128xf32, #tpu.memory_space<hbm>> -> memref<128x128xf32, #tpu.memory_space<hbm>>
    tpu.enqueue_dma source(%arg17 : memref<128x128xf32, #tpu.memory_space<vmem>>) target(%dma_start3A_241 : memref<128x128xf32, #tpu.memory_space<hbm>>) target_semaphore(%arg34 : memref<!tpu.dma_semaphore, #tpu.memory_space<semaphore_mem>>)
    %add3A_242 = arith.constant 384 : i32
    %add3A_243 = arith.addi %mul3A_2, %add3A_242 : i32
    %dma_start3A_244 = arith.constant 0 : i32
    %dma_start3A_245 = tpu.memref_slice %arg9[%add3A_243, %dma_start3A_244] : memref<16384x128xf32, #tpu.memory_space<hbm>> -> memref<128x128xf32, #tpu.memory_space<hbm>>
    %dma_start3A_246 = arith.constant 0 : i32
    %dma_start3A_247 = tpu.memref_slice %arg9[%add3A_243, %dma_start3A_246] : memref<16384x128xf32, #tpu.memory_space<hbm>> -> memref<128x128xf32, #tpu.memory_space<hbm>>
    tpu.enqueue_dma source(%arg18 : memref<128x128xf32, #tpu.memory_space<vmem>>) target(%dma_start3A_247 : memref<128x128xf32, #tpu.memory_space<hbm>>) target_semaphore(%arg35 : memref<!tpu.dma_semaphore, #tpu.memory_space<semaphore_mem>>)
    %add3A_248 = arith.constant 384 : i32
    %add3A_249 = arith.addi %mul3A_2, %add3A_248 : i32
    %dma_start3A_250 = arith.constant 0 : i32
    %dma_start3A_251 = tpu.memref_slice %arg10[%add3A_249, %dma_start3A_250] : memref<16384x128xf32, #tpu.memory_space<hbm>> -> memref<128x128xf32, #tpu.memory_space<hbm>>
    %dma_start3A_252 = arith.constant 0 : i32
    %dma_start3A_253 = tpu.memref_slice %arg10[%add3A_249, %dma_start3A_252] : memref<16384x128xf32, #tpu.memory_space<hbm>> -> memref<128x128xf32, #tpu.memory_space<hbm>>
    tpu.enqueue_dma source(%arg19 : memref<128x128xf32, #tpu.memory_space<vmem>>) target(%dma_start3A_253 : memref<128x128xf32, #tpu.memory_space<hbm>>) target_semaphore(%arg36 : memref<!tpu.dma_semaphore, #tpu.memory_space<semaphore_mem>>)
    %parallel_loop3A_254 = arith.constant 0 : i32
    %parallel_loop3A_255 = arith.constant 128 : i32
    %parallel_loop3A_256 = arith.constant 1 : i32
    scf.for %parallel_loop3A_287 = %parallel_loop3A_254 to %parallel_loop3A_255 step %parallel_loop3A_256  : i32 {
      %parallel_loop3A_288 = arith.constant 0.000000e+00 : f32
      %parallel_loop3A_289 = vector.broadcast %parallel_loop3A_288 : f32 to vector<16xf32>
      %parallel_loop3A_290 = arith.index_cast %parallel_loop3A_287 : i32 to index
      %parallel_loop3A_291 = arith.constant 0 : index
      %parallel_loop3A_292 = tpu.vector_load %arg17[%parallel_loop3A_290, %parallel_loop3A_291] {strides = array<i32>} : memref<128x128xf32, #tpu.memory_space<vmem>>, vector<16xf32>,
      %parallel_loop3A_293 = arith.index_cast %parallel_loop3A_287 : i32 to index
      %parallel_loop3A_294 = arith.constant 0 : index
      %parallel_loop3A_295 = tpu.vector_load %arg18[%parallel_loop3A_293, %parallel_loop3A_294] {strides = array<i32>} : memref<128x128xf32, #tpu.memory_space<vmem>>, vector<16xf32>,
      %parallel_loop3A_296 = arith.index_cast %parallel_loop3A_287 : i32 to index
      %parallel_loop3A_297 = arith.constant 0 : index
      %parallel_loop3A_298 = tpu.vector_load %arg19[%parallel_loop3A_296, %parallel_loop3A_297] {strides = array<i32>} : memref<128x128xf32, #tpu.memory_space<vmem>>, vector<16xf32>,
      %parallel_loop3A_299 = arith.subf %parallel_loop3A_295, %parallel_loop3A_298 : vector<16xf32>
      %parallel_loop3A_300 = arith.mulf %parallel_loop3A_292, %parallel_loop3A_299 : vector<16xf32>
      %parallel_loop3A_301 = arith.addf %parallel_loop3A_289, %parallel_loop3A_300 : vector<16xf32>
      %parallel_loop3A_302 = arith.index_cast %parallel_loop3A_287 : i32 to index
      %parallel_loop3A_303 = arith.constant 16 : index
      %parallel_loop3A_304 = tpu.vector_load %arg17[%parallel_loop3A_302, %parallel_loop3A_303] {strides = array<i32>} : memref<128x128xf32, #tpu.memory_space<vmem>>, vector<16xf32>,
      %parallel_loop3A_305 = arith.index_cast %parallel_loop3A_287 : i32 to index
      %parallel_loop3A_306 = arith.constant 16 : index
      %parallel_loop3A_307 = tpu.vector_load %arg18[%parallel_loop3A_305, %parallel_loop3A_306] {strides = array<i32>} : memref<128x128xf32, #tpu.memory_space<vmem>>, vector<16xf32>,
      %parallel_loop3A_308 = arith.index_cast %parallel_loop3A_287 : i32 to index
      %parallel_loop3A_309 = arith.constant 16 : index
      %parallel_loop3A_310 = tpu.vector_load %arg19[%parallel_loop3A_308, %parallel_loop3A_309] {strides = array<i32>} : memref<128x128xf32, #tpu.memory_space<vmem>>, vector<16xf32>,
      %parallel_loop3A_311 = arith.subf %parallel_loop3A_307, %parallel_loop3A_310 : vector<16xf32>
      %parallel_loop3A_312 = arith.mulf %parallel_loop3A_304, %parallel_loop3A_311 : vector<16xf32>
      %parallel_loop3A_313 = arith.addf %parallel_loop3A_301, %parallel_loop3A_312 : vector<16xf32>
      %parallel_loop3A_314 = arith.index_cast %parallel_loop3A_287 : i32 to index
      %parallel_loop3A_315 = arith.constant 32 : index
      %parallel_loop3A_316 = tpu.vector_load %arg17[%parallel_loop3A_314, %parallel_loop3A_315] {strides = array<i32>} : memref<128x128xf32, #tpu.memory_space<vmem>>, vector<16xf32>,
      %parallel_loop3A_317 = arith.index_cast %parallel_loop3A_287 : i32 to index
      %parallel_loop3A_318 = arith.constant 32 : index
      %parallel_loop3A_319 = tpu.vector_load %arg18[%parallel_loop3A_317, %parallel_loop3A_318] {strides = array<i32>} : memref<128x128xf32, #tpu.memory_space<vmem>>, vector<16xf32>,
      %parallel_loop3A_320 = arith.index_cast %parallel_loop3A_287 : i32 to index
      %parallel_loop3A_321 = arith.constant 32 : index
      %parallel_loop3A_322 = tpu.vector_load %arg19[%parallel_loop3A_320, %parallel_loop3A_321] {strides = array<i32>} : memref<128x128xf32, #tpu.memory_space<vmem>>, vector<16xf32>,
      %parallel_loop3A_323 = arith.subf %parallel_loop3A_319, %parallel_loop3A_322 : vector<16xf32>
      %parallel_loop3A_324 = arith.mulf %parallel_loop3A_316, %parallel_loop3A_323 : vector<16xf32>
      %parallel_loop3A_325 = arith.addf %parallel_loop3A_313, %parallel_loop3A_324 : vector<16xf32>
      %parallel_loop3A_326 = arith.index_cast %parallel_loop3A_287 : i32 to index
      %parallel_loop3A_327 = arith.constant 48 : index
      %parallel_loop3A_328 = tpu.vector_load %arg17[%parallel_loop3A_326, %parallel_loop3A_327] {strides = array<i32>} : memref<128x128xf32, #tpu.memory_space<vmem>>, vector<16xf32>,
      %parallel_loop3A_329 = arith.index_cast %parallel_loop3A_287 : i32 to index
      %parallel_loop3A_330 = arith.constant 48 : index
      %parallel_loop3A_331 = tpu.vector_load %arg18[%parallel_loop3A_329, %parallel_loop3A_330] {strides = array<i32>} : memref<128x128xf32, #tpu.memory_space<vmem>>, vector<16xf32>,
      %parallel_loop3A_332 = arith.index_cast %parallel_loop3A_287 : i32 to index
      %parallel_loop3A_333 = arith.constant 48 : index
      %parallel_loop3A_334 = tpu.vector_load %arg19[%parallel_loop3A_332, %parallel_loop3A_333] {strides = array<i32>} : memref<128x128xf32, #tpu.memory_space<vmem>>, vector<16xf32>,
      %parallel_loop3A_335 = arith.subf %parallel_loop3A_331, %parallel_loop3A_334 : vector<16xf32>
      %parallel_loop3A_336 = arith.mulf %parallel_loop3A_328, %parallel_loop3A_335 : vector<16xf32>
      %parallel_loop3A_337 = arith.addf %parallel_loop3A_325, %parallel_loop3A_336 : vector<16xf32>
      %parallel_loop3A_338 = arith.index_cast %parallel_loop3A_287 : i32 to index
      %parallel_loop3A_339 = arith.constant 64 : index
      %parallel_loop3A_340 = tpu.vector_load %arg17[%parallel_loop3A_338, %parallel_loop3A_339] {strides = array<i32>} : memref<128x128xf32, #tpu.memory_space<vmem>>, vector<16xf32>,
      %parallel_loop3A_341 = arith.index_cast %parallel_loop3A_287 : i32 to index
      %parallel_loop3A_342 = arith.constant 64 : index
      %parallel_loop3A_343 = tpu.vector_load %arg18[%parallel_loop3A_341, %parallel_loop3A_342] {strides = array<i32>} : memref<128x128xf32, #tpu.memory_space<vmem>>, vector<16xf32>,
      %parallel_loop3A_344 = arith.index_cast %parallel_loop3A_287 : i32 to index
      %parallel_loop3A_345 = arith.constant 64 : index
      %parallel_loop3A_346 = tpu.vector_load %arg19[%parallel_loop3A_344, %parallel_loop3A_345] {strides = array<i32>} : memref<128x128xf32, #tpu.memory_space<vmem>>, vector<16xf32>,
      %parallel_loop3A_347 = arith.subf %parallel_loop3A_343, %parallel_loop3A_346 : vector<16xf32>
      %parallel_loop3A_348 = arith.mulf %parallel_loop3A_340, %parallel_loop3A_347 : vector<16xf32>
      %parallel_loop3A_349 = arith.addf %parallel_loop3A_337, %parallel_loop3A_348 : vector<16xf32>
      %parallel_loop3A_350 = arith.index_cast %parallel_loop3A_287 : i32 to index
      %parallel_loop3A_351 = arith.constant 80 : index
      %parallel_loop3A_352 = tpu.vector_load %arg17[%parallel_loop3A_350, %parallel_loop3A_351] {strides = array<i32>} : memref<128x128xf32, #tpu.memory_space<vmem>>, vector<16xf32>,
      %parallel_loop3A_353 = arith.index_cast %parallel_loop3A_287 : i32 to index
      %parallel_loop3A_354 = arith.constant 80 : index
      %parallel_loop3A_355 = tpu.vector_load %arg18[%parallel_loop3A_353, %parallel_loop3A_354] {strides = array<i32>} : memref<128x128xf32, #tpu.memory_space<vmem>>, vector<16xf32>,
      %parallel_loop3A_356 = arith.index_cast %parallel_loop3A_287 : i32 to index
      %parallel_loop3A_357 = arith.constant 80 : index
      %parallel_loop3A_358 = tpu.vector_load %arg19[%parallel_loop3A_356, %parallel_loop3A_357] {strides = array<i32>} : memref<128x128xf32, #tpu.memory_space<vmem>>, vector<16xf32>,
      %parallel_loop3A_359 = arith.subf %parallel_loop3A_355, %parallel_loop3A_358 : vector<16xf32>
      %parallel_loop3A_360 = arith.mulf %parallel_loop3A_352, %parallel_loop3A_359 : vector<16xf32>
      %parallel_loop3A_361 = arith.addf %parallel_loop3A_349, %parallel_loop3A_360 : vector<16xf32>
      %parallel_loop3A_362 = arith.index_cast %parallel_loop3A_287 : i32 to index
      %parallel_loop3A_363 = arith.constant 96 : index
      %parallel_loop3A_364 = tpu.vector_load %arg17[%parallel_loop3A_362, %parallel_loop3A_363] {strides = array<i32>} : memref<128x128xf32, #tpu.memory_space<vmem>>, vector<16xf32>,
      %parallel_loop3A_365 = arith.index_cast %parallel_loop3A_287 : i32 to index
      %parallel_loop3A_366 = arith.constant 96 : index
      %parallel_loop3A_367 = tpu.vector_load %arg18[%parallel_loop3A_365, %parallel_loop3A_366] {strides = array<i32>} : memref<128x128xf32, #tpu.memory_space<vmem>>, vector<16xf32>,
      %parallel_loop3A_368 = arith.index_cast %parallel_loop3A_287 : i32 to index
      %parallel_loop3A_369 = arith.constant 96 : index
      %parallel_loop3A_370 = tpu.vector_load %arg19[%parallel_loop3A_368, %parallel_loop3A_369] {strides = array<i32>} : memref<128x128xf32, #tpu.memory_space<vmem>>, vector<16xf32>,
      %parallel_loop3A_371 = arith.subf %parallel_loop3A_367, %parallel_loop3A_370 : vector<16xf32>
      %parallel_loop3A_372 = arith.mulf %parallel_loop3A_364, %parallel_loop3A_371 : vector<16xf32>
      %parallel_loop3A_373 = arith.addf %parallel_loop3A_361, %parallel_loop3A_372 : vector<16xf32>
      %parallel_loop3A_374 = arith.index_cast %parallel_loop3A_287 : i32 to index
      %parallel_loop3A_375 = arith.constant 112 : index
      %parallel_loop3A_376 = tpu.vector_load %arg17[%parallel_loop3A_374, %parallel_loop3A_375] {strides = array<i32>} : memref<128x128xf32, #tpu.memory_space<vmem>>, vector<16xf32>,
      %parallel_loop3A_377 = arith.index_cast %parallel_loop3A_287 : i32 to index
      %parallel_loop3A_378 = arith.constant 112 : index
      %parallel_loop3A_379 = tpu.vector_load %arg18[%parallel_loop3A_377, %parallel_loop3A_378] {strides = array<i32>} : memref<128x128xf32, #tpu.memory_space<vmem>>, vector<16xf32>,
      %parallel_loop3A_380 = arith.index_cast %parallel_loop3A_287 : i32 to index
      %parallel_loop3A_381 = arith.constant 112 : index
      %parallel_loop3A_382 = tpu.vector_load %arg19[%parallel_loop3A_380, %parallel_loop3A_381] {strides = array<i32>} : memref<128x128xf32, #tpu.memory_space<vmem>>, vector<16xf32>,
      %parallel_loop3A_383 = arith.subf %parallel_loop3A_379, %parallel_loop3A_382 : vector<16xf32>
      %parallel_loop3A_384 = arith.mulf %parallel_loop3A_376, %parallel_loop3A_383 : vector<16xf32>
      %parallel_loop3A_385 = arith.addf %parallel_loop3A_373, %parallel_loop3A_384 : vector<16xf32>
      %parallel_loop3A_386 = vector.broadcast %parallel_loop3A_287 : i32 to vector<16xi32>
      tpu.vector_store_idx %arg20[%iota3A, %parallel_loop3A_386], %parallel_loop3A_385 : memref<16x128xf32, #tpu.memory_space<vmem>>[vector<16xi32>, vector<16xi32>], vector<16xf32>,
    } {sc.loop_unroll_factor = 2 : i64, sc.parallel_access}
    %scan3A_257 = arith.constant 0 : i32
    %scan3A_258 = arith.constant 0 : i32
    %scan3A_259 = arith.constant 8 : i32
    %scan3A_260 = arith.addi %scan3A_258, %scan3A_259 : i32
    %scan3A_261 = arith.constant 1 : i32
    scf.for %scan3A_287 = %scan3A_258 to %scan3A_260 step %scan3A_261  : i32 {
      %broadcast_in_dim3A = arith.constant 0.000000e+00 : f32
      %broadcast_in_dim3A_288 = vector.broadcast %broadcast_in_dim3A : f32 to vector<16xf32>
      %mul3A_289 = arith.constant 16 : i32
      %mul3A_290 = arith.muli %scan3A_287, %mul3A_289 : i32
      %get3A = arith.constant 0 : i32
      %get3A_291 = arith.index_cast %get3A : i32 to index
      %get3A_292 = arith.index_cast %mul3A_290 : i32 to index
      %get3A_293 = tpu.vector_load %arg20[%get3A_291, %get3A_292] {strides = array<i32>} : memref<16x128xf32, #tpu.memory_space<vmem>>, vector<16xf32>,
      %add3A_294 = arith.addf %broadcast_in_dim3A_288, %get3A_293 : vector<16xf32>
      %mul3A_295 = arith.constant 16 : i32
      %mul3A_296 = arith.muli %scan3A_287, %mul3A_295 : i32
      %get3A_297 = arith.constant 1 : i32
      %get3A_298 = arith.index_cast %get3A_297 : i32 to index
      %get3A_299 = arith.index_cast %mul3A_296 : i32 to index
      %get3A_300 = tpu.vector_load %arg20[%get3A_298, %get3A_299] {strides = array<i32>} : memref<16x128xf32, #tpu.memory_space<vmem>>, vector<16xf32>,
      %add3A_301 = arith.addf %add3A_294, %get3A_300 : vector<16xf32>
      %mul3A_302 = arith.constant 16 : i32
      %mul3A_303 = arith.muli %scan3A_287, %mul3A_302 : i32
      %get3A_304 = arith.constant 2 : i32
      %get3A_305 = arith.index_cast %get3A_304 : i32 to index
      %get3A_306 = arith.index_cast %mul3A_303 : i32 to index
      %get3A_307 = tpu.vector_load %arg20[%get3A_305, %get3A_306] {strides = array<i32>} : memref<16x128xf32, #tpu.memory_space<vmem>>, vector<16xf32>,
      %add3A_308 = arith.addf %add3A_301, %get3A_307 : vector<16xf32>
      %mul3A_309 = arith.constant 16 : i32
      %mul3A_310 = arith.muli %scan3A_287, %mul3A_309 : i32
      %get3A_311 = arith.constant 3 : i32
      %get3A_312 = arith.index_cast %get3A_311 : i32 to index
      %get3A_313 = arith.index_cast %mul3A_310 : i32 to index
      %get3A_314 = tpu.vector_load %arg20[%get3A_312, %get3A_313] {strides = array<i32>} : memref<16x128xf32, #tpu.memory_space<vmem>>, vector<16xf32>,
      %add3A_315 = arith.addf %add3A_308, %get3A_314 : vector<16xf32>
      %mul3A_316 = arith.constant 16 : i32
      %mul3A_317 = arith.muli %scan3A_287, %mul3A_316 : i32
      %get3A_318 = arith.constant 4 : i32
      %get3A_319 = arith.index_cast %get3A_318 : i32 to index
      %get3A_320 = arith.index_cast %mul3A_317 : i32 to index
      %get3A_321 = tpu.vector_load %arg20[%get3A_319, %get3A_320] {strides = array<i32>} : memref<16x128xf32, #tpu.memory_space<vmem>>, vector<16xf32>,
      %add3A_322 = arith.addf %add3A_315, %get3A_321 : vector<16xf32>
      %mul3A_323 = arith.constant 16 : i32
      %mul3A_324 = arith.muli %scan3A_287, %mul3A_323 : i32
      %get3A_325 = arith.constant 5 : i32
      %get3A_326 = arith.index_cast %get3A_325 : i32 to index
      %get3A_327 = arith.index_cast %mul3A_324 : i32 to index
      %get3A_328 = tpu.vector_load %arg20[%get3A_326, %get3A_327] {strides = array<i32>} : memref<16x128xf32, #tpu.memory_space<vmem>>, vector<16xf32>,
      %add3A_329 = arith.addf %add3A_322, %get3A_328 : vector<16xf32>
      %mul3A_330 = arith.constant 16 : i32
      %mul3A_331 = arith.muli %scan3A_287, %mul3A_330 : i32
      %get3A_332 = arith.constant 6 : i32
      %get3A_333 = arith.index_cast %get3A_332 : i32 to index
      %get3A_334 = arith.index_cast %mul3A_331 : i32 to index
      %get3A_335 = tpu.vector_load %arg20[%get3A_333, %get3A_334] {strides = array<i32>} : memref<16x128xf32, #tpu.memory_space<vmem>>, vector<16xf32>,
      %add3A_336 = arith.addf %add3A_329, %get3A_335 : vector<16xf32>
      %mul3A_337 = arith.constant 16 : i32
      %mul3A_338 = arith.muli %scan3A_287, %mul3A_337 : i32
      %get3A_339 = arith.constant 7 : i32
      %get3A_340 = arith.index_cast %get3A_339 : i32 to index
      %get3A_341 = arith.index_cast %mul3A_338 : i32 to index
      %get3A_342 = tpu.vector_load %arg20[%get3A_340, %get3A_341] {strides = array<i32>} : memref<16x128xf32, #tpu.memory_space<vmem>>, vector<16xf32>,
      %add3A_343 = arith.addf %add3A_336, %get3A_342 : vector<16xf32>
      %mul3A_344 = arith.constant 16 : i32
      %mul3A_345 = arith.muli %scan3A_287, %mul3A_344 : i32
      %get3A_346 = arith.constant 8 : i32
      %get3A_347 = arith.index_cast %get3A_346 : i32 to index
      %get3A_348 = arith.index_cast %mul3A_345 : i32 to index
      %get3A_349 = tpu.vector_load %arg20[%get3A_347, %get3A_348] {strides = array<i32>} : memref<16x128xf32, #tpu.memory_space<vmem>>, vector<16xf32>,
      %add3A_350 = arith.addf %add3A_343, %get3A_349 : vector<16xf32>
      %mul3A_351 = arith.constant 16 : i32
      %mul3A_352 = arith.muli %scan3A_287, %mul3A_351 : i32
      %get3A_353 = arith.constant 9 : i32
      %get3A_354 = arith.index_cast %get3A_353 : i32 to index
      %get3A_355 = arith.index_cast %mul3A_352 : i32 to index
      %get3A_356 = tpu.vector_load %arg20[%get3A_354, %get3A_355] {strides = array<i32>} : memref<16x128xf32, #tpu.memory_space<vmem>>, vector<16xf32>,
      %add3A_357 = arith.addf %add3A_350, %get3A_356 : vector<16xf32>
      %mul3A_358 = arith.constant 16 : i32
      %mul3A_359 = arith.muli %scan3A_287, %mul3A_358 : i32
      %get3A_360 = arith.constant 10 : i32
      %get3A_361 = arith.index_cast %get3A_360 : i32 to index
      %get3A_362 = arith.index_cast %mul3A_359 : i32 to index
      %get3A_363 = tpu.vector_load %arg20[%get3A_361, %get3A_362] {strides = array<i32>} : memref<16x128xf32, #tpu.memory_space<vmem>>, vector<16xf32>,
      %add3A_364 = arith.addf %add3A_357, %get3A_363 : vector<16xf32>
      %mul3A_365 = arith.constant 16 : i32
      %mul3A_366 = arith.muli %scan3A_287, %mul3A_365 : i32
      %get3A_367 = arith.constant 11 : i32
      %get3A_368 = arith.index_cast %get3A_367 : i32 to index
      %get3A_369 = arith.index_cast %mul3A_366 : i32 to index
      %get3A_370 = tpu.vector_load %arg20[%get3A_368, %get3A_369] {strides = array<i32>} : memref<16x128xf32, #tpu.memory_space<vmem>>, vector<16xf32>,
      %add3A_371 = arith.addf %add3A_364, %get3A_370 : vector<16xf32>
      %mul3A_372 = arith.constant 16 : i32
      %mul3A_373 = arith.muli %scan3A_287, %mul3A_372 : i32
      %get3A_374 = arith.constant 12 : i32
      %get3A_375 = arith.index_cast %get3A_374 : i32 to index
      %get3A_376 = arith.index_cast %mul3A_373 : i32 to index
      %get3A_377 = tpu.vector_load %arg20[%get3A_375, %get3A_376] {strides = array<i32>} : memref<16x128xf32, #tpu.memory_space<vmem>>, vector<16xf32>,
      %add3A_378 = arith.addf %add3A_371, %get3A_377 : vector<16xf32>
      %mul3A_379 = arith.constant 16 : i32
      %mul3A_380 = arith.muli %scan3A_287, %mul3A_379 : i32
      %get3A_381 = arith.constant 13 : i32
      %get3A_382 = arith.index_cast %get3A_381 : i32 to index
      %get3A_383 = arith.index_cast %mul3A_380 : i32 to index
      %get3A_384 = tpu.vector_load %arg20[%get3A_382, %get3A_383] {strides = array<i32>} : memref<16x128xf32, #tpu.memory_space<vmem>>, vector<16xf32>,
      %add3A_385 = arith.addf %add3A_378, %get3A_384 : vector<16xf32>
      %mul3A_386 = arith.constant 16 : i32
      %mul3A_387 = arith.muli %scan3A_287, %mul3A_386 : i32
      %get3A_388 = arith.constant 14 : i32
      %get3A_389 = arith.index_cast %get3A_388 : i32 to index
      %get3A_390 = arith.index_cast %mul3A_387 : i32 to index
      %get3A_391 = tpu.vector_load %arg20[%get3A_389, %get3A_390] {strides = array<i32>} : memref<16x128xf32, #tpu.memory_space<vmem>>, vector<16xf32>,
      %add3A_392 = arith.addf %add3A_385, %get3A_391 : vector<16xf32>
      %mul3A_393 = arith.constant 16 : i32
      %mul3A_394 = arith.muli %scan3A_287, %mul3A_393 : i32
      %get3A_395 = arith.constant 15 : i32
      %get3A_396 = arith.index_cast %get3A_395 : i32 to index
      %get3A_397 = arith.index_cast %mul3A_394 : i32 to index
      %get3A_398 = tpu.vector_load %arg20[%get3A_396, %get3A_397] {strides = array<i32>} : memref<16x128xf32, #tpu.memory_space<vmem>>, vector<16xf32>,
      %add3A_399 = arith.addf %add3A_392, %get3A_398 : vector<16xf32>
      %mul3A_400 = arith.constant 16 : i32
      %mul3A_401 = arith.muli %scan3A_287, %mul3A_400 : i32
      %add3A_402 = arith.constant 384 : i32
      %add3A_403 = arith.addi %add3A_402, %mul3A_401 : i32
      %swap3A = arith.index_cast %add3A_403 : i32 to index
      %swap3A_404 = tpu.vector_load %arg21[%swap3A] {strides = array<i32>} : memref<512xf32, #tpu.memory_space<vmem>>, vector<16xf32>,
      tpu.vector_store %arg21[%swap3A], %add3A_399 {strides = array<i32>} : memref<512xf32, #tpu.memory_space<vmem>>, vector<16xf32>,
    }
    %scan3A_262 = arith.constant 8 : i32
    "tpu.region"() ({
      %run_scoped3A = tpu.sem_alloc : memref<!tpu.dma_semaphore, #tpu.memory_space<semaphore_mem>>
      %dma_start3A_287 = tpu.memref_slice %arg7[%mul3A_2] : memref<16384xf32, #tpu.memory_space<hbm>> -> memref<512xf32, #tpu.memory_space<hbm>>
      %dma_start3A_288 = tpu.memref_slice %arg7[%mul3A_2] : memref<16384xf32, #tpu.memory_space<hbm>> -> memref<512xf32, #tpu.memory_space<hbm>>
      tpu.enqueue_dma source(%arg21 : memref<512xf32, #tpu.memory_space<vmem>>) target(%dma_start3A_288 : memref<512xf32, #tpu.memory_space<hbm>>) target_semaphore(%run_scoped3A : memref<!tpu.dma_semaphore, #tpu.memory_space<semaphore_mem>>)
      %dma_wait3A_289 = tpu.memref_slice %arg7[%mul3A_2] : memref<16384xf32, #tpu.memory_space<hbm>> -> memref<512xf32, #tpu.memory_space<hbm>>
      %dma_wait3A_290 = tpu.memref_slice %arg7[%mul3A_2] : memref<16384xf32, #tpu.memory_space<hbm>> -> memref<512xf32, #tpu.memory_space<hbm>>
      tpu.wait_dma2 semaphore(%run_scoped3A : memref<!tpu.dma_semaphore, #tpu.memory_space<semaphore_mem>>) src(%arg21 : memref<512xf32, #tpu.memory_space<vmem>>) dst(%dma_wait3A_290 : memref<512xf32, #tpu.memory_space<hbm>>)
      tpu.yield
    }) : () -> ()
    %dma_wait3A_263 = arith.constant 0 : i32
    %dma_wait3A_264 = tpu.memref_slice %arg8[%add3A_195, %dma_wait3A_263] : memref<16384x128xf32, #tpu.memory_space<hbm>> -> memref<128x128xf32, #tpu.memory_space<hbm>>
    %dma_wait3A_265 = arith.constant 0 : i32
    %dma_wait3A_266 = tpu.memref_slice %arg8[%add3A_195, %dma_wait3A_265] : memref<16384x128xf32, #tpu.memory_space<hbm>> -> memref<128x128xf32, #tpu.memory_space<hbm>>
    tpu.wait_dma2 semaphore(%arg31 : memref<!tpu.dma_semaphore, #tpu.memory_space<semaphore_mem>>) src(%arg14 : memref<128x128xf32, #tpu.memory_space<vmem>>) dst(%dma_wait3A_266 : memref<128x128xf32, #tpu.memory_space<hbm>>)
    %dma_wait3A_267 = arith.constant 0 : i32
    %dma_wait3A_268 = tpu.memref_slice %arg9[%add3A_201, %dma_wait3A_267] : memref<16384x128xf32, #tpu.memory_space<hbm>> -> memref<128x128xf32, #tpu.memory_space<hbm>>
    %dma_wait3A_269 = arith.constant 0 : i32
    %dma_wait3A_270 = tpu.memref_slice %arg9[%add3A_201, %dma_wait3A_269] : memref<16384x128xf32, #tpu.memory_space<hbm>> -> memref<128x128xf32, #tpu.memory_space<hbm>>
    tpu.wait_dma2 semaphore(%arg32 : memref<!tpu.dma_semaphore, #tpu.memory_space<semaphore_mem>>) src(%arg15 : memref<128x128xf32, #tpu.memory_space<vmem>>) dst(%dma_wait3A_270 : memref<128x128xf32, #tpu.memory_space<hbm>>)
    %dma_wait3A_271 = arith.constant 0 : i32
    %dma_wait3A_272 = tpu.memref_slice %arg10[%add3A_207, %dma_wait3A_271] : memref<16384x128xf32, #tpu.memory_space<hbm>> -> memref<128x128xf32, #tpu.memory_space<hbm>>
    %dma_wait3A_273 = arith.constant 0 : i32
    %dma_wait3A_274 = tpu.memref_slice %arg10[%add3A_207, %dma_wait3A_273] : memref<16384x128xf32, #tpu.memory_space<hbm>> -> memref<128x128xf32, #tpu.memory_space<hbm>>
    tpu.wait_dma2 semaphore(%arg33 : memref<!tpu.dma_semaphore, #tpu.memory_space<semaphore_mem>>) src(%arg16 : memref<128x128xf32, #tpu.memory_space<vmem>>) dst(%dma_wait3A_274 : memref<128x128xf32, #tpu.memory_space<hbm>>)
    %dma_wait3A_275 = arith.constant 0 : i32
    %dma_wait3A_276 = tpu.memref_slice %arg8[%add3A_237, %dma_wait3A_275] : memref<16384x128xf32, #tpu.memory_space<hbm>> -> memref<128x128xf32, #tpu.memory_space<hbm>>
    %dma_wait3A_277 = arith.constant 0 : i32
    %dma_wait3A_278 = tpu.memref_slice %arg8[%add3A_237, %dma_wait3A_277] : memref<16384x128xf32, #tpu.memory_space<hbm>> -> memref<128x128xf32, #tpu.memory_space<hbm>>
    tpu.wait_dma2 semaphore(%arg34 : memref<!tpu.dma_semaphore, #tpu.memory_space<semaphore_mem>>) src(%arg17 : memref<128x128xf32, #tpu.memory_space<vmem>>) dst(%dma_wait3A_278 : memref<128x128xf32, #tpu.memory_space<hbm>>)
    %dma_wait3A_279 = arith.constant 0 : i32
    %dma_wait3A_280 = tpu.memref_slice %arg9[%add3A_243, %dma_wait3A_279] : memref<16384x128xf32, #tpu.memory_space<hbm>> -> memref<128x128xf32, #tpu.memory_space<hbm>>
    %dma_wait3A_281 = arith.constant 0 : i32
    %dma_wait3A_282 = tpu.memref_slice %arg9[%add3A_243, %dma_wait3A_281] : memref<16384x128xf32, #tpu.memory_space<hbm>> -> memref<128x128xf32, #tpu.memory_space<hbm>>
    tpu.wait_dma2 semaphore(%arg35 : memref<!tpu.dma_semaphore, #tpu.memory_space<semaphore_mem>>) src(%arg18 : memref<128x128xf32, #tpu.memory_space<vmem>>) dst(%dma_wait3A_282 : memref<128x128xf32, #tpu.memory_space<hbm>>)
    %dma_wait3A_283 = arith.constant 0 : i32
    %dma_wait3A_284 = tpu.memref_slice %arg10[%add3A_249, %dma_wait3A_283] : memref<16384x128xf32, #tpu.memory_space<hbm>> -> memref<128x128xf32, #tpu.memory_space<hbm>>
    %dma_wait3A_285 = arith.constant 0 : i32
    %dma_wait3A_286 = tpu.memref_slice %arg10[%add3A_249, %dma_wait3A_285] : memref<16384x128xf32, #tpu.memory_space<hbm>> -> memref<128x128xf32, #tpu.memory_space<hbm>>
    tpu.wait_dma2 semaphore(%arg36 : memref<!tpu.dma_semaphore, #tpu.memory_space<semaphore_mem>>) src(%arg19 : memref<128x128xf32, #tpu.memory_space<vmem>>) dst(%dma_wait3A_286 : memref<128x128xf32, #tpu.memory_space<hbm>>)
    return
  }
}

</mosaic_0001>

<sc_bundles>
// kernel: kernel.3.cloned.1.call-start
scs
__scs_entry_jumppad:
0x0: {  	(pc) =	sbr.rel $0x88, $3  }
0x1: {  	(tag) =	ssettag $0x0;
	lr =	simm.s32 $0x1  }
0x2: {  	[smem:$0x3F9C] =	sst lr;
	_ =	strace $0xD0000000  }
0x3: {  	_ = 	snop  }
0x4: {  	_ = 	snop  }
0x5: {  	_ = 	snop  }
0x6: {  	_ = 	snop  }
0x7: {  	_ = 	snop  }
__scs_overlays_trampoline_lowered:
0x8: {  	[smem:$0x3FAB] =	sst s0  }
0x9: {  	[smem:$0x3FAC] =	sst s1  }
0xa: {  	[smem:$0x3FAD] =	sst s2  }
0xb: {  	[smem:$0x3FAE] =	sst s3  }
0xc: {  	[smem:$0x3FAF] =	sst s4  }
0xd: {  	[smem:$0x3FB0] =	sst s5  }
0xe: {  	[smem:$0x3FB1] =	sst s6  }
0xf: {  	[smem:$0x3FB2] =	sst s7  }
0x10: {  	[smem:$0x3FB3] =	sst s8  }
0x11: {  	[smem:$0x3FB4] =	sst s9;
	s0 =	simm.s32 @!p0 $0x0  }
0x12: {  	s1 =	sld [smem:$0x3F9A];
	s0 =	simm.s32 @p0 $0x1  }
0x13: {  	[smem:$0x3FB5] =	sst s0;
	s0 =	simm.s32 @!p1 $0x0  }
0x14: {  	s2 =	sld [smem:$0x3F99];
	s0 =	simm.s32 @p1 $0x1  }
0x15: {  	[smem:$0x3FB6] =	sst s0;
	s0 =	simm.s32 @!p2 $0x0  }
0x16: {  	s3 =	sld [smem:$0x3FDB];
	s0 =	simm.s32 @p2 $0x1  }
0x17: {  	s4 =	simm.s32 $0x1BF5;
	[smem:$0x3FB8] =	sst s0  }
0x18: {  	s0 =	sld [smem:$0x3F9B];
	_ =	swait.ge [sflag:s4], $0x0  }
0x19: {  	s7 =	sld [smem:$0x3F9C]  }
0x1a: {  	s8 =	sadd.s32 $0xFFFFE003, lr  }
0x1b: {  	s9 =	sadd.s32 $0xFFFFFEF7, lr;
	s5 =	simm.s32 $0xFFFFFFFF;
	p2 =	slt.u32 s8, $0xFFFFF086  }
0x1c: {  	p1 =	slt.u32 s9, $0xF7A;
	s5 =	simm.s32 @!p2 $0x0  }
0x1d: {  	s5 =	simm.s32 @p1 $0x1;
	p0 =	seq.s32 s7, s2  }
0x1e: {  	s7 =	smul.u32 @!p0 $0xF7A, s2;
	p2 =	seq.s32 @!p0 s5, $0x0  }
0x1f: {  	s9 =	smul.u32 $0xF7A, s1;
	s8 =	simm.s32 @!p0 $0x1BF5;
	p2 =	por !p2, p0  }
0x20: {  	[sflag:s8] =	ssyncset.s32 @!p0 $0xFFFFF086;
	s6 =	sadd.s32 @!p0 s3, s7;
	s7 =	simm.s32 @!p0 $0x108  }
0x21: {  	s3 =	sadd.s32 s3, s9;
	s6 =	sadd.s32 @!p0 $0x88, s6;
	s7 =	simm.s32 @p2 $0x1082  }
0x22: {  	[simem:s7], [sflag:s8] =	dma.local @!p0 [hbm:s6], $0xF7A  }
0x23: {  	s9 =	sor.u32 $0xD0000000, s2;
	s6 =	simm.s32 $0x108;
	_ =	swait.ge @!p0 [sflag:s8], $0x0  }
0x24: {  	s3 =	sadd.s32 $0x88, s3;
	s6 =	simm.s32 @!p1 $0x1082;
	[sflag:s4] =	ssyncset.s32 $0xFFFFF086  }
0x25: {  	[simem:s6], [sflag:s4] =	dma.local [hbm:s3], $0xF7A  }
0x26: {  	[smem:$0x3F9C] =	sst s1;
	(tag) =	ssettag s2;
	_ =	strace s9  }
0x27: {  	s1 =	sld [smem:$0x3FAC]  }
0x28: {  	s2 =	sld [smem:$0x3FAD]  }
0x29: {  	s4 =	sld [smem:$0x3FAF]  }
0x2a: {  	p0 =	seq.s32 s5, $0x0;
	s5 =	sld [smem:$0x3FB0]  }
0x2b: {  	s6 =	sld [smem:$0x3FB1]  }
0x2c: {  	s7 =	sld [smem:$0x3FB2]  }
0x2d: {  	s3 =	simm.s32 $0x108;
	s8 =	sld [smem:$0x3FB3]  }
0x2e: {  	s3 =	simm.s32 @!p0 $0x1082;
	s9 =	sld [smem:$0x3FB4]  }
0x2f: {  	lr =	sadd.s32 s0, s3;
	s0 =	sld [smem:$0x3FAB]  }
0x30: {  	s3 =	sld [smem:$0x3FAE]  }
0x31: {  	[smem:$0x3FB7] =	sst s10  }
0x32: {  	s10 =	sld [smem:$0x3FB5];
	_ =	sdelay $0x3  }
0x33: {  	p0 =	seq.s32 s10, $0x1;
	s10 =	sld [smem:$0x3FB7];
	_ =	sdelay $0x3  }
0x34: {  	[smem:$0x3FB7] =	sst s10  }
0x35: {  	s10 =	sld [smem:$0x3FB6];
	_ =	sdelay $0x3  }
0x36: {  	p1 =	seq.s32 s10, $0x1;
	s10 =	sld [smem:$0x3FB7];
	_ =	sdelay $0x3  }
0x37: {  	[smem:$0x3FB7] =	sst s10  }
0x38: {  	s10 =	sld [smem:$0x3FB8]  }
0x39: {  	_ = 	snop;
	(pc) =	sbr.ind lr, $3  }
0x3a: {  	_ = 	snop  }
0x3b: {  	_ = 	snop  }
0x3c: {  	p2 =	seq.s32 s10, $0x1;
	s10 =	sld [smem:$0x3FB7]  }
0x3d: {  	_ =	shalt  }
0x3e: {  	_ =	shalt  }
0x3f: {  	_ =	shalt  }
0x40: {  	_ =	shalt  }
0x41: {  	_ =	shalt  }
0x42: {  	_ =	shalt  }
0x43: {  	_ =	shalt  }
0x44: {  	_ =	shalt  }
0x45: {  	_ =	shalt  }
0x46: {  	_ =	shalt  }
0x47: {  	_ =	shalt  }
0x48: {  	_ =	shalt  }
0x49: {  	_ =	shalt  }
0x4a: {  	_ =	shalt  }
0x4b: {  	_ =	shalt  }
0x4c: {  	_ =	shalt  }
0x4d: {  	_ =	shalt  }
0x4e: {  	_ =	shalt  }
0x4f: {  	_ =	shalt  }
0x50: {  	_ =	shalt  }
0x51: {  	_ =	shalt  }
0x52: {  	_ =	shalt  }
0x53: {  	_ =	shalt  }
0x54: {  	_ =	shalt  }
0x55: {  	_ =	shalt  }
0x56: {  	_ =	shalt  }
0x57: {  	_ =	shalt  }
0x58: {  	_ =	shalt  }
0x59: {  	_ =	shalt  }
0x5a: {  	_ =	shalt  }
0x5b: {  	_ =	shalt  }
0x5c: {  	_ =	shalt  }
0x5d: {  	_ =	shalt  }
0x5e: {  	_ =	shalt  }
0x5f: {  	_ =	shalt  }
0x60: {  	_ =	shalt  }
0x61: {  	_ =	shalt  }
0x62: {  	_ =	shalt  }
0x63: {  	_ =	shalt  }
0x64: {  	_ =	shalt  }
0x65: {  	_ =	shalt  }
0x66: {  	_ =	shalt  }
0x67: {  	_ =	shalt  }
0x68: {  	_ =	shalt  }
0x69: {  	_ =	shalt  }
0x6a: {  	_ =	shalt  }
0x6b: {  	_ =	shalt  }
0x6c: {  	_ =	shalt  }
0x6d: {  	_ =	shalt  }
0x6e: {  	_ =	shalt  }
0x6f: {  	_ =	shalt  }
0x70: {  	_ =	shalt  }
0x71: {  	_ =	shalt  }
0x72: {  	_ =	shalt  }
0x73: {  	_ =	shalt  }
0x74: {  	_ =	shalt  }
0x75: {  	_ =	shalt  }
0x76: {  	_ =	shalt  }
0x77: {  	_ =	shalt  }
0x78: {  	_ =	shalt  }
0x79: {  	_ =	shalt  }
0x7a: {  	_ =	shalt  }
0x7b: {  	_ =	shalt  }
0x7c: {  	_ =	shalt  }
0x7d: {  	_ =	shalt  }
0x7e: {  	_ =	shalt  }
0x7f: {  	_ =	shalt  }
0x80: {  	_ =	shalt  }
0x81: {  	_ =	shalt  }
0x82: {  	_ =	shalt  }
0x83: {  	_ =	shalt  }
0x84: {  	_ =	shalt  }
0x85: {  	_ =	shalt  }
0x86: {  	_ =	shalt  }
0x87: {  	_ =	shalt  }
.Lfunc_end0:
.L_simem_size_0:
called_computation_lowered:
.L_overlay_start_0:
0x88: {  	s2 =	sld [smem:$0x3FD9]  }
0x89: {  	s3 =	sld [smem:$0x3FFE];
	_ =	sdelay $0x1  }
0x8a: {  	s1 =	srdreg.scid  }
0x8b: {  	s0 =	sand.u32 $0x1, s1  }
0x8c: {  	s15 =	sshll.u32 s0, $0xA;
	s2 =	sadd.s32 s3, s2  }
0x8d: {  	s2 =	sadd.s32 s2, s15  }
0x8e: {  	[smem:$0x3FC3] =	sst s2  }
0x8f: {  	_ = 	snop  }
0x90: {  	s2 =	sld [smem:$0x3FC9]  }
0x91: {  	s16 =	sld [smem:$0x3FC8]  }
0x92: {  	s4 =	sld [smem:$0x3FD0]  }
0x93: {  	s5 =	sld [smem:$0x3FC7]  }
0x94: {  	s6 =	sld [smem:$0x3FC6]  }
0x95: {  	s8 =	simm.s32 $0xA;
	s9 =	simm.s32 $0x10;
	s7 =	sld [smem:$0x3FC5]  }
0x96: {  	[smem:s9], [sflag:s8] =	dma.local [hbm:s4], $0x1  }
0x97: {  	_ =	swait.eq [sflag:s8], $0x1  }
0x98: {  	s17 =	sld [smem:$0x10]  }
0x99: {  	s18 =	sld [smem:$0x11];
	[sflag:s8] =	ssyncset.done $0x0  }
0x9a: {  	s10 =	sld [smem:$0x12];
	[sflag:s8] =	ssyncadd.s32 $0xFFFFFFFF  }
0x9b: {  	s19 =	sld [smem:$0x13];
	(tm) =	ssettm $0x1  }
0x9c: {  	s11 =	sld [smem:$0x3FFB];
	_ =	sdelay $0x3  }
0x9d: {  	_ =	strace s11  }
0x9e: {  	s11 =	sld [smem:$0x3FFC];
	_ =	sdelay $0x3  }
0x9f: {  	_ =	strace s11  }
0xa0: {  	s11 =	sld [smem:$0x3FFD];
	_ =	sdelay $0x3  }
0xa1: {  	_ =	strace s11  }
0xa2: {  	_ =	strace $0x8FFFFFFF  }
0xa3: {  	s20 =	sld [smem:$0x3FDB];
	_ =	sdelay $0x1  }
0xa4: {  	s12 =	simm.s32 $_scs_section_size  }
0xa5: {  	s13 =	simm.s32 $_size__tile_overlayer_lowered;
	s14 =	simm.s32 $_tile_overlayer_lowered  }
0xa6: {  	s23 =	simm.s32 $0x1BFF;
	s22 =	sshll.u32 s14, $0x1;
	s11 =	sadd.s32 s12, s20  }
0xa7: {  	s21 =	sshll.u32 s13, $0x1;
	s15 =	simm.s32 $0x0;
	s13 =	sadd.s32 s22, s11  }
0xa8: {  	[timem:s15], [sflag:s23] =	dma.local [hbm:s13], s21  }
0xa9: {  	_ =	swait.ge [sflag:s23], s21  }
0xaa: {  	s12 =	ssub.s32 $0x0, s21;
	[sflag:s23] =	ssyncset.done $0x0  }
0xab: {  	[sflag:s23] =	ssyncadd.s32 s12;
	_ =	sdelay $0x1  }
0xac: {  	s24 =	simm.s32 $0x1B8B  }
0xad: {  	_ =	swait.ge [sflag:s24], $0x1  }
0xae: {  	[sflag:s24] =	ssyncset.done $0x0  }
0xaf: {  	s25 =	simm.s32 $0x1B8E;
	[sflag:s24] =	ssyncadd.s32 $0xFFFFFFFF  }
0xb0: {  	s26 =	simm.s32 $execute0_lowered;
	[smem:$0x3FD2] =	sst s25  }
0xb1: {  	s12 =	sshll.u32 s26, $0x1;
	_ =	strace $0x80000046;
	[dreg:$0x1] =	wrdreg $0xFFFFFFFF  }
0xb2: {  	s28 =	simm.s32 $_size_execute0_lowered;
	s11 =	sadd.s32 s11, s12;
	[dreg:$0x0] =	wrdreg $0x0  }
0xb3: {  	s12 =	sshll.u32 s28, $0x1;
	[dreg:$0x2] =	wrdreg s11  }
0xb4: {  	[dreg:$0x3] =	wrdreg s12  }
0xb5: {  	[dreg:$0x4] =	wrdreg $0xC0  }
0xb6: {  	_ =	task [dreg:s15], $0x5FFFF  }
0xb7: {  	[dreg:$0x1] =	wrdreg $0xFFFFFFFF  }
0xb8: {  	[dreg:$0x0] =	wrdreg $0x60  }
0xb9: {  	[dreg:$0x2] =	wrdreg s2  }
0xba: {  	[dreg:$0x3] =	wrdreg s16  }
0xbb: {  	[dreg:$0x4] =	wrdreg s5  }
0xbc: {  	[dreg:$0x5] =	wrdreg s6  }
0xbd: {  	[dreg:$0x6] =	wrdreg s7  }
0xbe: {  	[dreg:$0x7] =	wrdreg s17  }
0xbf: {  	[dreg:$0x8] =	wrdreg s18  }
0xc0: {  	[dreg:$0x9] =	wrdreg s10  }
0xc1: {  	[dreg:$0xa] =	wrdreg s19  }
0xc2: {  	[dreg:$0xb] =	wrdreg $0x9  }
0xc3: {  	_ =	task.clear_ibuf [dreg:s15], $0xCFFFF;
	_ =	strace $0x90000046  }
0xc4: {  	s29 =	simm.s32 $0x9;
	_ =	strace $0x80000048  }
0xc5: {  	_ =	swait.ge [sflag:s29], $0x1  }
0xc6: {  	[sflag:s29] =	ssyncadd.s32 $0xFFFFFFFF  }
0xc7: {  	_ =	strace $0x90000048  }
0xc8: {  	_ =	sfence  }
0xc9: {  	s30 =	sld [smem:$0x0];
	_ =	sdelay $0x2  }
0xca: {  	s31 =	sshll.u32 s1, $0xD;
	s1 =	sshrl.u32 s1, $0x2  }
0xcb: {  	s3 =	sand.u32 $0x4000, s31;
	s1 =	sadd.s32 s1, s30  }
0xcc: {  	s0 =	sor.u32 s3, s0;
	s1 =	sshll.u32 s1, $0x11  }
0xcd: {  	s0 =	sor.u32 s1, s0  }
0xce: {  	s0 =	sadd.s32 $0x8F2B, s0  }
0xcf: {  	[sflag:s0] =	ssyncadd.remote.s32 $0x1  }
0xd0: {  	_ =	sfence.sel $0xFFFF  }
0xd1: {  	[dreg:$0x0] =	wrdreg $0xFFFFFFFF;
	(pc) =	sbr.abs _section_cstart, $3  }
0xd2: {  	[dreg:$0x1] =	wrdreg $0xFFFFFFFF  }
0xd3: {  	_ =	task.clear_ibuf [dreg:s15], $0x2FFFF;
	_ =	strace $0x9FFFFFFF  }
0xd4: {  	(tm) =	ssettm $0x7FFFFFFF  }
0xd5: {  	_ =	shalt  }
tec
execute0_lowered:
.L_overlay_start_1:
0x0: {  	(tag) =	ssettag $0x1  }
0x1: {  	s0 =	rddreg [dreg:$0x0]  }
0x2: {  	s3 =	rddreg [dreg:$0x1]  }
0x3: {  	s5 =	rddreg [dreg:$0x2]  }
0x4: {  	s1 =	rddreg [dreg:$0x3]  }
0x5: {  	s2 =	rddreg [dreg:$0x4]  }
0x6: {  	s6 =	rddreg [dreg:$0x5]  }
0x7: {  	s7 =	rddreg [dreg:$0x6]  }
0x8: {  	s8 =	rddreg [dreg:$0x7]  }
0x9: {  	s9 =	rddreg [dreg:$0x8];
	s10 =	srdreg.scid  }
0xa: {  	s4 =	simm.s32 $0x0;
	s12 =	stileid.u32;
	s28 =	simm.s32 $0x80  }
0xb: {  	s29 =	simm.s32 $0x600;
	s30 =	simm.s32 $0x4600;
	s10 =	sand.u32 $0x1, s10  }
0xc: {  	s12 =	sshll.u32 s12, $0xA;
	s11 =	ssub.s32 $0x2, s10;
	s10 =	sshll.u32 s10, $0x9  }
0xd: {  	s31 =	simm.s32 $0x8600;
	[smem:$0x7FF] =	sst s4;
	s10 =	sor.u32 s10, s12  }
0xe: {  	_ =	strace $0x80000047;
	s13 =	sshrl.u32 s11, $0x1;
	s12 =	sshrl.u32 s10, $0x3  }
0xf: {  	s11 =	ssub.s32 s11, s13;
	s10 =	sshll.u32 s10, $0x4;
	s0 =	sadd.s32 s0, s12  }
0x10: {  	s3 =	sadd.s32 s3, s12;
	s13 =	sadd.s32 s5, s12;
	[dreg:$0xa] =	wrdreg s0  }
0x11: {  	s14 =	sadd.s32 s7, s10;
	s15 =	sor.u32 $0x800, s10;
	[dreg:$0xb] =	wrdreg s3  }
0x12: {  	s16 =	sadd.s32 s8, s10;
	s17 =	sadd.s32 s9, s10;
	[dreg:$0xc] =	wrdreg s13  }
0x13: {  	s20 =	sor.u32 $0x1000, s10;
	s25 =	sadd.s32 s6, s12;
	[dreg:$0xd] =	wrdreg s14  }
0x14: {  	s26 =	smax.u32 s11, $0x1;
	s5 =	simm.s32 $0x5;
	[dreg:$0xe] =	wrdreg s16  }
0x15: {  	s6 =	simm.s32 $0x6;
	s11 =	simm.s32 $0x7;
	[dreg:$0xf] =	wrdreg s17  }
0x16: {  	s12 =	simm.s32 $0x8;
	s18 =	sadd.s32 s7, s15;
	[dreg:$0x19] =	wrdreg s25  }
0x17: {  	s19 =	sadd.s32 s8, s15;
	s3 =	sadd.s32 s9, s15;
	[dreg:$0x1a] =	wrdreg s26  }
0x18: {  	s21 =	sadd.s32 s7, s20;
	s22 =	sadd.s32 s8, s20;
	[dreg:$0x10] =	wrdreg s18  }
0x19: {  	s0 =	sor.u32 $0x1800, s10;
	s10 =	simm.s32 $0xC;
	[dreg:$0x11] =	wrdreg s19  }
0x1a: {  	s13 =	simm.s32 $0x9;
	s14 =	simm.s32 $0xD;
	[dreg:$0x12] =	wrdreg s3  }
0x1b: {  	s15 =	simm.s32 $0xE;
	s16 =	simm.s32 $0xF;
	[dreg:$0x13] =	wrdreg s21  }
0x1c: {  	s17 =	simm.s32 $0x10;
	[dreg:$0x14] =	wrdreg s22;
	s3 =	sadd.s32 s9, s20  }
0x1d: {  	s23 =	sadd.s32 s7, s0;
	s24 =	sadd.s32 s8, s0;
	[dreg:$0x15] =	wrdreg s3  }
0x1e: {  	s0 =	sadd.s32 s9, s0;
	s22 =	simm.s32 $0x14600;
	[dreg:$0x16] =	wrdreg s23  }
0x1f: {  	s7 =	simm.s32 $0x18600;
	s8 =	simm.s32 $0xA;
	[dreg:$0x17] =	wrdreg s24  }
0x20: {  	v0 =	vlaneseq.u32;
	s9 =	simm.s32 $0xB;
	s18 =	simm.s32 $0x0;
	[dreg:$0x18] =	wrdreg s0  }
0x21: {  	v0 =	vmul.u32 $0x80, v0;
	s0 =	simm.s32 $0xC600;
	s3 =	simm.s32 $0x10600;
	s23 =	simm.s32 $0x4  }
.LBB2_1:
0x22: {  	s19 =	rddreg [dreg:$0xa]  }
0x23: {  	[tilespmem:s4], [sflag:$0x1] =	stream.linear.gather [hbm4b:s19+s4], $0x200, $0x38;
	[tilespmem:$0x19000] =	vst v63  }
0x24: {  	s25 =	rddreg [dreg:$0xb];
	s20 =	simm.s32 $0x200  }
0x25: {  	[tilespmem:s20], [sflag:$0x2] =	stream.linear.gather [hbm4b:s25+s4], $0x200, $0x38;
	[tilespmem:$0x19000] =	vst v63  }
0x26: {  	s26 =	rddreg [dreg:$0xc];
	s21 =	simm.s32 $0x400;
	s24 =	simm.s32 $0x1  }
0x27: {  	[tilespmem:s21], [sflag:$0x3] =	stream.linear.gather [hbm4b:s26+s4], $0x200, $0x38;
	[tilespmem:$0x19000] =	vst v63  }
0x28: {  	_ =	swait.ge [sflag:s24], $0x200  }
0x29: {  	[sflag:s24] =	ssyncset.done $0x0  }
0x2a: {  	s25 =	simm.s32 $0x2;
	[sflag:s24] =	ssyncadd.s32 $0xFFFFFE00  }
0x2b: {  	_ =	swait.ge [sflag:s25], $0x200  }
0x2c: {  	[sflag:s25] =	ssyncset.done $0x0  }
0x2d: {  	s26 =	simm.s32 $0x3;
	[sflag:s25] =	ssyncadd.s32 $0xFFFFFE00  }
0x2e: {  	_ =	swait.ge [sflag:s26], $0x200  }
0x2f: {  	[sflag:s26] =	ssyncset.done $0x0  }
0x30: {  	[sflag:s26] =	ssyncadd.s32 $0xFFFFFE00  }
0x31: {  	[tilespmem:s29], [sflag:$0x4] =	stream.indirect.gather [hbm4b:s1+s28], $0x80, s4, s28, $0xb8;
	[tilespmem:$0x19000] =	vst v63  }
0x32: {  	_ = 	snop  }
0x33: {  	[tilespmem:s30], [sflag:$0x5] =	stream.indirect.gather [hbm4b:s2+s28], $0x80, s20, s28, $0xb8;
	[tilespmem:$0x19000] =	vst v63  }
0x34: {  	_ = 	snop  }
0x35: {  	[tilespmem:s31], [sflag:$0x6] =	stream.indirect.gather [hbm4b:s2+s28], $0x80, s21, s28, $0xb8;
	[tilespmem:$0x19000] =	vst v63  }
0x36: {  	_ = 	snop  }
0x37: {  	[tilespmem:s0], [sflag:$0x7] =	stream.indirect.gather [hbm4b:s1+s28], $0x80, s28, s28, $0xb8;
	[tilespmem:$0x19000] =	vst v63  }
0x38: {  	s24 =	simm.s32 $0x280  }
0x39: {  	[tilespmem:s3], [sflag:$0x8] =	stream.indirect.gather [hbm4b:s2+s28], $0x80, s24, s28, $0xb8;
	[tilespmem:$0x19000] =	vst v63  }
0x3a: {  	s25 =	simm.s32 $0x480  }
0x3b: {  	[tilespmem:s22], [sflag:$0x9] =	stream.indirect.gather [hbm4b:s2+s28], $0x80, s25, s28, $0xb8;
	[tilespmem:$0x19000] =	vst v63  }
0x3c: {  	_ =	swait.ge [sflag:s23], $0x4000  }
0x3d: {  	[sflag:s23] =	ssyncset.done $0x0  }
0x3e: {  	[sflag:s23] =	ssyncadd.s32 $0xFFFFC000  }
0x3f: {  	_ =	swait.ge [sflag:s5], $0x4000  }
0x40: {  	[sflag:s5] =	ssyncset.done $0x0  }
0x41: {  	[sflag:s5] =	ssyncadd.s32 $0xFFFFC000  }
0x42: {  	_ =	swait.ge [sflag:s6], $0x4000  }
0x43: {  	[sflag:s6] =	ssyncset.done $0x0  }
0x44: {  	s26 =	rddreg [dreg:$0xd];
	[sflag:s6] =	ssyncadd.s32 $0xFFFFC000  }
0x45: {  	[hbm4b:s26+s4] =	stream.linear.scatter [tilespmem:s29], [sflag:$0xA], $0x4000, $0x38;
	[tilespmem:$0x19000] =	vst v63  }
0x46: {  	s20 =	rddreg [dreg:$0xe]  }
0x47: {  	[hbm4b:s20+s4] =	stream.linear.scatter [tilespmem:s30], [sflag:$0xB], $0x4000, $0x38;
	[tilespmem:$0x19000] =	vst v63  }
0x48: {  	s19 =	simm.s32 $0x680;
	s21 =	rddreg [dreg:$0xf]  }
0x49: {  	[hbm4b:s21+s4] =	stream.linear.scatter [tilespmem:s31], [sflag:$0xC], $0x4000, $0x38;
	[tilespmem:$0x19000] =	vst v63  }
0x4a: {  	v1 =	vld [tilespmem:s19+$0x60]  }
0x4b: {  	v2 =	vld [tilespmem:s19+$0x50]  }
0x4c: {  	v3 =	vld [tilespmem:s19+$0x40]  }
0x4d: {  	v4 =	vld [tilespmem:s19+$0x30]  }
0x4e: {  	v5 =	vld [tilespmem:s19+$0x20]  }
0x4f: {  	v6 =	vld [tilespmem:s19+$0x10]  }
0x50: {  	s24 =	simm.s32 $0x4680;
	v7 =	vld [tilespmem:s19+$0x0]  }
0x51: {  	s25 =	simm.s32 $0x8680;
	v8 =	vld [tilespmem:s24+$0x0]  }
0x52: {  	v9 =	vld [tilespmem:s25+$0x0]  }
0x53: {  	v10 =	vld [tilespmem:s24+$0x10]  }
0x54: {  	v11 =	vld [tilespmem:s25+$0x10]  }
0x55: {  	v12 =	vld [tilespmem:s24+$0x20]  }
0x56: {  	v13 =	vld [tilespmem:s25+$0x20]  }
0x57: {  	v14 =	vld [tilespmem:s24+$0x30]  }
0x58: {  	v15 =	vld [tilespmem:s25+$0x30]  }
0x59: {  	v16 =	vld [tilespmem:s24+$0x40]  }
0x5a: {  	v17 =	vld [tilespmem:s25+$0x40]  }
0x5b: {  	v18 =	vld [tilespmem:s24+$0x50]  }
0x5c: {  	v19 =	vld [tilespmem:s25+$0x50]  }
0x5d: {  	v20 =	vld [tilespmem:s24+$0x60]  }
0x5e: {  	v21 =	vld [tilespmem:s25+$0x60]  }
0x5f: {  	v22 =	vld [tilespmem:s24+$0x70]  }
0x60: {  	v23 =	vld [tilespmem:s25+$0x70]  }
0x61: {  	v24 =	vld [tilespmem:s24+$0xFFFFFF80]  }
0x62: {  	v25 =	vld [tilespmem:s19+$0x70]  }
0x63: {  	v26 =	vld [tilespmem:s25+$0xFFFFFF80]  }
0x64: {  	v27 =	vld [tilespmem:s24+$0xFFFFFF90]  }
0x65: {  	v28 =	vld [tilespmem:s25+$0xFFFFFF90]  }
0x66: {  	v29 =	vld [tilespmem:s19+$0xFFFFFF80]  }
0x67: {  	v30 =	vld [tilespmem:s19+$0xFFFFFF90];
	v8 =	vsub.f32 v8, v9  }
0x68: {  	v31 =	vld [tilespmem:s24+$0xFFFFFFA0]  }
0x69: {  	v32 =	vld [tilespmem:s19+$0xFFFFFFA0];
	v7 =	vmul.f32 v8, v7;
	v8 =	vsub.f32 v10, v11  }
0x6a: {  	v9 =	vld [tilespmem:s25+$0xFFFFFFA0]  }
0x6b: {  	v10 =	vld [tilespmem:s24+$0xFFFFFFB0];
	v6 =	vmul.f32 v8, v6;
	v7 =	vadd.f32 $0.0e+00, v7;
	v8 =	vsub.f32 v12, v13  }
0x6c: {  	v54 =	vsub.f32 v24, v26;
	v11 =	vld [tilespmem:s25+$0xFFFFFFB0]  }
0x6d: {  	v53 =	vld [tilespmem:s19+$0xFFFFFFB0];
	v6 =	vadd.f32 v6, v7;
	v5 =	vmul.f32 v8, v5;
	v7 =	vsub.f32 v14, v15  }
0x6e: {  	v55 =	vld [tilespmem:s24+$0xFFFFFFC0];
	v56 =	vsub.f32 v27, v28;
	v13 =	vmul.f32 v54, v29  }
0x6f: {  	v57 =	vld [tilespmem:s19+$0xFFFFFFC0];
	v5 =	vadd.f32 v5, v6;
	v4 =	vmul.f32 v7, v4;
	v6 =	vsub.f32 v16, v17  }
0x70: {  	v9 =	vsub.f32 v31, v9;
	v8 =	vld [tilespmem:s25+$0xFFFFFFC0];
	v14 =	vmul.f32 v56, v30;
	v13 =	vadd.f32 $0.0e+00, v13  }
0x71: {  	v58 =	vld [tilespmem:s25+$0xFFFFFFD0];
	v10 =	vsub.f32 v10, v11;
	v4 =	vadd.f32 v4, v5;
	v3 =	vmul.f32 v6, v3  }
0x72: {  	v9 =	vmul.f32 v9, v32;
	v7 =	vld [tilespmem:s24+$0xFFFFFFD0];
	v13 =	vadd.f32 v14, v13;
	v5 =	vsub.f32 v18, v19  }
0x73: {  	v59 =	vsub.f32 v20, v21;
	v11 =	vld [tilespmem:s24+$0xFFFFFFE0];
	v3 =	vadd.f32 v3, v4  }
0x74: {  	v6 =	vld [tilespmem:s19+$0xFFFFFFD0];
	v2 =	vmul.f32 v5, v2;
	v5 =	vadd.f32 v9, v13;
	v9 =	vmul.f32 v10, v53  }
0x75: {  	s26 =	simm.s32 $0x1;
	v12 =	vmul.f32 v59, v1;
	v8 =	vsub.f32 v55, v8;
	v4 =	vld [tilespmem:s25+$0xFFFFFFE0]  }
0x76: {  	v3 =	vadd.f32 v2, v3;
	v2 =	vadd.f32 v9, v5;
	v9 =	vmov s26  }
0x77: {  	v60 =	vld [tilespmem:s24+$0xFFFFFFF0];
	v8 =	vmul.f32 v8, v57;
	v7 =	vsub.f32 v7, v58;
	v9 =	vand.u32 $0x7F, v9  }
0x78: {  	v62 =	vsub.f32 v22, v23;
	v5 =	vld [tilespmem:s25+$0xFFFFFFF0];
	v9 =	vbroadcast v9, $0x0  }
0x79: {  	v10 =	vld [tilespmem:s19+$0xFFFFFFE0];
	v6 =	vmul.f32 v7, v6;
	v8 =	vadd.f32 v8, v2;
	v12 =	vadd.f32 v12, v3  }
0x7a: {  	v61 =	vld [tilespmem:s19+$0xFFFFFFF0];
	s19 =	simm.s32 $0x780;
	v7 =	vsub.f32 v11, v4;
	v11 =	vor.u32 v0, v9;
	v9 =	vmul.f32 v62, v25  }
0x7b: {  	v1 =	vld [tilespmem:s19+$0x60];
	v6 =	vadd.f32 v6, v8;
	v8 =	vmov s4  }
0x7c: {  	v2 =	vld [tilespmem:s19+$0x50];
	v12 =	vadd.f32 v9, v12;
	v9 =	vand.u32 $0x7E, v8  }
0x7d: {  	v3 =	vld [tilespmem:s19+$0x40];
	v5 =	vsub.f32 v60, v5;
	v63 =	vbroadcast v9, $0x0  }
0x7e: {  	v4 =	vld [tilespmem:s19+$0x30];
	v10 =	vmul.f32 v7, v10  }
0x7f: {  	v7 =	vld [tilespmem:s19+$0x20];
	v14 =	vmul.f32 v5, v61;
	v5 =	vor.u32 v0, v63  }
0x80: {  	v8 =	vld [tilespmem:s19+$0x10];
	v6 =	vadd.f32 v10, v6  }
0x81: {  	s24 =	simm.s32 $0x4780;
	v9 =	vld [tilespmem:s19+$0x0]  }
0x82: {  	s21 =	simm.s32 $0x8780;
	v10 =	vld [tilespmem:s24+$0x0];
	v6 =	vadd.f32 v14, v6  }
0x83: {  	s20 =	simm.s32 $0x2;
	s25 =	simm.s32 $0x4;
	[tilespmem:v11+s7+$0x0] =	vst.idx.msk $0xffff, v12;
	v11 =	vld [tilespmem:s21+$0x0]  }
.LBB2_2:
0x84: {  	p0 =	slt.u32 s25, $0x7E;
	v12 =	vld [tilespmem:s24+$0x10];
	[tilespmem:v5+s7+$0x0] =	vst.idx.msk $0xffff, v6  }
0x85: {  	v5 =	vld [tilespmem:s21+$0x10]  }
0x86: {  	v6 =	vld [tilespmem:s24+$0x20]  }
0x87: {  	v13 =	vld [tilespmem:s21+$0x20]  }
0x88: {  	v10 =	vsub.f32 v10, v11;
	v11 =	vld [tilespmem:s24+$0x30]  }
0x89: {  	v14 =	vld [tilespmem:s21+$0x30]  }
0x8a: {  	v9 =	vmul.f32 v10, v9;
	v5 =	vsub.f32 v12, v5;
	v10 =	vld [tilespmem:s24+$0x40]  }
0x8b: {  	v12 =	vld [tilespmem:s21+$0x40]  }
0x8c: {  	v9 =	vadd.f32 $0.0e+00, v9;
	v5 =	vmul.f32 v5, v8;
	v6 =	vsub.f32 v6, v13;
	v8 =	vld [tilespmem:s24+$0x50]  }
0x8d: {  	v13 =	vld [tilespmem:s21+$0x50]  }
0x8e: {  	v5 =	vadd.f32 v5, v9;
	v6 =	vmul.f32 v6, v7;
	v7 =	vsub.f32 v11, v14;
	v9 =	vld [tilespmem:s24+$0x60]  }
0x8f: {  	v11 =	vld [tilespmem:s21+$0x60]  }
0x90: {  	s26 =	sadd.s32 $0x1, s20;
	v5 =	vadd.f32 v6, v5;
	v4 =	vmul.f32 v7, v4;
	v6 =	vsub.f32 v10, v12;
	v7 =	vld [tilespmem:s24+$0x70]  }
0x91: {  	v12 =	vmov s26;
	v10 =	vld [tilespmem:s21+$0x70]  }
0x92: {  	v14 =	vld [tilespmem:s24+$0xFFFFFF80];
	v4 =	vadd.f32 v4, v5;
	v3 =	vmul.f32 v6, v3;
	v5 =	vsub.f32 v8, v13  }
0x93: {  	v8 =	vand.u32 $0x7F, v12;
	v6 =	vld [tilespmem:s19+$0x70]  }
0x94: {  	v12 =	vld [tilespmem:s21+$0xFFFFFF80];
	v3 =	vadd.f32 v3, v4;
	v2 =	vmul.f32 v5, v2;
	v4 =	vsub.f32 v9, v11  }
0x95: {  	v8 =	vbroadcast v8, $0x0;
	v5 =	vld [tilespmem:s24+$0xFFFFFF90]  }
0x96: {  	v9 =	vld [tilespmem:s21+$0xFFFFFF90];
	v2 =	vadd.f32 v2, v3;
	v1 =	vmul.f32 v4, v1;
	v3 =	vsub.f32 v7, v10  }
0x97: {  	v7 =	vor.u32 v0, v8;
	v4 =	vld [tilespmem:s19+$0xFFFFFF80]  }
0x98: {  	v8 =	vld [tilespmem:s19+$0xFFFFFF90];
	v1 =	vadd.f32 v1, v2;
	v2 =	vmul.f32 v3, v6  }
0x99: {  	v3 =	vsub.f32 v14, v12;
	v6 =	vld [tilespmem:s24+$0xFFFFFFA0]  }
0x9a: {  	v10 =	vld [tilespmem:s21+$0xFFFFFFA0];
	v1 =	vadd.f32 v2, v1  }
0x9b: {  	v2 =	vsub.f32 v5, v9;
	v5 =	vld [tilespmem:s19+$0xFFFFFFA0]  }
0x9c: {  	v3 =	vmul.f32 v3, v4;
	v4 =	vld [tilespmem:s24+$0xFFFFFFB0];
	[tilespmem:v7+s7+$0x0] =	vst.idx.msk $0xffff, v1  }
0x9d: {  	v1 =	vmul.f32 v2, v8;
	v2 =	vld [tilespmem:s21+$0xFFFFFFB0]  }
0x9e: {  	v3 =	vadd.f32 $0.0e+00, v3;
	v7 =	vld [tilespmem:s19+$0xFFFFFFB0]  }
0x9f: {  	v6 =	vsub.f32 v6, v10;
	v8 =	vld [tilespmem:s24+$0xFFFFFFC0]  }
0xa0: {  	v1 =	vadd.f32 v1, v3;
	v3 =	vld [tilespmem:s21+$0xFFFFFFC0]  }
0xa1: {  	v5 =	vmul.f32 v6, v5;
	v6 =	vld [tilespmem:s19+$0xFFFFFFC0]  }
0xa2: {  	v2 =	vsub.f32 v4, v2;
	v4 =	vld [tilespmem:s24+$0xFFFFFFD0]  }
0xa3: {  	v1 =	vadd.f32 v5, v1;
	v5 =	vld [tilespmem:s21+$0xFFFFFFD0]  }
0xa4: {  	v2 =	vmul.f32 v2, v7;
	v7 =	vld [tilespmem:s19+$0xFFFFFFD0]  }
0xa5: {  	v3 =	vsub.f32 v8, v3;
	v8 =	vld [tilespmem:s24+$0xFFFFFFE0]  }
0xa6: {  	v1 =	vadd.f32 v2, v1;
	v2 =	vld [tilespmem:s21+$0xFFFFFFE0]  }
0xa7: {  	v3 =	vmul.f32 v3, v6;
	v6 =	vld [tilespmem:s19+$0xFFFFFFE0]  }
0xa8: {  	v4 =	vsub.f32 v4, v5;
	v5 =	vld [tilespmem:s24+$0xFFFFFFF0]  }
0xa9: {  	v3 =	vadd.f32 v3, v1;
	v9 =	vld [tilespmem:s21+$0xFFFFFFF0]  }
0xaa: {  	v4 =	vmul.f32 v4, v7;
	v10 =	vld [tilespmem:s19+$0xFFFFFFF0];
	s19 =	sadd.s32 $0x100, s19  }
0xab: {  	v1 =	vld [tilespmem:s19+$0x60];
	v7 =	vsub.f32 v8, v2;
	v8 =	vmov s20;
	s20 =	smov.u32 s25  }
0xac: {  	v2 =	vld [tilespmem:s19+$0x50];
	v11 =	vadd.f32 v4, v3;
	v4 =	vand.u32 $0x7E, v8  }
0xad: {  	v3 =	vld [tilespmem:s19+$0x40];
	v6 =	vmul.f32 v7, v6;
	v8 =	vbroadcast v4, $0x0  }
0xae: {  	v4 =	vld [tilespmem:s19+$0x30];
	v9 =	vsub.f32 v5, v9  }
.Ltmp0:
0xaf: {  	v7 =	vld [tilespmem:s19+$0x20];
	v6 =	vadd.f32 v6, v11;
	v5 =	vor.u32 v0, v8;
	(pc) =	sbr.rel @p0 .LBB2_2-.Ltmp0, $4  }
0xb0: {  	v8 =	vld [tilespmem:s19+$0x10];
	v11 =	vmul.f32 v9, v10  }
0xb1: {  	s24 =	sadd.s32 $0x100, s24;
	v9 =	vld [tilespmem:s19+$0x0]  }
0xb2: {  	s21 =	sadd.s32 $0x100, s21;
	v10 =	vld [tilespmem:s24+$0x0];
	v6 =	vadd.f32 v11, v6  }
0xb3: {  	s25 =	sadd.s32 $0x2, s25;
	v11 =	vld [tilespmem:s21+$0x0]  }
0xb4: {  	v12 =	vld [tilespmem:s24+$0x10]  }
0xb5: {  	v13 =	vld [tilespmem:s21+$0x10]  }
0xb6: {  	v14 =	vld [tilespmem:s24+$0x20]  }
0xb7: {  	v15 =	vld [tilespmem:s21+$0x20]  }
0xb8: {  	v16 =	vld [tilespmem:s24+$0x30]  }
0xb9: {  	v17 =	vld [tilespmem:s21+$0x30]  }
0xba: {  	v18 =	vld [tilespmem:s24+$0x40]  }
0xbb: {  	v19 =	vld [tilespmem:s21+$0x40]  }
0xbc: {  	v20 =	vld [tilespmem:s24+$0x50]  }
0xbd: {  	v21 =	vld [tilespmem:s21+$0x50]  }
0xbe: {  	v22 =	vld [tilespmem:s24+$0x60]  }
0xbf: {  	v23 =	vld [tilespmem:s21+$0x60]  }
0xc0: {  	v24 =	vld [tilespmem:s24+$0x70]  }
0xc1: {  	v25 =	vld [tilespmem:s21+$0x70]  }
0xc2: {  	v26 =	vld [tilespmem:s24+$0xFFFFFF80]  }
0xc3: {  	v27 =	vld [tilespmem:s21+$0xFFFFFF80]  }
0xc4: {  	v28 =	vld [tilespmem:s24+$0xFFFFFF90]  }
0xc5: {  	v29 =	vld [tilespmem:s21+$0xFFFFFF90]  }
0xc6: {  	v30 =	vld [tilespmem:s19+$0xFFFFFF80]  }
0xc7: {  	v31 =	vld [tilespmem:s19+$0xFFFFFF90]  }
0xc8: {  	v32 =	vld [tilespmem:s24+$0xFFFFFFA0]  }
0xc9: {  	v33 =	vld [tilespmem:s21+$0xFFFFFFA0]  }
0xca: {  	v61 =	vld [tilespmem:s19+$0xFFFFFFA0]  }
0xcb: {  	v34 =	vld [tilespmem:s24+$0xFFFFFFB0];
	v10 =	vsub.f32 v10, v11  }
0xcc: {  	v63 =	vld [tilespmem:s21+$0xFFFFFFB0]  }
0xcd: {  	v36 =	vld [tilespmem:s19+$0xFFFFFFB0];
	v62 =	vsub.f32 v12, v13;
	v9 =	vmul.f32 v10, v9  }
0xce: {  	v38 =	vld [tilespmem:s24+$0xFFFFFFC0];
	v35 =	vsub.f32 v26, v27  }
0xcf: {  	v40 =	vld [tilespmem:s21+$0xFFFFFFC0];
	v37 =	vsub.f32 v14, v15;
	v8 =	vmul.f32 v62, v8;
	v9 =	vadd.f32 $0.0e+00, v9  }
0xd0: {  	v42 =	vld [tilespmem:s19+$0xFFFFFFC0];
	v59 =	vmov s20;
	v39 =	vsub.f32 v28, v29;
	v41 =	vsub.f32 v16, v17  }
0xd1: {  	v44 =	vld [tilespmem:s24+$0xFFFFFFD0];
	v13 =	vmul.f32 v35, v30;
	v7 =	vmul.f32 v37, v7;
	v8 =	vadd.f32 v8, v9  }
0xd2: {  	v46 =	vld [tilespmem:s21+$0xFFFFFFD0];
	v43 =	vsub.f32 v32, v33;
	v45 =	vsub.f32 v18, v19;
	v15 =	vmul.f32 v39, v31  }
0xd3: {  	v47 =	vld [tilespmem:s19+$0xFFFFFFD0];
	v4 =	vmul.f32 v41, v4;
	v13 =	vadd.f32 $0.0e+00, v13;
	v7 =	vadd.f32 v7, v8  }
0xd4: {  	v48 =	vld [tilespmem:s24+$0xFFFFFFE0];
	v12 =	vsub.f32 v34, v63;
	v49 =	vsub.f32 v20, v21;
	v11 =	vmul.f32 v43, v61  }
0xd5: {  	v50 =	vld [tilespmem:s21+$0xFFFFFFE0];
	s25 =	sadd.s32 $0x1, s20;
	v3 =	vmul.f32 v45, v3;
	v13 =	vadd.f32 v15, v13;
	v4 =	vadd.f32 v4, v7  }
0xd6: {  	v54 =	vld [tilespmem:s24+$0xFFFFFFF0];
	v55 =	vmov s25;
	v51 =	vsub.f32 v38, v40;
	v12 =	vmul.f32 v12, v36  }
0xd7: {  	v56 =	vld [tilespmem:s21+$0xFFFFFFF0];
	v2 =	vmul.f32 v49, v2;
	v11 =	vadd.f32 v11, v13;
	v3 =	vadd.f32 v3, v4  }
0xd8: {  	v52 =	vld [tilespmem:s19+$0xFFFFFFE0];
	v57 =	vand.u32 $0x7F, v55;
	v53 =	vsub.f32 v22, v23;
	v9 =	vsub.f32 v44, v46  }
0xd9: {  	v11 =	vadd.f32 v12, v11;
	v4 =	vmul.f32 v51, v42;
	v2 =	vadd.f32 v2, v3;
	v3 =	vld [tilespmem:s19+$0x70]  }
0xda: {  	v58 =	vld [tilespmem:s19+$0xFFFFFFF0];
	v60 =	vsub.f32 v24, v25;
	v9 =	vmul.f32 v9, v47;
	v8 =	vbroadcast v57, $0x0  }
0xdb: {  	v7 =	vsub.f32 v48, v50;
	v4 =	vadd.f32 v4, v11;
	v11 =	vand.u32 $0x7E, v59  }
0xdc: {  	v1 =	vmul.f32 v53, v1;
	v62 =	vsub.f32 v54, v56;
	v61 =	vbroadcast v11, $0x0  }
0xdd: {  	v8 =	vor.u32 v0, v8;
	v7 =	vmul.f32 v7, v52;
	v4 =	vadd.f32 v9, v4  }
0xde: {  	p2 =	por $0x1, $0x1;
	v1 =	vadd.f32 v1, v2;
	v2 =	vmul.f32 v60, v3;
	v3 =	vor.u32 v0, v61  }
.Ltmp1:
0xdf: {  	v63 =	vmul.f32 v62, v58;
	v4 =	vadd.f32 v7, v4;
	(pc) =	sbr.rel @!p2 .LBB2_4-.Ltmp1, $4  }
0xe0: {  	v1 =	vadd.f32 v2, v1  }
0xe1: {  	[tilespmem:v5+s7+$0x0] =	vst.idx.msk $0xffff, v6;
	v2 =	vadd.f32 v63, v4  }
0xe2: {  	s20 =	simm.s32 $0x0;
	[tilespmem:v8+s7+$0x0] =	vst.idx.msk $0xffff, v1  }
0xe3: {  	p0 =	por $0x0, $0x0;
	p1 =	por $0x0, $0x0;
	s19 =	simm.s32 $0x0;
	[tilespmem:v3+s7+$0x0] =	vst.idx.msk $0xffff, v2  }
0xe4: {  	v1 =	vld [tilespmem:s20+$0x18600];
	_ =	sdelay $0x1  }
0xe5: {  	v2 =	vld [tilespmem:s20+$0x18680];
	_ =	sdelay $0x1  }
0xe6: {  	v3 =	vld [tilespmem:s20+$0x18700]  }
0xe7: {  	v1 =	vadd.f32 $0.0e+00, v1  }
0xe8: {  	v4 =	vld [tilespmem:s20+$0x18780]  }
0xe9: {  	v1 =	vadd.f32 v2, v1  }
0xea: {  	v2 =	vld [tilespmem:s20+$0x18800]  }
0xeb: {  	v1 =	vadd.f32 v3, v1  }
0xec: {  	v5 =	vld [tilespmem:s20+$0x18880];
	p2 =	por $0x1, $0x1  }
.Ltmp2:
0xed: {  	v3 =	vadd.f32 v4, v1;
	(pc) =	sbr.rel @!p2 .LBB2_6-.Ltmp2, $4  }
0xee: {  	_ = 	snop  }
0xef: {  	v1 =	vld [tilespmem:s20+$0x18900];
	v2 =	vadd.f32 v2, v3  }
0xf0: {  	v3 =	vld [tilespmem:s20+$0x18980]  }
0xf1: {  	s21 =	simm.s32 $0x10;
	p0 =	por $0x1, $0x1;
	v6 =	vadd.f32 v5, v2;
	v2 =	vld [tilespmem:s20+$0x18A00]  }
0xf2: {  	_ = 	snop  }
0xf3: {  	v4 =	vld [tilespmem:s21+$0x18600]  }
0xf4: {  	v5 =	vld [tilespmem:s20+$0x18A80];
	v1 =	vadd.f32 v1, v6  }
0xf5: {  	v6 =	vld [tilespmem:s21+$0x18680]  }
0xf6: {  	v7 =	vld [tilespmem:s21+$0x18700];
	v1 =	vadd.f32 v3, v1  }
0xf7: {  	v3 =	vld [tilespmem:s20+$0x18B00]  }
0xf8: {  	v8 =	vld [tilespmem:s21+$0x18780];
	v4 =	vadd.f32 $0.0e+00, v4;
	v1 =	vadd.f32 v2, v1  }
0xf9: {  	v2 =	vld [tilespmem:s20+$0x18B80]  }
0xfa: {  	v4 =	vadd.f32 v6, v4;
	v6 =	vld [tilespmem:s21+$0x18800];
	v1 =	vadd.f32 v5, v1  }
0xfb: {  	v5 =	vld [tilespmem:s20+$0x18C00]  }
0xfc: {  	v9 =	vld [tilespmem:s21+$0x18880];
	v4 =	vadd.f32 v7, v4;
	v1 =	vadd.f32 v3, v1  }
0xfd: {  	p2 =	por $0x1, $0x1;
	v7 =	vld [tilespmem:s20+$0x18C80]  }
.Ltmp3:
0xfe: {  	v3 =	vadd.f32 v8, v4;
	v4 =	vld [tilespmem:s20+$0x18D00];
	v2 =	vadd.f32 v2, v1;
	(pc) =	sbr.rel @!p2 .LBB2_9-.Ltmp3, $4  }
0xff: {  	v1 =	vld [tilespmem:s21+$0x18900]  }
0x100: {  	v6 =	vadd.f32 v6, v3;
	v3 =	vld [tilespmem:s21+$0x18980];
	v8 =	vadd.f32 v5, v2  }
0x101: {  	v5 =	vld [tilespmem:s20+$0x18D80]  }
0x102: {  	s24 =	simm.s32 $0x20;
	s25 =	simm.s32 $0xC0;
	p1 =	por $0x1, $0x1;
	v2 =	vld [tilespmem:s21+$0x18A00];
	v6 =	vadd.f32 v9, v6;
	v7 =	vadd.f32 v7, v8  }
.LBB2_8:
0x103: {  	p2 =	sne.s32 s25, $0x1C0;
	v8 =	vld [tilespmem:s24+$0x18600]  }
0x104: {  	v1 =	vadd.f32 v1, v6;
	v6 =	vld [tilespmem:s21+$0x18A80];
	v4 =	vadd.f32 v4, v7  }
0x105: {  	v7 =	vld [tilespmem:s24+$0x18680]  }
0x106: {  	v1 =	vadd.f32 v3, v1;
	v3 =	vld [tilespmem:s21+$0x18B00];
	v4 =	vadd.f32 v5, v4  }
0x107: {  	v5 =	vld [tilespmem:s24+$0x18700]  }
0x108: {  	v8 =	vadd.f32 $0.0e+00, v8;
	v1 =	vadd.f32 v2, v1;
	v2 =	vld [tilespmem:s21+$0x18B80];
	[tilespmem:s20+$0x18E00] =	vst v4;
	s20 =	smov.u32 s21;
	s21 =	smov.u32 s24  }
0x109: {  	v4 =	vld [tilespmem:s21+$0x18780]  }
0x10a: {  	v7 =	vadd.f32 v7, v8;
	v1 =	vadd.f32 v6, v1;
	v6 =	vld [tilespmem:s20+$0x18C00]  }
0x10b: {  	v8 =	vld [tilespmem:s21+$0x18800]  }
0x10c: {  	v5 =	vadd.f32 v5, v7;
	v1 =	vadd.f32 v3, v1;
	v7 =	vld [tilespmem:s20+$0x18C80]  }
0x10d: {  	v9 =	vld [tilespmem:s21+$0x18880]  }
.Ltmp4:
0x10e: {  	v3 =	vadd.f32 v4, v5;
	v2 =	vadd.f32 v2, v1;
	v4 =	vld [tilespmem:s20+$0x18D00];
	(pc) =	sbr.rel @p2 .LBB2_8-.Ltmp4, $4  }
0x10f: {  	v1 =	vld [tilespmem:s21+$0x18900]  }
0x110: {  	v8 =	vadd.f32 v8, v3;
	v10 =	vadd.f32 v6, v2;
	v5 =	vld [tilespmem:s20+$0x18D80]  }
0x111: {  	v3 =	vld [tilespmem:s21+$0x18980]  }
0x112: {  	s24 =	sshra.s32 s25, $0x2;
	s25 =	sadd.s32 $0x40, s25;
	v6 =	vadd.f32 v9, v8;
	v2 =	vld [tilespmem:s21+$0x18A00];
	v7 =	vadd.f32 v7, v10  }
.LBB2_9:
0x113: {  	v8 =	vld [tilespmem:s24+$0x18600]  }
0x114: {  	v9 =	vld @p0 [tilespmem:s21+$0x18A80];
	v4 =	vadd.f32 @p1 v4, v7  }
0x115: {  	v7 =	vld [tilespmem:s24+$0x18680];
	v1 =	vadd.f32 @p0 v1, v6  }
0x116: {  	v6 =	vld @p0 [tilespmem:s21+$0x18B00];
	v4 =	vadd.f32 @p1 v5, v4  }
0x117: {  	v5 =	vld [tilespmem:s24+$0x18700];
	v1 =	vadd.f32 @p0 v3, v1  }
0x118: {  	v3 =	vld @p0 [tilespmem:s21+$0x18B80];
	v8 =	vadd.f32 $0.0e+00, v8;
	[tilespmem:s20+$0x18E00] =	vst @p1 v4  }
0x119: {  	v1 =	vadd.f32 @p0 v2, v1;
	v2 =	vld [tilespmem:s24+$0x18780]  }
0x11a: {  	v4 =	vadd.f32 v7, v8  }
0x11b: {  	s20 =	smov.u32 @p0 s21;
	v1 =	vadd.f32 @p0 v9, v1;
	v7 =	vld [tilespmem:s24+$0x18800]  }
0x11c: {  	v8 =	vld @p0 [tilespmem:s20+$0x18C00];
	v4 =	vadd.f32 v5, v4  }
0x11d: {  	v1 =	vadd.f32 @p0 v6, v1;
	v5 =	vld [tilespmem:s24+$0x18880]  }
0x11e: {  	v6 =	vld @p0 [tilespmem:s20+$0x18C80];
	v2 =	vadd.f32 v2, v4  }
0x11f: {  	v1 =	vadd.f32 @p0 v3, v1;
	v3 =	vld [tilespmem:s24+$0x18900]  }
0x120: {  	v4 =	vld @p0 [tilespmem:s20+$0x18D00];
	v2 =	vadd.f32 v7, v2  }
0x121: {  	v1 =	vadd.f32 @p0 v8, v1;
	v7 =	vld [tilespmem:s24+$0x18980]  }
0x122: {  	v8 =	vld @p0 [tilespmem:s20+$0x18D80];
	v2 =	vadd.f32 v5, v2  }
0x123: {  	v5 =	vld [tilespmem:s24+$0x18A00];
	v1 =	vadd.f32 @p0 v6, v1  }
0x124: {  	v2 =	vadd.f32 v3, v2  }
0x125: {  	v1 =	vpsel p0, v1, v0;
	v3 =	vpsel p0, v4, v0;
	v4 =	vld [tilespmem:s24+$0x18A80]  }
0x126: {  	v1 =	vadd.f32 @p0 v3, v1;
	v2 =	vadd.f32 v7, v2  }
0x127: {  	v6 =	vld [tilespmem:s24+$0x18B00];
	v3 =	vpsel p0, v8, v0  }
0x128: {  	v1 =	vadd.f32 @p0 v3, v1;
	v2 =	vadd.f32 v5, v2  }
0x129: {  	s20 =	smov.u32 @p0 s20;
	v3 =	vld [tilespmem:s24+$0x18B80]  }
0x12a: {  	[tilespmem:s20+$0x18E00] =	vst @p0 v1;
	v1 =	vadd.f32 v4, v2  }
0x12b: {  	v2 =	vld [tilespmem:s24+$0x18C00]  }
0x12c: {  	v1 =	vadd.f32 v6, v1  }
0x12d: {  	v4 =	vld [tilespmem:s24+$0x18C80]  }
0x12e: {  	v1 =	vadd.f32 v3, v1  }
0x12f: {  	v3 =	vld [tilespmem:s24+$0x18D00]  }
0x130: {  	v1 =	vadd.f32 v2, v1  }
0x131: {  	v2 =	vld [tilespmem:s24+$0x18D80]  }
0x132: {  	v1 =	vadd.f32 v4, v1;
	_ =	sdelay $0x1  }
0x133: {  	v1 =	vadd.f32 v3, v1;
	_ =	sdelay $0x1  }
0x134: {  	v1 =	vadd.f32 v2, v1;
	_ =	sdelay $0x1  }
0x135: {  	[tilespmem:s24+$0x18E00] =	vst v1  }
0x136: {  	_ =	swait.ge [sflag:s8], $0x4000  }
0x137: {  	[sflag:s8] =	ssyncset.done $0x0  }
0x138: {  	[sflag:s8] =	ssyncadd.s32 $0xFFFFC000  }
0x139: {  	_ =	swait.ge [sflag:s9], $0x4000  }
0x13a: {  	[sflag:s9] =	ssyncset.done $0x0  }
0x13b: {  	[sflag:s9] =	ssyncadd.s32 $0xFFFFC000  }
0x13c: {  	_ =	swait.ge [sflag:s10], $0x4000  }
0x13d: {  	[sflag:s10] =	ssyncset.done $0x0  }
0x13e: {  	s25 =	simm.s32 $0x100;
	[sflag:s10] =	ssyncadd.s32 $0xFFFFC000  }
0x13f: {  	[tilespmem:s29], [sflag:$0x4] =	stream.indirect.gather [hbm4b:s1+s28], $0x80, s25, s28, $0xb8;
	[tilespmem:$0x19000] =	vst v63  }
0x140: {  	s26 =	simm.s32 $0x300  }
0x141: {  	[tilespmem:s30], [sflag:$0x5] =	stream.indirect.gather [hbm4b:s2+s28], $0x80, s26, s28, $0xb8;
	[tilespmem:$0x19000] =	vst v63  }
0x142: {  	s21 =	simm.s32 $0x500  }
0x143: {  	[tilespmem:s31], [sflag:$0x6] =	stream.indirect.gather [hbm4b:s2+s28], $0x80, s21, s28, $0xb8;
	[tilespmem:$0x19000] =	vst v63  }
0x144: {  	_ =	swait.ge [sflag:s11], $0x4000  }
0x145: {  	[sflag:s11] =	ssyncset.done $0x0  }
0x146: {  	[sflag:s11] =	ssyncadd.s32 $0xFFFFC000  }
0x147: {  	_ =	swait.ge [sflag:s12], $0x4000  }
0x148: {  	[sflag:s12] =	ssyncset.done $0x0  }
0x149: {  	[sflag:s12] =	ssyncadd.s32 $0xFFFFC000  }
0x14a: {  	_ =	swait.ge [sflag:s13], $0x4000  }
0x14b: {  	[sflag:s13] =	ssyncset.done $0x0  }
0x14c: {  	s24 =	rddreg [dreg:$0x10];
	[sflag:s13] =	ssyncadd.s32 $0xFFFFC000  }
0x14d: {  	[hbm4b:s24+s19] =	stream.linear.scatter [tilespmem:s0], [sflag:$0xD], $0x4000, $0x38;
	[tilespmem:$0x19000] =	vst v63  }
0x14e: {  	s25 =	rddreg [dreg:$0x11]  }
0x14f: {  	[hbm4b:s25+s19] =	stream.linear.scatter [tilespmem:s3], [sflag:$0xE], $0x4000, $0x38;
	[tilespmem:$0x19000] =	vst v63  }
0x150: {  	s20 =	simm.s32 $0xC680;
	s26 =	rddreg [dreg:$0x12]  }
0x151: {  	[hbm4b:s26+s19] =	stream.linear.scatter [tilespmem:s22], [sflag:$0xF], $0x4000, $0x38;
	[tilespmem:$0x19000] =	vst v63  }
0x152: {  	v1 =	vld [tilespmem:s20+$0x60]  }
0x153: {  	v2 =	vld [tilespmem:s20+$0x50]  }
0x154: {  	v3 =	vld [tilespmem:s20+$0x40]  }
0x155: {  	v4 =	vld [tilespmem:s20+$0x30]  }
0x156: {  	v5 =	vld [tilespmem:s20+$0x20]  }
0x157: {  	v6 =	vld [tilespmem:s20+$0x10]  }
0x158: {  	s21 =	simm.s32 $0x10680;
	v7 =	vld [tilespmem:s20+$0x0]  }
0x159: {  	s25 =	simm.s32 $0x14680;
	v8 =	vld [tilespmem:s21+$0x0]  }
0x15a: {  	v9 =	vld [tilespmem:s25+$0x0]  }
0x15b: {  	v10 =	vld [tilespmem:s21+$0x10]  }
0x15c: {  	v11 =	vld [tilespmem:s25+$0x10]  }
0x15d: {  	v12 =	vld [tilespmem:s21+$0x20]  }
0x15e: {  	v13 =	vld [tilespmem:s25+$0x20]  }
0x15f: {  	v14 =	vld [tilespmem:s21+$0x30]  }
0x160: {  	v15 =	vld [tilespmem:s25+$0x30]  }
0x161: {  	v16 =	vld [tilespmem:s21+$0x40]  }
0x162: {  	v17 =	vld [tilespmem:s25+$0x40]  }
0x163: {  	v18 =	vld [tilespmem:s21+$0x50]  }
0x164: {  	v19 =	vld [tilespmem:s25+$0x50]  }
0x165: {  	v20 =	vld [tilespmem:s21+$0x60]  }
0x166: {  	v21 =	vld [tilespmem:s25+$0x60]  }
0x167: {  	v22 =	vld [tilespmem:s21+$0x70]  }
0x168: {  	v23 =	vld [tilespmem:s25+$0x70]  }
0x169: {  	v24 =	vld [tilespmem:s21+$0xFFFFFF80]  }
0x16a: {  	v25 =	vld [tilespmem:s20+$0x70]  }
0x16b: {  	v26 =	vld [tilespmem:s25+$0xFFFFFF80]  }
0x16c: {  	v27 =	vld [tilespmem:s21+$0xFFFFFF90]  }
0x16d: {  	v28 =	vld [tilespmem:s25+$0xFFFFFF90]  }
0x16e: {  	v29 =	vld [tilespmem:s20+$0xFFFFFF80]  }
0x16f: {  	v30 =	vld [tilespmem:s20+$0xFFFFFF90];
	v8 =	vsub.f32 v8, v9  }
0x170: {  	v31 =	vld [tilespmem:s21+$0xFFFFFFA0]  }
0x171: {  	v32 =	vld [tilespmem:s20+$0xFFFFFFA0];
	v7 =	vmul.f32 v8, v7;
	v8 =	vsub.f32 v10, v11  }
0x172: {  	v9 =	vld [tilespmem:s25+$0xFFFFFFA0]  }
0x173: {  	v10 =	vld [tilespmem:s21+$0xFFFFFFB0];
	v6 =	vmul.f32 v8, v6;
	v7 =	vadd.f32 $0.0e+00, v7;
	v8 =	vsub.f32 v12, v13  }
0x174: {  	v54 =	vsub.f32 v24, v26;
	v11 =	vld [tilespmem:s25+$0xFFFFFFB0]  }
0x175: {  	v53 =	vld [tilespmem:s20+$0xFFFFFFB0];
	v6 =	vadd.f32 v6, v7;
	v5 =	vmul.f32 v8, v5;
	v7 =	vsub.f32 v14, v15  }
0x176: {  	v55 =	vld [tilespmem:s21+$0xFFFFFFC0];
	v56 =	vsub.f32 v27, v28;
	v13 =	vmul.f32 v54, v29  }
0x177: {  	v57 =	vld [tilespmem:s20+$0xFFFFFFC0];
	v5 =	vadd.f32 v5, v6;
	v4 =	vmul.f32 v7, v4;
	v6 =	vsub.f32 v16, v17  }
0x178: {  	v9 =	vsub.f32 v31, v9;
	v8 =	vld [tilespmem:s25+$0xFFFFFFC0];
	v14 =	vmul.f32 v56, v30;
	v13 =	vadd.f32 $0.0e+00, v13  }
0x179: {  	v58 =	vld [tilespmem:s25+$0xFFFFFFD0];
	v10 =	vsub.f32 v10, v11;
	v4 =	vadd.f32 v4, v5;
	v3 =	vmul.f32 v6, v3  }
0x17a: {  	v9 =	vmul.f32 v9, v32;
	v7 =	vld [tilespmem:s21+$0xFFFFFFD0];
	v13 =	vadd.f32 v14, v13;
	v5 =	vsub.f32 v18, v19  }
0x17b: {  	v59 =	vsub.f32 v20, v21;
	v11 =	vld [tilespmem:s21+$0xFFFFFFE0];
	v3 =	vadd.f32 v3, v4  }
0x17c: {  	v6 =	vld [tilespmem:s20+$0xFFFFFFD0];
	v2 =	vmul.f32 v5, v2;
	v5 =	vadd.f32 v9, v13;
	v9 =	vmul.f32 v10, v53  }
0x17d: {  	s26 =	simm.s32 $0x1;
	v12 =	vmul.f32 v59, v1;
	v8 =	vsub.f32 v55, v8;
	v4 =	vld [tilespmem:s25+$0xFFFFFFE0]  }
0x17e: {  	v3 =	vadd.f32 v2, v3;
	v2 =	vadd.f32 v9, v5;
	v9 =	vmov s26  }
0x17f: {  	v60 =	vld [tilespmem:s21+$0xFFFFFFF0];
	v8 =	vmul.f32 v8, v57;
	v7 =	vsub.f32 v7, v58;
	v9 =	vand.u32 $0x7F, v9  }
0x180: {  	v62 =	vsub.f32 v22, v23;
	v5 =	vld [tilespmem:s25+$0xFFFFFFF0];
	v9 =	vbroadcast v9, $0x0  }
0x181: {  	v10 =	vld [tilespmem:s20+$0xFFFFFFE0];
	v6 =	vmul.f32 v7, v6;
	v8 =	vadd.f32 v8, v2;
	v12 =	vadd.f32 v12, v3  }
0x182: {  	v61 =	vld [tilespmem:s20+$0xFFFFFFF0];
	s20 =	simm.s32 $0xC780;
	v7 =	vsub.f32 v11, v4;
	v11 =	vor.u32 v0, v9;
	v9 =	vmul.f32 v62, v25  }
0x183: {  	v1 =	vld [tilespmem:s20+$0x60];
	v6 =	vadd.f32 v6, v8;
	v8 =	vmov s19  }
0x184: {  	v2 =	vld [tilespmem:s20+$0x50];
	v12 =	vadd.f32 v9, v12;
	v9 =	vand.u32 $0x7E, v8  }
0x185: {  	v3 =	vld [tilespmem:s20+$0x40];
	v5 =	vsub.f32 v60, v5;
	v63 =	vbroadcast v9, $0x0  }
0x186: {  	v4 =	vld [tilespmem:s20+$0x30];
	v10 =	vmul.f32 v7, v10  }
0x187: {  	v7 =	vld [tilespmem:s20+$0x20];
	v14 =	vmul.f32 v5, v61;
	v5 =	vor.u32 v0, v63  }
0x188: {  	v8 =	vld [tilespmem:s20+$0x10];
	v6 =	vadd.f32 v10, v6  }
0x189: {  	s24 =	simm.s32 $0x10780;
	v9 =	vld [tilespmem:s20+$0x0]  }
0x18a: {  	s21 =	simm.s32 $0x14780;
	v10 =	vld [tilespmem:s24+$0x0];
	v6 =	vadd.f32 v14, v6  }
0x18b: {  	s25 =	simm.s32 $0x4;
	s19 =	simm.s32 $0x2;
	[tilespmem:v11+s7+$0x0] =	vst.idx.msk $0xffff, v12;
	v11 =	vld [tilespmem:s21+$0x0]  }
.LBB2_10:
0x18c: {  	p0 =	slt.u32 s25, $0x7E;
	v12 =	vld [tilespmem:s24+$0x10];
	[tilespmem:v5+s7+$0x0] =	vst.idx.msk $0xffff, v6  }
0x18d: {  	v5 =	vld [tilespmem:s21+$0x10]  }
0x18e: {  	v6 =	vld [tilespmem:s24+$0x20]  }
0x18f: {  	v13 =	vld [tilespmem:s21+$0x20]  }
0x190: {  	v10 =	vsub.f32 v10, v11;
	v11 =	vld [tilespmem:s24+$0x30]  }
0x191: {  	v14 =	vld [tilespmem:s21+$0x30]  }
0x192: {  	v9 =	vmul.f32 v10, v9;
	v5 =	vsub.f32 v12, v5;
	v10 =	vld [tilespmem:s24+$0x40]  }
0x193: {  	v12 =	vld [tilespmem:s21+$0x40]  }
0x194: {  	v9 =	vadd.f32 $0.0e+00, v9;
	v5 =	vmul.f32 v5, v8;
	v6 =	vsub.f32 v6, v13;
	v8 =	vld [tilespmem:s24+$0x50]  }
0x195: {  	v13 =	vld [tilespmem:s21+$0x50]  }
0x196: {  	v5 =	vadd.f32 v5, v9;
	v6 =	vmul.f32 v6, v7;
	v7 =	vsub.f32 v11, v14;
	v9 =	vld [tilespmem:s24+$0x60]  }
0x197: {  	v11 =	vld [tilespmem:s21+$0x60]  }
0x198: {  	s26 =	sadd.s32 $0x1, s19;
	v5 =	vadd.f32 v6, v5;
	v4 =	vmul.f32 v7, v4;
	v6 =	vsub.f32 v10, v12;
	v7 =	vld [tilespmem:s24+$0x70]  }
0x199: {  	v12 =	vmov s26;
	v10 =	vld [tilespmem:s21+$0x70]  }
0x19a: {  	v14 =	vld [tilespmem:s24+$0xFFFFFF80];
	v4 =	vadd.f32 v4, v5;
	v3 =	vmul.f32 v6, v3;
	v5 =	vsub.f32 v8, v13  }
0x19b: {  	v8 =	vand.u32 $0x7F, v12;
	v6 =	vld [tilespmem:s20+$0x70]  }
0x19c: {  	v12 =	vld [tilespmem:s21+$0xFFFFFF80];
	v3 =	vadd.f32 v3, v4;
	v2 =	vmul.f32 v5, v2;
	v4 =	vsub.f32 v9, v11  }
0x19d: {  	v8 =	vbroadcast v8, $0x0;
	v5 =	vld [tilespmem:s24+$0xFFFFFF90]  }
0x19e: {  	v9 =	vld [tilespmem:s21+$0xFFFFFF90];
	v2 =	vadd.f32 v2, v3;
	v1 =	vmul.f32 v4, v1;
	v3 =	vsub.f32 v7, v10  }
0x19f: {  	v7 =	vor.u32 v0, v8;
	v4 =	vld [tilespmem:s20+$0xFFFFFF80]  }
0x1a0: {  	v8 =	vld [tilespmem:s20+$0xFFFFFF90];
	v1 =	vadd.f32 v1, v2;
	v2 =	vmul.f32 v3, v6  }
0x1a1: {  	v3 =	vsub.f32 v14, v12;
	v6 =	vld [tilespmem:s24+$0xFFFFFFA0]  }
0x1a2: {  	v10 =	vld [tilespmem:s21+$0xFFFFFFA0];
	v1 =	vadd.f32 v2, v1  }
0x1a3: {  	v2 =	vsub.f32 v5, v9;
	v5 =	vld [tilespmem:s20+$0xFFFFFFA0]  }
0x1a4: {  	v3 =	vmul.f32 v3, v4;
	v4 =	vld [tilespmem:s24+$0xFFFFFFB0];
	[tilespmem:v7+s7+$0x0] =	vst.idx.msk $0xffff, v1  }
0x1a5: {  	v1 =	vmul.f32 v2, v8;
	v2 =	vld [tilespmem:s21+$0xFFFFFFB0]  }
0x1a6: {  	v3 =	vadd.f32 $0.0e+00, v3;
	v7 =	vld [tilespmem:s20+$0xFFFFFFB0]  }
0x1a7: {  	v6 =	vsub.f32 v6, v10;
	v8 =	vld [tilespmem:s24+$0xFFFFFFC0]  }
0x1a8: {  	v1 =	vadd.f32 v1, v3;
	v3 =	vld [tilespmem:s21+$0xFFFFFFC0]  }
0x1a9: {  	v5 =	vmul.f32 v6, v5;
	v6 =	vld [tilespmem:s20+$0xFFFFFFC0]  }
0x1aa: {  	v2 =	vsub.f32 v4, v2;
	v4 =	vld [tilespmem:s24+$0xFFFFFFD0]  }
0x1ab: {  	v1 =	vadd.f32 v5, v1;
	v5 =	vld [tilespmem:s21+$0xFFFFFFD0]  }
0x1ac: {  	v2 =	vmul.f32 v2, v7;
	v7 =	vld [tilespmem:s20+$0xFFFFFFD0]  }
0x1ad: {  	v3 =	vsub.f32 v8, v3;
	v8 =	vld [tilespmem:s24+$0xFFFFFFE0]  }
0x1ae: {  	v1 =	vadd.f32 v2, v1;
	v2 =	vld [tilespmem:s21+$0xFFFFFFE0]  }
0x1af: {  	v3 =	vmul.f32 v3, v6;
	v6 =	vld [tilespmem:s20+$0xFFFFFFE0]  }
0x1b0: {  	v4 =	vsub.f32 v4, v5;
	v5 =	vld [tilespmem:s24+$0xFFFFFFF0]  }
0x1b1: {  	v3 =	vadd.f32 v3, v1;
	v9 =	vld [tilespmem:s21+$0xFFFFFFF0]  }
0x1b2: {  	v4 =	vmul.f32 v4, v7;
	v10 =	vld [tilespmem:s20+$0xFFFFFFF0];
	s20 =	sadd.s32 $0x100, s20  }
0x1b3: {  	v1 =	vld [tilespmem:s20+$0x60];
	v7 =	vsub.f32 v8, v2;
	v8 =	vmov s19;
	s19 =	smov.u32 s25  }
0x1b4: {  	v2 =	vld [tilespmem:s20+$0x50];
	v11 =	vadd.f32 v4, v3;
	v4 =	vand.u32 $0x7E, v8  }
0x1b5: {  	v3 =	vld [tilespmem:s20+$0x40];
	v6 =	vmul.f32 v7, v6;
	v8 =	vbroadcast v4, $0x0  }
0x1b6: {  	v4 =	vld [tilespmem:s20+$0x30];
	v9 =	vsub.f32 v5, v9  }
.Ltmp5:
0x1b7: {  	v7 =	vld [tilespmem:s20+$0x20];
	v6 =	vadd.f32 v6, v11;
	v5 =	vor.u32 v0, v8;
	(pc) =	sbr.rel @p0 .LBB2_10-.Ltmp5, $4  }
0x1b8: {  	v8 =	vld [tilespmem:s20+$0x10];
	v11 =	vmul.f32 v9, v10  }
0x1b9: {  	s24 =	sadd.s32 $0x100, s24;
	v9 =	vld [tilespmem:s20+$0x0]  }
0x1ba: {  	s21 =	sadd.s32 $0x100, s21;
	v10 =	vld [tilespmem:s24+$0x0];
	v6 =	vadd.f32 v11, v6  }
0x1bb: {  	s25 =	sadd.s32 $0x2, s25;
	v11 =	vld [tilespmem:s21+$0x0]  }
0x1bc: {  	v12 =	vld [tilespmem:s24+$0x10]  }
0x1bd: {  	v13 =	vld [tilespmem:s21+$0x10]  }
0x1be: {  	v14 =	vld [tilespmem:s24+$0x20]  }
0x1bf: {  	v15 =	vld [tilespmem:s21+$0x20]  }
0x1c0: {  	v16 =	vld [tilespmem:s24+$0x30]  }
0x1c1: {  	v17 =	vld [tilespmem:s21+$0x30]  }
0x1c2: {  	v18 =	vld [tilespmem:s24+$0x40]  }
0x1c3: {  	v19 =	vld [tilespmem:s21+$0x40]  }
0x1c4: {  	v20 =	vld [tilespmem:s24+$0x50]  }
0x1c5: {  	v21 =	vld [tilespmem:s21+$0x50]  }
0x1c6: {  	v22 =	vld [tilespmem:s24+$0x60]  }
0x1c7: {  	v23 =	vld [tilespmem:s21+$0x60]  }
0x1c8: {  	v24 =	vld [tilespmem:s24+$0x70]  }
0x1c9: {  	v25 =	vld [tilespmem:s21+$0x70]  }
0x1ca: {  	v26 =	vld [tilespmem:s24+$0xFFFFFF80]  }
0x1cb: {  	v27 =	vld [tilespmem:s21+$0xFFFFFF80]  }
0x1cc: {  	v28 =	vld [tilespmem:s24+$0xFFFFFF90]  }
0x1cd: {  	v29 =	vld [tilespmem:s21+$0xFFFFFF90]  }
0x1ce: {  	v30 =	vld [tilespmem:s20+$0xFFFFFF80]  }
0x1cf: {  	v31 =	vld [tilespmem:s20+$0xFFFFFF90]  }
0x1d0: {  	v32 =	vld [tilespmem:s24+$0xFFFFFFA0]  }
0x1d1: {  	v33 =	vld [tilespmem:s21+$0xFFFFFFA0]  }
0x1d2: {  	v36 =	vld [tilespmem:s20+$0xFFFFFFA0]  }
0x1d3: {  	v34 =	vld [tilespmem:s24+$0xFFFFFFB0];
	v10 =	vsub.f32 v10, v11  }
0x1d4: {  	v38 =	vld [tilespmem:s21+$0xFFFFFFB0]  }
0x1d5: {  	v40 =	vld [tilespmem:s20+$0xFFFFFFB0];
	v37 =	vsub.f32 v12, v13;
	v9 =	vmul.f32 v10, v9  }
0x1d6: {  	v42 =	vld [tilespmem:s24+$0xFFFFFFC0];
	v39 =	vsub.f32 v26, v27  }
0x1d7: {  	v44 =	vld [tilespmem:s21+$0xFFFFFFC0];
	v41 =	vsub.f32 v14, v15;
	v8 =	vmul.f32 v37, v8;
	v9 =	vadd.f32 $0.0e+00, v9  }
0x1d8: {  	v48 =	vld [tilespmem:s24+$0xFFFFFFD0];
	v57 =	vmov s19;
	v43 =	vsub.f32 v28, v29;
	v13 =	vmul.f32 v39, v30  }
0x1d9: {  	v49 =	vld [tilespmem:s21+$0xFFFFFFD0];
	v45 =	vsub.f32 v16, v17;
	v7 =	vmul.f32 v41, v7;
	v8 =	vadd.f32 v8, v9  }
0x1da: {  	v46 =	vld [tilespmem:s20+$0xFFFFFFC0];
	v47 =	vsub.f32 v32, v33;
	v15 =	vmul.f32 v43, v31;
	v13 =	vadd.f32 $0.0e+00, v13  }
0x1db: {  	v50 =	vld [tilespmem:s20+$0xFFFFFFD0];
	v4 =	vmul.f32 v45, v4;
	v7 =	vadd.f32 v7, v8;
	v8 =	vsub.f32 v18, v19  }
0x1dc: {  	v51 =	vld [tilespmem:s21+$0xFFFFFFE0];
	v12 =	vsub.f32 v34, v38;
	v11 =	vmul.f32 v47, v36;
	v13 =	vadd.f32 v15, v13  }
0x1dd: {  	v4 =	vadd.f32 v4, v7;
	v3 =	vmul.f32 v8, v3;
	v7 =	vld [tilespmem:s24+$0xFFFFFFE0];
	v8 =	vsub.f32 v20, v21  }
0x1de: {  	v53 =	vld [tilespmem:s24+$0xFFFFFFF0];
	v12 =	vmul.f32 v12, v40;
	v9 =	vsub.f32 v48, v49;
	v11 =	vadd.f32 v11, v13  }
0x1df: {  	s25 =	sadd.s32 $0x1, s19;
	v55 =	vld [tilespmem:s21+$0xFFFFFFF0];
	v3 =	vadd.f32 v3, v4;
	v4 =	vsub.f32 v42, v44;
	v2 =	vmul.f32 v8, v2  }
0x1e0: {  	v52 =	vld [tilespmem:s20+$0xFFFFFFE0];
	v54 =	vmov s25;
	v9 =	vmul.f32 v9, v50;
	v8 =	vsub.f32 v22, v23  }
0x1e1: {  	v11 =	vadd.f32 v12, v11;
	v4 =	vmul.f32 v4, v46;
	v2 =	vadd.f32 v2, v3;
	v3 =	vld [tilespmem:s20+$0x70]  }
0x1e2: {  	v56 =	vld [tilespmem:s20+$0xFFFFFFF0];
	v1 =	vmul.f32 v8, v1;
	v8 =	vand.u32 $0x7F, v54;
	v7 =	vsub.f32 v7, v51  }
0x1e3: {  	v8 =	vbroadcast v8, $0x0;
	v4 =	vadd.f32 v4, v11;
	v11 =	vand.u32 $0x7E, v57  }
0x1e4: {  	v58 =	vsub.f32 v24, v25;
	v60 =	vsub.f32 v53, v55;
	v59 =	vbroadcast v11, $0x0  }
0x1e5: {  	v8 =	vor.u32 v0, v8;
	v7 =	vmul.f32 v7, v52;
	v4 =	vadd.f32 v9, v4  }
0x1e6: {  	v1 =	vadd.f32 v1, v2;
	v2 =	vmul.f32 v58, v3;
	v3 =	vor.u32 v0, v59  }
0x1e7: {  	v4 =	vadd.f32 v7, v4;
	v7 =	vmul.f32 v60, v56  }
0x1e8: {  	v1 =	vadd.f32 v2, v1  }
0x1e9: {  	[tilespmem:v5+s7+$0x0] =	vst.idx.msk $0xffff, v6;
	v2 =	vadd.f32 v7, v4  }
0x1ea: {  	[tilespmem:v8+s7+$0x0] =	vst.idx.msk $0xffff, v1  }
0x1eb: {  	s20 =	simm.s32 $0x0;
	[tilespmem:v3+s7+$0x0] =	vst.idx.msk $0xffff, v2  }
0x1ec: {  	v1 =	vld [tilespmem:s20+$0x18600];
	_ =	sdelay $0x1  }
0x1ed: {  	v2 =	vld [tilespmem:s20+$0x18680];
	_ =	sdelay $0x1  }
0x1ee: {  	v3 =	vld [tilespmem:s20+$0x18700]  }
0x1ef: {  	v1 =	vadd.f32 $0.0e+00, v1  }
0x1f0: {  	v4 =	vld [tilespmem:s20+$0x18780]  }
0x1f1: {  	v1 =	vadd.f32 v2, v1  }
0x1f2: {  	v2 =	vld [tilespmem:s20+$0x18800]  }
0x1f3: {  	v1 =	vadd.f32 v3, v1  }
0x1f4: {  	v3 =	vld [tilespmem:s20+$0x18880]  }
0x1f5: {  	v1 =	vadd.f32 v4, v1  }
0x1f6: {  	v4 =	vld [tilespmem:s20+$0x18900]  }
0x1f7: {  	v1 =	vadd.f32 v2, v1  }
0x1f8: {  	s19 =	simm.s32 $0x10;
	v2 =	vld [tilespmem:s20+$0x18980]  }
0x1f9: {  	v5 =	vld [tilespmem:s19+$0x18600];
	v1 =	vadd.f32 v3, v1  }
0x1fa: {  	v3 =	vld [tilespmem:s20+$0x18A00]  }
0x1fb: {  	v6 =	vld [tilespmem:s19+$0x18680];
	v1 =	vadd.f32 v4, v1  }
0x1fc: {  	v4 =	vld [tilespmem:s20+$0x18A80]  }
0x1fd: {  	v7 =	vld [tilespmem:s19+$0x18700];
	v1 =	vadd.f32 v2, v1  }
0x1fe: {  	v2 =	vld [tilespmem:s20+$0x18B00]  }
0x1ff: {  	v8 =	vld [tilespmem:s19+$0x18780];
	v5 =	vadd.f32 $0.0e+00, v5;
	v1 =	vadd.f32 v3, v1  }
0x200: {  	v3 =	vld [tilespmem:s20+$0x18B80]  }
0x201: {  	v61 =	vld [tilespmem:s19+$0x18800];
	v5 =	vadd.f32 v6, v5;
	v1 =	vadd.f32 v4, v1  }
0x202: {  	v6 =	vld [tilespmem:s20+$0x18C00]  }
0x203: {  	v62 =	vld [tilespmem:s19+$0x18880];
	v4 =	vadd.f32 v7, v5;
	v1 =	vadd.f32 v2, v1  }
0x204: {  	v7 =	vld [tilespmem:s20+$0x18C80]  }
0x205: {  	v2 =	vadd.f32 v8, v4;
	v4 =	vld [tilespmem:s19+$0x18900];
	v3 =	vadd.f32 v3, v1  }
0x206: {  	v1 =	vld [tilespmem:s20+$0x18D00]  }
0x207: {  	v5 =	vld [tilespmem:s19+$0x18980];
	v8 =	vadd.f32 v61, v2;
	v63 =	vadd.f32 v6, v3  }
0x208: {  	v2 =	vld [tilespmem:s20+$0x18D80]  }
0x209: {  	s21 =	simm.s32 $0x20;
	s24 =	simm.s32 $0xC0;
	v6 =	vadd.f32 v62, v8;
	v3 =	vld [tilespmem:s19+$0x18A00];
	v7 =	vadd.f32 v7, v63  }
.LBB2_12:
0x20a: {  	p0 =	sne.s32 s24, $0x1C0;
	v8 =	vld [tilespmem:s21+$0x18600]  }
0x20b: {  	v4 =	vadd.f32 v4, v6;
	v6 =	vld [tilespmem:s19+$0x18A80];
	v1 =	vadd.f32 v1, v7  }
0x20c: {  	v7 =	vld [tilespmem:s21+$0x18680]  }
0x20d: {  	v4 =	vadd.f32 v5, v4;
	v5 =	vld [tilespmem:s19+$0x18B00];
	v1 =	vadd.f32 v2, v1  }
0x20e: {  	v2 =	vld [tilespmem:s21+$0x18700]  }
0x20f: {  	v8 =	vadd.f32 $0.0e+00, v8;
	v3 =	vadd.f32 v3, v4;
	v4 =	vld [tilespmem:s19+$0x18B80];
	[tilespmem:s20+$0x18E80] =	vst v1;
	s20 =	smov.u32 s19;
	s19 =	smov.u32 s21  }
0x210: {  	v1 =	vld [tilespmem:s19+$0x18780]  }
0x211: {  	v7 =	vadd.f32 v7, v8;
	v3 =	vadd.f32 v6, v3;
	v6 =	vld [tilespmem:s20+$0x18C00]  }
0x212: {  	v8 =	vld [tilespmem:s19+$0x18800]  }
0x213: {  	v2 =	vadd.f32 v2, v7;
	v3 =	vadd.f32 v5, v3;
	v7 =	vld [tilespmem:s20+$0x18C80]  }
0x214: {  	v9 =	vld [tilespmem:s19+$0x18880]  }
.Ltmp6:
0x215: {  	v2 =	vadd.f32 v1, v2;
	v3 =	vadd.f32 v4, v3;
	v1 =	vld [tilespmem:s20+$0x18D00];
	(pc) =	sbr.rel @p0 .LBB2_12-.Ltmp6, $4  }
0x216: {  	v4 =	vld [tilespmem:s19+$0x18900]  }
0x217: {  	v8 =	vadd.f32 v8, v2;
	v10 =	vadd.f32 v6, v3;
	v2 =	vld [tilespmem:s20+$0x18D80]  }
0x218: {  	v5 =	vld [tilespmem:s19+$0x18980]  }
0x219: {  	s21 =	sshra.s32 s24, $0x2;
	s24 =	sadd.s32 $0x40, s24;
	v6 =	vadd.f32 v9, v8;
	v3 =	vld [tilespmem:s19+$0x18A00];
	v7 =	vadd.f32 v7, v10  }
0x21a: {  	v8 =	vld [tilespmem:s21+$0x18600]  }
0x21b: {  	v9 =	vld [tilespmem:s19+$0x18A80];
	v1 =	vadd.f32 v1, v7  }
0x21c: {  	v7 =	vld [tilespmem:s21+$0x18680]  }
0x21d: {  	v10 =	vld [tilespmem:s19+$0x18B00];
	v4 =	vadd.f32 v4, v6;
	v1 =	vadd.f32 v2, v1  }
0x21e: {  	v2 =	vld [tilespmem:s21+$0x18700]  }
0x21f: {  	v6 =	vld [tilespmem:s19+$0x18B80];
	v4 =	vadd.f32 v5, v4;
	v5 =	vadd.f32 $0.0e+00, v8;
	[tilespmem:s20+$0x18E80] =	vst v1  }
0x220: {  	v1 =	vld [tilespmem:s21+$0x18780]  }
0x221: {  	v3 =	vadd.f32 v3, v4;
	v4 =	vadd.f32 v7, v5  }
0x222: {  	v5 =	vld [tilespmem:s21+$0x18800]  }
0x223: {  	v3 =	vadd.f32 v9, v3;
	v7 =	vld [tilespmem:s19+$0x18C00];
	v2 =	vadd.f32 v2, v4  }
0x224: {  	v4 =	vld [tilespmem:s21+$0x18880]  }
0x225: {  	v8 =	vld [tilespmem:s19+$0x18C80];
	v3 =	vadd.f32 v10, v3;
	v1 =	vadd.f32 v1, v2  }
0x226: {  	v2 =	vld [tilespmem:s21+$0x18900]  }
0x227: {  	v3 =	vadd.f32 v6, v3;
	v6 =	vld [tilespmem:s19+$0x18D00];
	v1 =	vadd.f32 v5, v1  }
0x228: {  	v5 =	vld [tilespmem:s21+$0x18980]  }
0x229: {  	v3 =	vadd.f32 v7, v3;
	v7 =	vld [tilespmem:s19+$0x18D80];
	v1 =	vadd.f32 v4, v1  }
0x22a: {  	v4 =	vld [tilespmem:s21+$0x18A00]  }
0x22b: {  	v3 =	vadd.f32 v8, v3;
	v1 =	vadd.f32 v2, v1  }
0x22c: {  	v2 =	vld [tilespmem:s21+$0x18A80]  }
0x22d: {  	v3 =	vadd.f32 v6, v3;
	v1 =	vadd.f32 v5, v1  }
0x22e: {  	v5 =	vld [tilespmem:s21+$0x18B00]  }
0x22f: {  	v3 =	vadd.f32 v7, v3;
	v1 =	vadd.f32 v4, v1  }
0x230: {  	v4 =	vld [tilespmem:s21+$0x18B80]  }
0x231: {  	[tilespmem:s19+$0x18E80] =	vst v3;
	v1 =	vadd.f32 v2, v1  }
0x232: {  	v2 =	vld [tilespmem:s21+$0x18C00]  }
0x233: {  	v1 =	vadd.f32 v5, v1  }
0x234: {  	v3 =	vld [tilespmem:s21+$0x18C80]  }
0x235: {  	v1 =	vadd.f32 v4, v1  }
0x236: {  	v4 =	vld [tilespmem:s21+$0x18D00]  }
0x237: {  	v1 =	vadd.f32 v2, v1  }
0x238: {  	v2 =	vld [tilespmem:s21+$0x18D80]  }
0x239: {  	v1 =	vadd.f32 v3, v1;
	_ =	sdelay $0x1  }
0x23a: {  	v1 =	vadd.f32 v4, v1;
	_ =	sdelay $0x1  }
0x23b: {  	v1 =	vadd.f32 v2, v1;
	_ =	sdelay $0x1  }
0x23c: {  	[tilespmem:s21+$0x18E80] =	vst v1  }
0x23d: {  	_ =	swait.ge [sflag:s14], $0x4000  }
0x23e: {  	[sflag:s14] =	ssyncset.done $0x0  }
0x23f: {  	[sflag:s14] =	ssyncadd.s32 $0xFFFFC000  }
0x240: {  	_ =	swait.ge [sflag:s15], $0x4000  }
0x241: {  	[sflag:s15] =	ssyncset.done $0x0  }
0x242: {  	[sflag:s15] =	ssyncadd.s32 $0xFFFFC000  }
0x243: {  	_ =	swait.ge [sflag:s16], $0x4000  }
0x244: {  	[sflag:s16] =	ssyncset.done $0x0  }
0x245: {  	s21 =	simm.s32 $0x180;
	[sflag:s16] =	ssyncadd.s32 $0xFFFFC000  }
0x246: {  	[tilespmem:s0], [sflag:$0x7] =	stream.indirect.gather [hbm4b:s1+s28], $0x80, s21, s28, $0xb8;
	[tilespmem:$0x19000] =	vst v63  }
0x247: {  	s24 =	simm.s32 $0x380  }
0x248: {  	[tilespmem:s3], [sflag:$0x8] =	stream.indirect.gather [hbm4b:s2+s28], $0x80, s24, s28, $0xb8;
	[tilespmem:$0x19000] =	vst v63  }
0x249: {  	s25 =	simm.s32 $0x580  }
0x24a: {  	[tilespmem:s22], [sflag:$0x9] =	stream.indirect.gather [hbm4b:s2+s28], $0x80, s25, s28, $0xb8;
	[tilespmem:$0x19000] =	vst v63  }
0x24b: {  	_ =	swait.ge [sflag:s23], $0x4000  }
0x24c: {  	[sflag:s23] =	ssyncset.done $0x0  }
0x24d: {  	[sflag:s23] =	ssyncadd.s32 $0xFFFFC000  }
0x24e: {  	_ =	swait.ge [sflag:s5], $0x4000  }
0x24f: {  	[sflag:s5] =	ssyncset.done $0x0  }
0x250: {  	[sflag:s5] =	ssyncadd.s32 $0xFFFFC000  }
0x251: {  	_ =	swait.ge [sflag:s6], $0x4000  }
0x252: {  	[sflag:s6] =	ssyncset.done $0x0  }
0x253: {  	s20 =	simm.s32 $0x0;
	s26 =	rddreg [dreg:$0x13];
	[sflag:s6] =	ssyncadd.s32 $0xFFFFC000  }
0x254: {  	[hbm4b:s26+s20] =	stream.linear.scatter [tilespmem:s29], [sflag:$0xA], $0x4000, $0x38;
	[tilespmem:$0x19000] =	vst v63  }
0x255: {  	s21 =	rddreg [dreg:$0x14]  }
0x256: {  	[hbm4b:s21+s20] =	stream.linear.scatter [tilespmem:s30], [sflag:$0xB], $0x4000, $0x38;
	[tilespmem:$0x19000] =	vst v63  }
0x257: {  	s19 =	simm.s32 $0x680;
	s24 =	rddreg [dreg:$0x15]  }
0x258: {  	[hbm4b:s24+s20] =	stream.linear.scatter [tilespmem:s31], [sflag:$0xC], $0x4000, $0x38;
	[tilespmem:$0x19000] =	vst v63  }
0x259: {  	v1 =	vld [tilespmem:s19+$0x60]  }
0x25a: {  	v2 =	vld [tilespmem:s19+$0x50]  }
0x25b: {  	v3 =	vld [tilespmem:s19+$0x40]  }
0x25c: {  	v4 =	vld [tilespmem:s19+$0x30]  }
0x25d: {  	v5 =	vld [tilespmem:s19+$0x20]  }
0x25e: {  	v6 =	vld [tilespmem:s19+$0x10]  }
0x25f: {  	s24 =	simm.s32 $0x4680;
	v7 =	vld [tilespmem:s19+$0x0]  }
0x260: {  	s25 =	simm.s32 $0x8680;
	v8 =	vld [tilespmem:s24+$0x0]  }
0x261: {  	v9 =	vld [tilespmem:s25+$0x0]  }
0x262: {  	v10 =	vld [tilespmem:s24+$0x10]  }
0x263: {  	v11 =	vld [tilespmem:s25+$0x10]  }
0x264: {  	v12 =	vld [tilespmem:s24+$0x20]  }
0x265: {  	v13 =	vld [tilespmem:s25+$0x20]  }
0x266: {  	v14 =	vld [tilespmem:s24+$0x30]  }
0x267: {  	v15 =	vld [tilespmem:s25+$0x30]  }
0x268: {  	v16 =	vld [tilespmem:s24+$0x40]  }
0x269: {  	v17 =	vld [tilespmem:s25+$0x40]  }
0x26a: {  	v18 =	vld [tilespmem:s24+$0x50]  }
0x26b: {  	v19 =	vld [tilespmem:s25+$0x50]  }
0x26c: {  	v20 =	vld [tilespmem:s24+$0x60]  }
0x26d: {  	v21 =	vld [tilespmem:s25+$0x60]  }
0x26e: {  	v22 =	vld [tilespmem:s24+$0x70]  }
0x26f: {  	v23 =	vld [tilespmem:s25+$0x70]  }
0x270: {  	v24 =	vld [tilespmem:s24+$0xFFFFFF80]  }
0x271: {  	v25 =	vld [tilespmem:s19+$0x70]  }
0x272: {  	v26 =	vld [tilespmem:s25+$0xFFFFFF80]  }
0x273: {  	v27 =	vld [tilespmem:s24+$0xFFFFFF90]  }
0x274: {  	v28 =	vld [tilespmem:s25+$0xFFFFFF90]  }
0x275: {  	v29 =	vld [tilespmem:s19+$0xFFFFFF80]  }
0x276: {  	v30 =	vld [tilespmem:s19+$0xFFFFFF90];
	v8 =	vsub.f32 v8, v9  }
0x277: {  	v31 =	vld [tilespmem:s24+$0xFFFFFFA0]  }
0x278: {  	v32 =	vld [tilespmem:s19+$0xFFFFFFA0];
	v7 =	vmul.f32 v8, v7;
	v8 =	vsub.f32 v10, v11  }
0x279: {  	v9 =	vld [tilespmem:s25+$0xFFFFFFA0]  }
0x27a: {  	v10 =	vld [tilespmem:s24+$0xFFFFFFB0];
	v6 =	vmul.f32 v8, v6;
	v7 =	vadd.f32 $0.0e+00, v7;
	v8 =	vsub.f32 v12, v13  }
0x27b: {  	v54 =	vsub.f32 v24, v26;
	v11 =	vld [tilespmem:s25+$0xFFFFFFB0]  }
0x27c: {  	v53 =	vld [tilespmem:s19+$0xFFFFFFB0];
	v6 =	vadd.f32 v6, v7;
	v5 =	vmul.f32 v8, v5;
	v7 =	vsub.f32 v14, v15  }
0x27d: {  	v55 =	vld [tilespmem:s24+$0xFFFFFFC0];
	v56 =	vsub.f32 v27, v28;
	v13 =	vmul.f32 v54, v29  }
0x27e: {  	v57 =	vld [tilespmem:s19+$0xFFFFFFC0];
	v5 =	vadd.f32 v5, v6;
	v4 =	vmul.f32 v7, v4;
	v6 =	vsub.f32 v16, v17  }
0x27f: {  	v9 =	vsub.f32 v31, v9;
	v8 =	vld [tilespmem:s25+$0xFFFFFFC0];
	v14 =	vmul.f32 v56, v30;
	v13 =	vadd.f32 $0.0e+00, v13  }
0x280: {  	v58 =	vld [tilespmem:s25+$0xFFFFFFD0];
	v10 =	vsub.f32 v10, v11;
	v4 =	vadd.f32 v4, v5;
	v3 =	vmul.f32 v6, v3  }
0x281: {  	v9 =	vmul.f32 v9, v32;
	v7 =	vld [tilespmem:s24+$0xFFFFFFD0];
	v13 =	vadd.f32 v14, v13;
	v5 =	vsub.f32 v18, v19  }
0x282: {  	v59 =	vsub.f32 v20, v21;
	v11 =	vld [tilespmem:s24+$0xFFFFFFE0];
	v3 =	vadd.f32 v3, v4  }
0x283: {  	v6 =	vld [tilespmem:s19+$0xFFFFFFD0];
	v2 =	vmul.f32 v5, v2;
	v5 =	vadd.f32 v9, v13;
	v9 =	vmul.f32 v10, v53  }
0x284: {  	s26 =	simm.s32 $0x1;
	v12 =	vmul.f32 v59, v1;
	v8 =	vsub.f32 v55, v8;
	v4 =	vld [tilespmem:s25+$0xFFFFFFE0]  }
0x285: {  	v3 =	vadd.f32 v2, v3;
	v2 =	vadd.f32 v9, v5;
	v9 =	vmov s26  }
0x286: {  	v60 =	vld [tilespmem:s24+$0xFFFFFFF0];
	v8 =	vmul.f32 v8, v57;
	v7 =	vsub.f32 v7, v58;
	v9 =	vand.u32 $0x7F, v9  }
0x287: {  	v62 =	vsub.f32 v22, v23;
	v5 =	vld [tilespmem:s25+$0xFFFFFFF0];
	v9 =	vbroadcast v9, $0x0  }
0x288: {  	v10 =	vld [tilespmem:s19+$0xFFFFFFE0];
	v6 =	vmul.f32 v7, v6;
	v8 =	vadd.f32 v8, v2;
	v12 =	vadd.f32 v12, v3  }
0x289: {  	v61 =	vld [tilespmem:s19+$0xFFFFFFF0];
	s19 =	simm.s32 $0x780;
	v7 =	vsub.f32 v11, v4;
	v11 =	vor.u32 v0, v9;
	v9 =	vmul.f32 v62, v25  }
0x28a: {  	v1 =	vld [tilespmem:s19+$0x60];
	v6 =	vadd.f32 v6, v8;
	v8 =	vmov s20  }
0x28b: {  	v2 =	vld [tilespmem:s19+$0x50];
	v12 =	vadd.f32 v9, v12;
	v9 =	vand.u32 $0x7E, v8  }
0x28c: {  	v3 =	vld [tilespmem:s19+$0x40];
	v5 =	vsub.f32 v60, v5;
	v63 =	vbroadcast v9, $0x0  }
0x28d: {  	v4 =	vld [tilespmem:s19+$0x30];
	v10 =	vmul.f32 v7, v10  }
0x28e: {  	v7 =	vld [tilespmem:s19+$0x20];
	v14 =	vmul.f32 v5, v61;
	v5 =	vor.u32 v0, v63  }
0x28f: {  	v8 =	vld [tilespmem:s19+$0x10];
	v6 =	vadd.f32 v10, v6  }
0x290: {  	s24 =	simm.s32 $0x4780;
	v9 =	vld [tilespmem:s19+$0x0]  }
0x291: {  	s21 =	simm.s32 $0x8780;
	v10 =	vld [tilespmem:s24+$0x0];
	v6 =	vadd.f32 v14, v6  }
0x292: {  	s25 =	simm.s32 $0x4;
	s20 =	simm.s32 $0x2;
	[tilespmem:v11+s7+$0x0] =	vst.idx.msk $0xffff, v12;
	v11 =	vld [tilespmem:s21+$0x0]  }
.LBB2_14:
0x293: {  	p0 =	slt.u32 s25, $0x7E;
	v12 =	vld [tilespmem:s24+$0x10];
	[tilespmem:v5+s7+$0x0] =	vst.idx.msk $0xffff, v6  }
0x294: {  	v5 =	vld [tilespmem:s21+$0x10]  }
0x295: {  	v6 =	vld [tilespmem:s24+$0x20]  }
0x296: {  	v13 =	vld [tilespmem:s21+$0x20]  }
0x297: {  	v10 =	vsub.f32 v10, v11;
	v11 =	vld [tilespmem:s24+$0x30]  }
0x298: {  	v14 =	vld [tilespmem:s21+$0x30]  }
0x299: {  	v9 =	vmul.f32 v10, v9;
	v5 =	vsub.f32 v12, v5;
	v10 =	vld [tilespmem:s24+$0x40]  }
0x29a: {  	v12 =	vld [tilespmem:s21+$0x40]  }
0x29b: {  	v9 =	vadd.f32 $0.0e+00, v9;
	v5 =	vmul.f32 v5, v8;
	v6 =	vsub.f32 v6, v13;
	v8 =	vld [tilespmem:s24+$0x50]  }
0x29c: {  	v13 =	vld [tilespmem:s21+$0x50]  }
0x29d: {  	v5 =	vadd.f32 v5, v9;
	v6 =	vmul.f32 v6, v7;
	v7 =	vsub.f32 v11, v14;
	v9 =	vld [tilespmem:s24+$0x60]  }
0x29e: {  	v11 =	vld [tilespmem:s21+$0x60]  }
0x29f: {  	s26 =	sadd.s32 $0x1, s20;
	v5 =	vadd.f32 v6, v5;
	v4 =	vmul.f32 v7, v4;
	v6 =	vsub.f32 v10, v12;
	v7 =	vld [tilespmem:s24+$0x70]  }
0x2a0: {  	v12 =	vmov s26;
	v10 =	vld [tilespmem:s21+$0x70]  }
0x2a1: {  	v14 =	vld [tilespmem:s24+$0xFFFFFF80];
	v4 =	vadd.f32 v4, v5;
	v3 =	vmul.f32 v6, v3;
	v5 =	vsub.f32 v8, v13  }
0x2a2: {  	v8 =	vand.u32 $0x7F, v12;
	v6 =	vld [tilespmem:s19+$0x70]  }
0x2a3: {  	v12 =	vld [tilespmem:s21+$0xFFFFFF80];
	v3 =	vadd.f32 v3, v4;
	v2 =	vmul.f32 v5, v2;
	v4 =	vsub.f32 v9, v11  }
0x2a4: {  	v8 =	vbroadcast v8, $0x0;
	v5 =	vld [tilespmem:s24+$0xFFFFFF90]  }
0x2a5: {  	v9 =	vld [tilespmem:s21+$0xFFFFFF90];
	v2 =	vadd.f32 v2, v3;
	v1 =	vmul.f32 v4, v1;
	v3 =	vsub.f32 v7, v10  }
0x2a6: {  	v7 =	vor.u32 v0, v8;
	v4 =	vld [tilespmem:s19+$0xFFFFFF80]  }
0x2a7: {  	v8 =	vld [tilespmem:s19+$0xFFFFFF90];
	v1 =	vadd.f32 v1, v2;
	v2 =	vmul.f32 v3, v6  }
0x2a8: {  	v3 =	vsub.f32 v14, v12;
	v6 =	vld [tilespmem:s24+$0xFFFFFFA0]  }
0x2a9: {  	v10 =	vld [tilespmem:s21+$0xFFFFFFA0];
	v1 =	vadd.f32 v2, v1  }
0x2aa: {  	v2 =	vsub.f32 v5, v9;
	v5 =	vld [tilespmem:s19+$0xFFFFFFA0]  }
0x2ab: {  	v3 =	vmul.f32 v3, v4;
	v4 =	vld [tilespmem:s24+$0xFFFFFFB0];
	[tilespmem:v7+s7+$0x0] =	vst.idx.msk $0xffff, v1  }
0x2ac: {  	v1 =	vmul.f32 v2, v8;
	v2 =	vld [tilespmem:s21+$0xFFFFFFB0]  }
0x2ad: {  	v3 =	vadd.f32 $0.0e+00, v3;
	v7 =	vld [tilespmem:s19+$0xFFFFFFB0]  }
0x2ae: {  	v6 =	vsub.f32 v6, v10;
	v8 =	vld [tilespmem:s24+$0xFFFFFFC0]  }
0x2af: {  	v1 =	vadd.f32 v1, v3;
	v3 =	vld [tilespmem:s21+$0xFFFFFFC0]  }
0x2b0: {  	v5 =	vmul.f32 v6, v5;
	v6 =	vld [tilespmem:s19+$0xFFFFFFC0]  }
0x2b1: {  	v2 =	vsub.f32 v4, v2;
	v4 =	vld [tilespmem:s24+$0xFFFFFFD0]  }
0x2b2: {  	v1 =	vadd.f32 v5, v1;
	v5 =	vld [tilespmem:s21+$0xFFFFFFD0]  }
0x2b3: {  	v2 =	vmul.f32 v2, v7;
	v7 =	vld [tilespmem:s19+$0xFFFFFFD0]  }
0x2b4: {  	v3 =	vsub.f32 v8, v3;
	v8 =	vld [tilespmem:s24+$0xFFFFFFE0]  }
0x2b5: {  	v1 =	vadd.f32 v2, v1;
	v2 =	vld [tilespmem:s21+$0xFFFFFFE0]  }
0x2b6: {  	v3 =	vmul.f32 v3, v6;
	v6 =	vld [tilespmem:s19+$0xFFFFFFE0]  }
0x2b7: {  	v4 =	vsub.f32 v4, v5;
	v5 =	vld [tilespmem:s24+$0xFFFFFFF0]  }
0x2b8: {  	v3 =	vadd.f32 v3, v1;
	v9 =	vld [tilespmem:s21+$0xFFFFFFF0]  }
0x2b9: {  	v4 =	vmul.f32 v4, v7;
	v10 =	vld [tilespmem:s19+$0xFFFFFFF0];
	s19 =	sadd.s32 $0x100, s19  }
0x2ba: {  	v1 =	vld [tilespmem:s19+$0x60];
	v7 =	vsub.f32 v8, v2;
	v8 =	vmov s20;
	s20 =	smov.u32 s25  }
0x2bb: {  	v2 =	vld [tilespmem:s19+$0x50];
	v11 =	vadd.f32 v4, v3;
	v4 =	vand.u32 $0x7E, v8  }
0x2bc: {  	v3 =	vld [tilespmem:s19+$0x40];
	v6 =	vmul.f32 v7, v6;
	v8 =	vbroadcast v4, $0x0  }
0x2bd: {  	v4 =	vld [tilespmem:s19+$0x30];
	v9 =	vsub.f32 v5, v9  }
.Ltmp7:
0x2be: {  	v7 =	vld [tilespmem:s19+$0x20];
	v6 =	vadd.f32 v6, v11;
	v5 =	vor.u32 v0, v8;
	(pc) =	sbr.rel @p0 .LBB2_14-.Ltmp7, $4  }
0x2bf: {  	v8 =	vld [tilespmem:s19+$0x10];
	v11 =	vmul.f32 v9, v10  }
0x2c0: {  	s24 =	sadd.s32 $0x100, s24;
	v9 =	vld [tilespmem:s19+$0x0]  }
0x2c1: {  	s21 =	sadd.s32 $0x100, s21;
	v10 =	vld [tilespmem:s24+$0x0];
	v6 =	vadd.f32 v11, v6  }
0x2c2: {  	s25 =	sadd.s32 $0x2, s25;
	v11 =	vld [tilespmem:s21+$0x0]  }
0x2c3: {  	v12 =	vld [tilespmem:s24+$0x10]  }
0x2c4: {  	v13 =	vld [tilespmem:s21+$0x10]  }
0x2c5: {  	v14 =	vld [tilespmem:s24+$0x20]  }
0x2c6: {  	v15 =	vld [tilespmem:s21+$0x20]  }
0x2c7: {  	v16 =	vld [tilespmem:s24+$0x30]  }
0x2c8: {  	v17 =	vld [tilespmem:s21+$0x30]  }
0x2c9: {  	v18 =	vld [tilespmem:s24+$0x40]  }
0x2ca: {  	v19 =	vld [tilespmem:s21+$0x40]  }
0x2cb: {  	v20 =	vld [tilespmem:s24+$0x50]  }
0x2cc: {  	v21 =	vld [tilespmem:s21+$0x50]  }
0x2cd: {  	v22 =	vld [tilespmem:s24+$0x60]  }
0x2ce: {  	v23 =	vld [tilespmem:s21+$0x60]  }
0x2cf: {  	v24 =	vld [tilespmem:s24+$0x70]  }
0x2d0: {  	v25 =	vld [tilespmem:s21+$0x70]  }
0x2d1: {  	v26 =	vld [tilespmem:s24+$0xFFFFFF80]  }
0x2d2: {  	v27 =	vld [tilespmem:s21+$0xFFFFFF80]  }
0x2d3: {  	v28 =	vld [tilespmem:s24+$0xFFFFFF90]  }
0x2d4: {  	v29 =	vld [tilespmem:s21+$0xFFFFFF90]  }
0x2d5: {  	v30 =	vld [tilespmem:s19+$0xFFFFFF80]  }
0x2d6: {  	v31 =	vld [tilespmem:s19+$0xFFFFFF90]  }
0x2d7: {  	v32 =	vld [tilespmem:s24+$0xFFFFFFA0]  }
0x2d8: {  	v33 =	vld [tilespmem:s21+$0xFFFFFFA0]  }
0x2d9: {  	v36 =	vld [tilespmem:s19+$0xFFFFFFA0]  }
0x2da: {  	v34 =	vld [tilespmem:s24+$0xFFFFFFB0];
	v10 =	vsub.f32 v10, v11  }
0x2db: {  	v38 =	vld [tilespmem:s21+$0xFFFFFFB0]  }
0x2dc: {  	v40 =	vld [tilespmem:s19+$0xFFFFFFB0];
	v37 =	vsub.f32 v12, v13;
	v9 =	vmul.f32 v10, v9  }
0x2dd: {  	v42 =	vld [tilespmem:s24+$0xFFFFFFC0];
	v39 =	vsub.f32 v26, v27  }
0x2de: {  	v44 =	vld [tilespmem:s21+$0xFFFFFFC0];
	v41 =	vsub.f32 v14, v15;
	v8 =	vmul.f32 v37, v8;
	v9 =	vadd.f32 $0.0e+00, v9  }
0x2df: {  	v48 =	vld [tilespmem:s24+$0xFFFFFFD0];
	v57 =	vmov s20;
	v43 =	vsub.f32 v28, v29;
	v13 =	vmul.f32 v39, v30  }
0x2e0: {  	v49 =	vld [tilespmem:s21+$0xFFFFFFD0];
	v45 =	vsub.f32 v16, v17;
	v7 =	vmul.f32 v41, v7;
	v8 =	vadd.f32 v8, v9  }
0x2e1: {  	v46 =	vld [tilespmem:s19+$0xFFFFFFC0];
	v47 =	vsub.f32 v32, v33;
	v15 =	vmul.f32 v43, v31;
	v13 =	vadd.f32 $0.0e+00, v13  }
0x2e2: {  	v50 =	vld [tilespmem:s19+$0xFFFFFFD0];
	v4 =	vmul.f32 v45, v4;
	v7 =	vadd.f32 v7, v8;
	v8 =	vsub.f32 v18, v19  }
0x2e3: {  	v51 =	vld [tilespmem:s21+$0xFFFFFFE0];
	v12 =	vsub.f32 v34, v38;
	v11 =	vmul.f32 v47, v36;
	v13 =	vadd.f32 v15, v13  }
0x2e4: {  	v4 =	vadd.f32 v4, v7;
	v3 =	vmul.f32 v8, v3;
	v7 =	vld [tilespmem:s24+$0xFFFFFFE0];
	v8 =	vsub.f32 v20, v21  }
0x2e5: {  	v53 =	vld [tilespmem:s24+$0xFFFFFFF0];
	v12 =	vmul.f32 v12, v40;
	v9 =	vsub.f32 v48, v49;
	v11 =	vadd.f32 v11, v13  }
0x2e6: {  	s25 =	sadd.s32 $0x1, s20;
	v55 =	vld [tilespmem:s21+$0xFFFFFFF0];
	v3 =	vadd.f32 v3, v4;
	v4 =	vsub.f32 v42, v44;
	v2 =	vmul.f32 v8, v2  }
0x2e7: {  	v52 =	vld [tilespmem:s19+$0xFFFFFFE0];
	v54 =	vmov s25;
	v9 =	vmul.f32 v9, v50;
	v8 =	vsub.f32 v22, v23  }
0x2e8: {  	v11 =	vadd.f32 v12, v11;
	v4 =	vmul.f32 v4, v46;
	v2 =	vadd.f32 v2, v3;
	v3 =	vld [tilespmem:s19+$0x70]  }
0x2e9: {  	v56 =	vld [tilespmem:s19+$0xFFFFFFF0];
	v1 =	vmul.f32 v8, v1;
	v8 =	vand.u32 $0x7F, v54;
	v7 =	vsub.f32 v7, v51  }
0x2ea: {  	v8 =	vbroadcast v8, $0x0;
	v4 =	vadd.f32 v4, v11;
	v11 =	vand.u32 $0x7E, v57  }
0x2eb: {  	v58 =	vsub.f32 v24, v25;
	v60 =	vsub.f32 v53, v55;
	v59 =	vbroadcast v11, $0x0  }
0x2ec: {  	v8 =	vor.u32 v0, v8;
	v7 =	vmul.f32 v7, v52;
	v4 =	vadd.f32 v9, v4  }
0x2ed: {  	v1 =	vadd.f32 v1, v2;
	v2 =	vmul.f32 v58, v3;
	v3 =	vor.u32 v0, v59  }
0x2ee: {  	v4 =	vadd.f32 v7, v4;
	v7 =	vmul.f32 v60, v56  }
0x2ef: {  	v1 =	vadd.f32 v2, v1  }
0x2f0: {  	[tilespmem:v5+s7+$0x0] =	vst.idx.msk $0xffff, v6;
	v2 =	vadd.f32 v7, v4  }
0x2f1: {  	[tilespmem:v8+s7+$0x0] =	vst.idx.msk $0xffff, v1  }
0x2f2: {  	s20 =	simm.s32 $0x0;
	[tilespmem:v3+s7+$0x0] =	vst.idx.msk $0xffff, v2  }
0x2f3: {  	v1 =	vld [tilespmem:s20+$0x18600];
	_ =	sdelay $0x1  }
0x2f4: {  	v2 =	vld [tilespmem:s20+$0x18680];
	_ =	sdelay $0x1  }
0x2f5: {  	v3 =	vld [tilespmem:s20+$0x18700]  }
0x2f6: {  	v1 =	vadd.f32 $0.0e+00, v1  }
0x2f7: {  	v4 =	vld [tilespmem:s20+$0x18780]  }
0x2f8: {  	v1 =	vadd.f32 v2, v1  }
0x2f9: {  	v2 =	vld [tilespmem:s20+$0x18800]  }
0x2fa: {  	v1 =	vadd.f32 v3, v1  }
0x2fb: {  	v3 =	vld [tilespmem:s20+$0x18880]  }
0x2fc: {  	v1 =	vadd.f32 v4, v1  }
0x2fd: {  	v4 =	vld [tilespmem:s20+$0x18900]  }
0x2fe: {  	v1 =	vadd.f32 v2, v1  }
0x2ff: {  	s19 =	simm.s32 $0x10;
	v2 =	vld [tilespmem:s20+$0x18980]  }
0x300: {  	v5 =	vld [tilespmem:s19+$0x18600];
	v1 =	vadd.f32 v3, v1  }
0x301: {  	v3 =	vld [tilespmem:s20+$0x18A00]  }
0x302: {  	v6 =	vld [tilespmem:s19+$0x18680];
	v1 =	vadd.f32 v4, v1  }
0x303: {  	v4 =	vld [tilespmem:s20+$0x18A80]  }
0x304: {  	v7 =	vld [tilespmem:s19+$0x18700];
	v1 =	vadd.f32 v2, v1  }
0x305: {  	v2 =	vld [tilespmem:s20+$0x18B00]  }
0x306: {  	v8 =	vld [tilespmem:s19+$0x18780];
	v5 =	vadd.f32 $0.0e+00, v5;
	v1 =	vadd.f32 v3, v1  }
0x307: {  	v3 =	vld [tilespmem:s20+$0x18B80]  }
0x308: {  	v61 =	vld [tilespmem:s19+$0x18800];
	v5 =	vadd.f32 v6, v5;
	v1 =	vadd.f32 v4, v1  }
0x309: {  	v6 =	vld [tilespmem:s20+$0x18C00]  }
0x30a: {  	v62 =	vld [tilespmem:s19+$0x18880];
	v4 =	vadd.f32 v7, v5;
	v1 =	vadd.f32 v2, v1  }
0x30b: {  	v7 =	vld [tilespmem:s20+$0x18C80]  }
0x30c: {  	v2 =	vadd.f32 v8, v4;
	v4 =	vld [tilespmem:s19+$0x18900];
	v3 =	vadd.f32 v3, v1  }
0x30d: {  	v1 =	vld [tilespmem:s20+$0x18D00]  }
0x30e: {  	v5 =	vld [tilespmem:s19+$0x18980];
	v8 =	vadd.f32 v61, v2;
	v63 =	vadd.f32 v6, v3  }
0x30f: {  	v2 =	vld [tilespmem:s20+$0x18D80]  }
0x310: {  	s21 =	simm.s32 $0x20;
	s24 =	simm.s32 $0xC0;
	v6 =	vadd.f32 v62, v8;
	v3 =	vld [tilespmem:s19+$0x18A00];
	v7 =	vadd.f32 v7, v63  }
.LBB2_16:
0x311: {  	p0 =	sne.s32 s24, $0x1C0;
	v8 =	vld [tilespmem:s21+$0x18600]  }
0x312: {  	v4 =	vadd.f32 v4, v6;
	v6 =	vld [tilespmem:s19+$0x18A80];
	v1 =	vadd.f32 v1, v7  }
0x313: {  	v7 =	vld [tilespmem:s21+$0x18680]  }
0x314: {  	v4 =	vadd.f32 v5, v4;
	v5 =	vld [tilespmem:s19+$0x18B00];
	v1 =	vadd.f32 v2, v1  }
0x315: {  	v2 =	vld [tilespmem:s21+$0x18700]  }
0x316: {  	v8 =	vadd.f32 $0.0e+00, v8;
	v3 =	vadd.f32 v3, v4;
	v4 =	vld [tilespmem:s19+$0x18B80];
	[tilespmem:s20+$0x18F00] =	vst v1;
	s20 =	smov.u32 s19;
	s19 =	smov.u32 s21  }
0x317: {  	v1 =	vld [tilespmem:s19+$0x18780]  }
0x318: {  	v7 =	vadd.f32 v7, v8;
	v3 =	vadd.f32 v6, v3;
	v6 =	vld [tilespmem:s20+$0x18C00]  }
0x319: {  	v8 =	vld [tilespmem:s19+$0x18800]  }
0x31a: {  	v2 =	vadd.f32 v2, v7;
	v3 =	vadd.f32 v5, v3;
	v7 =	vld [tilespmem:s20+$0x18C80]  }
0x31b: {  	v9 =	vld [tilespmem:s19+$0x18880]  }
.Ltmp8:
0x31c: {  	v2 =	vadd.f32 v1, v2;
	v3 =	vadd.f32 v4, v3;
	v1 =	vld [tilespmem:s20+$0x18D00];
	(pc) =	sbr.rel @p0 .LBB2_16-.Ltmp8, $4  }
0x31d: {  	v4 =	vld [tilespmem:s19+$0x18900]  }
0x31e: {  	v8 =	vadd.f32 v8, v2;
	v10 =	vadd.f32 v6, v3;
	v2 =	vld [tilespmem:s20+$0x18D80]  }
0x31f: {  	v5 =	vld [tilespmem:s19+$0x18980]  }
0x320: {  	s21 =	sshra.s32 s24, $0x2;
	s24 =	sadd.s32 $0x40, s24;
	v6 =	vadd.f32 v9, v8;
	v3 =	vld [tilespmem:s19+$0x18A00];
	v7 =	vadd.f32 v7, v10  }
0x321: {  	v8 =	vld [tilespmem:s21+$0x18600]  }
0x322: {  	v9 =	vld [tilespmem:s19+$0x18A80];
	v1 =	vadd.f32 v1, v7  }
0x323: {  	v7 =	vld [tilespmem:s21+$0x18680]  }
0x324: {  	v10 =	vld [tilespmem:s19+$0x18B00];
	v4 =	vadd.f32 v4, v6;
	v1 =	vadd.f32 v2, v1  }
0x325: {  	v2 =	vld [tilespmem:s21+$0x18700]  }
0x326: {  	v6 =	vld [tilespmem:s19+$0x18B80];
	v4 =	vadd.f32 v5, v4;
	v5 =	vadd.f32 $0.0e+00, v8;
	[tilespmem:s20+$0x18F00] =	vst v1  }
0x327: {  	v1 =	vld [tilespmem:s21+$0x18780]  }
0x328: {  	v3 =	vadd.f32 v3, v4;
	v4 =	vadd.f32 v7, v5  }
0x329: {  	v5 =	vld [tilespmem:s21+$0x18800]  }
0x32a: {  	v3 =	vadd.f32 v9, v3;
	v7 =	vld [tilespmem:s19+$0x18C00];
	v2 =	vadd.f32 v2, v4  }
0x32b: {  	v4 =	vld [tilespmem:s21+$0x18880]  }
0x32c: {  	v8 =	vld [tilespmem:s19+$0x18C80];
	v3 =	vadd.f32 v10, v3;
	v1 =	vadd.f32 v1, v2  }
0x32d: {  	v2 =	vld [tilespmem:s21+$0x18900]  }
0x32e: {  	v3 =	vadd.f32 v6, v3;
	v6 =	vld [tilespmem:s19+$0x18D00];
	v1 =	vadd.f32 v5, v1  }
0x32f: {  	v5 =	vld [tilespmem:s21+$0x18980]  }
0x330: {  	v3 =	vadd.f32 v7, v3;
	v7 =	vld [tilespmem:s19+$0x18D80];
	v1 =	vadd.f32 v4, v1  }
0x331: {  	v4 =	vld [tilespmem:s21+$0x18A00]  }
0x332: {  	v3 =	vadd.f32 v8, v3;
	v1 =	vadd.f32 v2, v1  }
0x333: {  	v2 =	vld [tilespmem:s21+$0x18A80]  }
0x334: {  	v3 =	vadd.f32 v6, v3;
	v1 =	vadd.f32 v5, v1  }
0x335: {  	v5 =	vld [tilespmem:s21+$0x18B00]  }
0x336: {  	v3 =	vadd.f32 v7, v3;
	v1 =	vadd.f32 v4, v1  }
0x337: {  	v4 =	vld [tilespmem:s21+$0x18B80]  }
0x338: {  	[tilespmem:s19+$0x18F00] =	vst v3;
	v1 =	vadd.f32 v2, v1  }
0x339: {  	v2 =	vld [tilespmem:s21+$0x18C00]  }
0x33a: {  	v1 =	vadd.f32 v5, v1  }
0x33b: {  	v3 =	vld [tilespmem:s21+$0x18C80]  }
0x33c: {  	v1 =	vadd.f32 v4, v1  }
0x33d: {  	v4 =	vld [tilespmem:s21+$0x18D00]  }
0x33e: {  	v1 =	vadd.f32 v2, v1  }
0x33f: {  	v2 =	vld [tilespmem:s21+$0x18D80]  }
0x340: {  	v1 =	vadd.f32 v3, v1;
	_ =	sdelay $0x1  }
0x341: {  	v1 =	vadd.f32 v4, v1;
	_ =	sdelay $0x1  }
0x342: {  	v1 =	vadd.f32 v2, v1;
	_ =	sdelay $0x1  }
0x343: {  	[tilespmem:s21+$0x18F00] =	vst v1  }
0x344: {  	_ =	swait.ge [sflag:s11], $0x4000  }
0x345: {  	[sflag:s11] =	ssyncset.done $0x0  }
0x346: {  	[sflag:s11] =	ssyncadd.s32 $0xFFFFC000  }
0x347: {  	_ =	swait.ge [sflag:s12], $0x4000  }
0x348: {  	[sflag:s12] =	ssyncset.done $0x0  }
0x349: {  	[sflag:s12] =	ssyncadd.s32 $0xFFFFC000  }
0x34a: {  	_ =	swait.ge [sflag:s13], $0x4000  }
0x34b: {  	[sflag:s13] =	ssyncset.done $0x0  }
0x34c: {  	s20 =	simm.s32 $0x0;
	s26 =	rddreg [dreg:$0x16];
	[sflag:s13] =	ssyncadd.s32 $0xFFFFC000  }
0x34d: {  	[hbm4b:s26+s20] =	stream.linear.scatter [tilespmem:s0], [sflag:$0xD], $0x4000, $0x38;
	[tilespmem:$0x19000] =	vst v63  }
0x34e: {  	s21 =	rddreg [dreg:$0x17]  }
0x34f: {  	[hbm4b:s21+s20] =	stream.linear.scatter [tilespmem:s3], [sflag:$0xE], $0x4000, $0x38;
	[tilespmem:$0x19000] =	vst v63  }
0x350: {  	s19 =	simm.s32 $0xC680;
	s24 =	rddreg [dreg:$0x18]  }
0x351: {  	[hbm4b:s24+s20] =	stream.linear.scatter [tilespmem:s22], [sflag:$0xF], $0x4000, $0x38;
	[tilespmem:$0x19000] =	vst v63  }
0x352: {  	v1 =	vld [tilespmem:s19+$0x60]  }
0x353: {  	v2 =	vld [tilespmem:s19+$0x50]  }
0x354: {  	v3 =	vld [tilespmem:s19+$0x40]  }
0x355: {  	v4 =	vld [tilespmem:s19+$0x30]  }
0x356: {  	v5 =	vld [tilespmem:s19+$0x20]  }
0x357: {  	v6 =	vld [tilespmem:s19+$0x10]  }
0x358: {  	s24 =	simm.s32 $0x10680;
	v7 =	vld [tilespmem:s19+$0x0]  }
0x359: {  	s25 =	simm.s32 $0x14680;
	v8 =	vld [tilespmem:s24+$0x0]  }
0x35a: {  	v9 =	vld [tilespmem:s25+$0x0]  }
0x35b: {  	v10 =	vld [tilespmem:s24+$0x10]  }
0x35c: {  	v11 =	vld [tilespmem:s25+$0x10]  }
0x35d: {  	v12 =	vld [tilespmem:s24+$0x20]  }
0x35e: {  	v13 =	vld [tilespmem:s25+$0x20]  }
0x35f: {  	v14 =	vld [tilespmem:s24+$0x30]  }
0x360: {  	v15 =	vld [tilespmem:s25+$0x30]  }
0x361: {  	v16 =	vld [tilespmem:s24+$0x40]  }
0x362: {  	v17 =	vld [tilespmem:s25+$0x40]  }
0x363: {  	v18 =	vld [tilespmem:s24+$0x50]  }
0x364: {  	v19 =	vld [tilespmem:s25+$0x50]  }
0x365: {  	v20 =	vld [tilespmem:s24+$0x60]  }
0x366: {  	v21 =	vld [tilespmem:s25+$0x60]  }
0x367: {  	v22 =	vld [tilespmem:s24+$0x70]  }
0x368: {  	v23 =	vld [tilespmem:s25+$0x70]  }
0x369: {  	v24 =	vld [tilespmem:s24+$0xFFFFFF80]  }
0x36a: {  	v25 =	vld [tilespmem:s19+$0x70]  }
0x36b: {  	v26 =	vld [tilespmem:s25+$0xFFFFFF80]  }
0x36c: {  	v27 =	vld [tilespmem:s24+$0xFFFFFF90]  }
0x36d: {  	v28 =	vld [tilespmem:s25+$0xFFFFFF90]  }
0x36e: {  	v29 =	vld [tilespmem:s19+$0xFFFFFF80]  }
0x36f: {  	v30 =	vld [tilespmem:s19+$0xFFFFFF90];
	v8 =	vsub.f32 v8, v9  }
0x370: {  	v31 =	vld [tilespmem:s24+$0xFFFFFFA0]  }
0x371: {  	v32 =	vld [tilespmem:s19+$0xFFFFFFA0];
	v7 =	vmul.f32 v8, v7;
	v8 =	vsub.f32 v10, v11  }
0x372: {  	v9 =	vld [tilespmem:s25+$0xFFFFFFA0]  }
0x373: {  	v10 =	vld [tilespmem:s24+$0xFFFFFFB0];
	v6 =	vmul.f32 v8, v6;
	v7 =	vadd.f32 $0.0e+00, v7;
	v8 =	vsub.f32 v12, v13  }
0x374: {  	v54 =	vsub.f32 v24, v26;
	v11 =	vld [tilespmem:s25+$0xFFFFFFB0]  }
0x375: {  	v53 =	vld [tilespmem:s19+$0xFFFFFFB0];
	v6 =	vadd.f32 v6, v7;
	v5 =	vmul.f32 v8, v5;
	v7 =	vsub.f32 v14, v15  }
0x376: {  	v55 =	vld [tilespmem:s24+$0xFFFFFFC0];
	v56 =	vsub.f32 v27, v28;
	v13 =	vmul.f32 v54, v29  }
0x377: {  	v57 =	vld [tilespmem:s19+$0xFFFFFFC0];
	v5 =	vadd.f32 v5, v6;
	v4 =	vmul.f32 v7, v4;
	v6 =	vsub.f32 v16, v17  }
0x378: {  	v9 =	vsub.f32 v31, v9;
	v8 =	vld [tilespmem:s25+$0xFFFFFFC0];
	v14 =	vmul.f32 v56, v30;
	v13 =	vadd.f32 $0.0e+00, v13  }
0x379: {  	v58 =	vld [tilespmem:s25+$0xFFFFFFD0];
	v10 =	vsub.f32 v10, v11;
	v4 =	vadd.f32 v4, v5;
	v3 =	vmul.f32 v6, v3  }
0x37a: {  	v9 =	vmul.f32 v9, v32;
	v7 =	vld [tilespmem:s24+$0xFFFFFFD0];
	v13 =	vadd.f32 v14, v13;
	v5 =	vsub.f32 v18, v19  }
0x37b: {  	v59 =	vsub.f32 v20, v21;
	v11 =	vld [tilespmem:s24+$0xFFFFFFE0];
	v3 =	vadd.f32 v3, v4  }
0x37c: {  	v6 =	vld [tilespmem:s19+$0xFFFFFFD0];
	v2 =	vmul.f32 v5, v2;
	v5 =	vadd.f32 v9, v13;
	v9 =	vmul.f32 v10, v53  }
0x37d: {  	s26 =	simm.s32 $0x1;
	v12 =	vmul.f32 v59, v1;
	v8 =	vsub.f32 v55, v8;
	v4 =	vld [tilespmem:s25+$0xFFFFFFE0]  }
0x37e: {  	v3 =	vadd.f32 v2, v3;
	v2 =	vadd.f32 v9, v5;
	v9 =	vmov s26  }
0x37f: {  	v60 =	vld [tilespmem:s24+$0xFFFFFFF0];
	v8 =	vmul.f32 v8, v57;
	v7 =	vsub.f32 v7, v58;
	v9 =	vand.u32 $0x7F, v9  }
0x380: {  	v62 =	vsub.f32 v22, v23;
	v5 =	vld [tilespmem:s25+$0xFFFFFFF0];
	v9 =	vbroadcast v9, $0x0  }
0x381: {  	v10 =	vld [tilespmem:s19+$0xFFFFFFE0];
	v6 =	vmul.f32 v7, v6;
	v8 =	vadd.f32 v8, v2;
	v12 =	vadd.f32 v12, v3  }
0x382: {  	v61 =	vld [tilespmem:s19+$0xFFFFFFF0];
	s19 =	simm.s32 $0xC780;
	v7 =	vsub.f32 v11, v4;
	v11 =	vor.u32 v0, v9;
	v9 =	vmul.f32 v62, v25  }
0x383: {  	v1 =	vld [tilespmem:s19+$0x60];
	v6 =	vadd.f32 v6, v8;
	v8 =	vmov s20  }
0x384: {  	v2 =	vld [tilespmem:s19+$0x50];
	v12 =	vadd.f32 v9, v12;
	v9 =	vand.u32 $0x7E, v8  }
0x385: {  	v3 =	vld [tilespmem:s19+$0x40];
	v5 =	vsub.f32 v60, v5;
	v63 =	vbroadcast v9, $0x0  }
0x386: {  	v4 =	vld [tilespmem:s19+$0x30];
	v10 =	vmul.f32 v7, v10  }
0x387: {  	v7 =	vld [tilespmem:s19+$0x20];
	v14 =	vmul.f32 v5, v61;
	v5 =	vor.u32 v0, v63  }
0x388: {  	v8 =	vld [tilespmem:s19+$0x10];
	v6 =	vadd.f32 v10, v6  }
0x389: {  	s24 =	simm.s32 $0x10780;
	v9 =	vld [tilespmem:s19+$0x0]  }
0x38a: {  	s21 =	simm.s32 $0x14780;
	v10 =	vld [tilespmem:s24+$0x0];
	v6 =	vadd.f32 v14, v6  }
0x38b: {  	s25 =	simm.s32 $0x4;
	s20 =	simm.s32 $0x2;
	[tilespmem:v11+s7+$0x0] =	vst.idx.msk $0xffff, v12;
	v11 =	vld [tilespmem:s21+$0x0]  }
.LBB2_18:
0x38c: {  	p0 =	slt.u32 s25, $0x7E;
	v12 =	vld [tilespmem:s24+$0x10];
	[tilespmem:v5+s7+$0x0] =	vst.idx.msk $0xffff, v6  }
0x38d: {  	v5 =	vld [tilespmem:s21+$0x10]  }
0x38e: {  	v6 =	vld [tilespmem:s24+$0x20]  }
0x38f: {  	v13 =	vld [tilespmem:s21+$0x20]  }
0x390: {  	v10 =	vsub.f32 v10, v11;
	v11 =	vld [tilespmem:s24+$0x30]  }
0x391: {  	v14 =	vld [tilespmem:s21+$0x30]  }
0x392: {  	v9 =	vmul.f32 v10, v9;
	v5 =	vsub.f32 v12, v5;
	v10 =	vld [tilespmem:s24+$0x40]  }
0x393: {  	v12 =	vld [tilespmem:s21+$0x40]  }
0x394: {  	v9 =	vadd.f32 $0.0e+00, v9;
	v5 =	vmul.f32 v5, v8;
	v6 =	vsub.f32 v6, v13;
	v8 =	vld [tilespmem:s24+$0x50]  }
0x395: {  	v13 =	vld [tilespmem:s21+$0x50]  }
0x396: {  	v5 =	vadd.f32 v5, v9;
	v6 =	vmul.f32 v6, v7;
	v7 =	vsub.f32 v11, v14;
	v9 =	vld [tilespmem:s24+$0x60]  }
0x397: {  	v11 =	vld [tilespmem:s21+$0x60]  }
0x398: {  	s26 =	sadd.s32 $0x1, s20;
	v5 =	vadd.f32 v6, v5;
	v4 =	vmul.f32 v7, v4;
	v6 =	vsub.f32 v10, v12;
	v7 =	vld [tilespmem:s24+$0x70]  }
0x399: {  	v12 =	vmov s26;
	v10 =	vld [tilespmem:s21+$0x70]  }
0x39a: {  	v14 =	vld [tilespmem:s24+$0xFFFFFF80];
	v4 =	vadd.f32 v4, v5;
	v3 =	vmul.f32 v6, v3;
	v5 =	vsub.f32 v8, v13  }
0x39b: {  	v8 =	vand.u32 $0x7F, v12;
	v6 =	vld [tilespmem:s19+$0x70]  }
0x39c: {  	v12 =	vld [tilespmem:s21+$0xFFFFFF80];
	v3 =	vadd.f32 v3, v4;
	v2 =	vmul.f32 v5, v2;
	v4 =	vsub.f32 v9, v11  }
0x39d: {  	v8 =	vbroadcast v8, $0x0;
	v5 =	vld [tilespmem:s24+$0xFFFFFF90]  }
0x39e: {  	v9 =	vld [tilespmem:s21+$0xFFFFFF90];
	v2 =	vadd.f32 v2, v3;
	v1 =	vmul.f32 v4, v1;
	v3 =	vsub.f32 v7, v10  }
0x39f: {  	v7 =	vor.u32 v0, v8;
	v4 =	vld [tilespmem:s19+$0xFFFFFF80]  }
0x3a0: {  	v8 =	vld [tilespmem:s19+$0xFFFFFF90];
	v1 =	vadd.f32 v1, v2;
	v2 =	vmul.f32 v3, v6  }
0x3a1: {  	v3 =	vsub.f32 v14, v12;
	v6 =	vld [tilespmem:s24+$0xFFFFFFA0]  }
0x3a2: {  	v10 =	vld [tilespmem:s21+$0xFFFFFFA0];
	v1 =	vadd.f32 v2, v1  }
0x3a3: {  	v2 =	vsub.f32 v5, v9;
	v5 =	vld [tilespmem:s19+$0xFFFFFFA0]  }
0x3a4: {  	v3 =	vmul.f32 v3, v4;
	v4 =	vld [tilespmem:s24+$0xFFFFFFB0];
	[tilespmem:v7+s7+$0x0] =	vst.idx.msk $0xffff, v1  }
0x3a5: {  	v1 =	vmul.f32 v2, v8;
	v2 =	vld [tilespmem:s21+$0xFFFFFFB0]  }
0x3a6: {  	v3 =	vadd.f32 $0.0e+00, v3;
	v7 =	vld [tilespmem:s19+$0xFFFFFFB0]  }
0x3a7: {  	v6 =	vsub.f32 v6, v10;
	v8 =	vld [tilespmem:s24+$0xFFFFFFC0]  }
0x3a8: {  	v1 =	vadd.f32 v1, v3;
	v3 =	vld [tilespmem:s21+$0xFFFFFFC0]  }
0x3a9: {  	v5 =	vmul.f32 v6, v5;
	v6 =	vld [tilespmem:s19+$0xFFFFFFC0]  }
0x3aa: {  	v2 =	vsub.f32 v4, v2;
	v4 =	vld [tilespmem:s24+$0xFFFFFFD0]  }
0x3ab: {  	v1 =	vadd.f32 v5, v1;
	v5 =	vld [tilespmem:s21+$0xFFFFFFD0]  }
0x3ac: {  	v2 =	vmul.f32 v2, v7;
	v7 =	vld [tilespmem:s19+$0xFFFFFFD0]  }
0x3ad: {  	v3 =	vsub.f32 v8, v3;
	v8 =	vld [tilespmem:s24+$0xFFFFFFE0]  }
0x3ae: {  	v1 =	vadd.f32 v2, v1;
	v2 =	vld [tilespmem:s21+$0xFFFFFFE0]  }
0x3af: {  	v3 =	vmul.f32 v3, v6;
	v6 =	vld [tilespmem:s19+$0xFFFFFFE0]  }
0x3b0: {  	v4 =	vsub.f32 v4, v5;
	v5 =	vld [tilespmem:s24+$0xFFFFFFF0]  }
0x3b1: {  	v3 =	vadd.f32 v3, v1;
	v9 =	vld [tilespmem:s21+$0xFFFFFFF0]  }
0x3b2: {  	v4 =	vmul.f32 v4, v7;
	v10 =	vld [tilespmem:s19+$0xFFFFFFF0];
	s19 =	sadd.s32 $0x100, s19  }
0x3b3: {  	v1 =	vld [tilespmem:s19+$0x60];
	v7 =	vsub.f32 v8, v2;
	v8 =	vmov s20;
	s20 =	smov.u32 s25  }
0x3b4: {  	v2 =	vld [tilespmem:s19+$0x50];
	v11 =	vadd.f32 v4, v3;
	v4 =	vand.u32 $0x7E, v8  }
0x3b5: {  	v3 =	vld [tilespmem:s19+$0x40];
	v6 =	vmul.f32 v7, v6;
	v8 =	vbroadcast v4, $0x0  }
0x3b6: {  	v4 =	vld [tilespmem:s19+$0x30];
	v9 =	vsub.f32 v5, v9  }
.Ltmp9:
0x3b7: {  	v7 =	vld [tilespmem:s19+$0x20];
	v6 =	vadd.f32 v6, v11;
	v5 =	vor.u32 v0, v8;
	(pc) =	sbr.rel @p0 .LBB2_18-.Ltmp9, $4  }
0x3b8: {  	v8 =	vld [tilespmem:s19+$0x10];
	v11 =	vmul.f32 v9, v10  }
0x3b9: {  	s24 =	sadd.s32 $0x100, s24;
	v9 =	vld [tilespmem:s19+$0x0]  }
0x3ba: {  	s21 =	sadd.s32 $0x100, s21;
	v10 =	vld [tilespmem:s24+$0x0];
	v6 =	vadd.f32 v11, v6  }
0x3bb: {  	s25 =	sadd.s32 $0x2, s25;
	v11 =	vld [tilespmem:s21+$0x0]  }
0x3bc: {  	v12 =	vld [tilespmem:s24+$0x10]  }
0x3bd: {  	v13 =	vld [tilespmem:s21+$0x10]  }
0x3be: {  	v14 =	vld [tilespmem:s24+$0x20]  }
0x3bf: {  	v15 =	vld [tilespmem:s21+$0x20]  }
0x3c0: {  	v16 =	vld [tilespmem:s24+$0x30]  }
0x3c1: {  	v17 =	vld [tilespmem:s21+$0x30]  }
0x3c2: {  	v18 =	vld [tilespmem:s24+$0x40]  }
0x3c3: {  	v19 =	vld [tilespmem:s21+$0x40]  }
0x3c4: {  	v20 =	vld [tilespmem:s24+$0x50]  }
0x3c5: {  	v21 =	vld [tilespmem:s21+$0x50]  }
0x3c6: {  	v22 =	vld [tilespmem:s24+$0x60]  }
0x3c7: {  	v23 =	vld [tilespmem:s21+$0x60]  }
0x3c8: {  	v24 =	vld [tilespmem:s24+$0x70]  }
0x3c9: {  	v25 =	vld [tilespmem:s21+$0x70]  }
0x3ca: {  	v26 =	vld [tilespmem:s24+$0xFFFFFF80]  }
0x3cb: {  	v27 =	vld [tilespmem:s21+$0xFFFFFF80]  }
0x3cc: {  	v28 =	vld [tilespmem:s24+$0xFFFFFF90]  }
0x3cd: {  	v29 =	vld [tilespmem:s21+$0xFFFFFF90]  }
0x3ce: {  	v30 =	vld [tilespmem:s19+$0xFFFFFF80]  }
0x3cf: {  	v31 =	vld [tilespmem:s19+$0xFFFFFF90]  }
0x3d0: {  	v32 =	vld [tilespmem:s24+$0xFFFFFFA0]  }
0x3d1: {  	v33 =	vld [tilespmem:s21+$0xFFFFFFA0]  }
0x3d2: {  	v36 =	vld [tilespmem:s19+$0xFFFFFFA0]  }
0x3d3: {  	v34 =	vld [tilespmem:s24+$0xFFFFFFB0];
	v10 =	vsub.f32 v10, v11  }
0x3d4: {  	v38 =	vld [tilespmem:s21+$0xFFFFFFB0]  }
0x3d5: {  	v40 =	vld [tilespmem:s19+$0xFFFFFFB0];
	v37 =	vsub.f32 v12, v13;
	v9 =	vmul.f32 v10, v9  }
0x3d6: {  	v42 =	vld [tilespmem:s24+$0xFFFFFFC0];
	v39 =	vsub.f32 v26, v27  }
0x3d7: {  	v44 =	vld [tilespmem:s21+$0xFFFFFFC0];
	v41 =	vsub.f32 v14, v15;
	v8 =	vmul.f32 v37, v8;
	v9 =	vadd.f32 $0.0e+00, v9  }
0x3d8: {  	v48 =	vld [tilespmem:s24+$0xFFFFFFD0];
	v57 =	vmov s20;
	v43 =	vsub.f32 v28, v29;
	v13 =	vmul.f32 v39, v30  }
0x3d9: {  	v49 =	vld [tilespmem:s21+$0xFFFFFFD0];
	v45 =	vsub.f32 v16, v17;
	v7 =	vmul.f32 v41, v7;
	v8 =	vadd.f32 v8, v9  }
0x3da: {  	v46 =	vld [tilespmem:s19+$0xFFFFFFC0];
	v47 =	vsub.f32 v32, v33;
	v15 =	vmul.f32 v43, v31;
	v13 =	vadd.f32 $0.0e+00, v13  }
0x3db: {  	v50 =	vld [tilespmem:s19+$0xFFFFFFD0];
	v4 =	vmul.f32 v45, v4;
	v7 =	vadd.f32 v7, v8;
	v8 =	vsub.f32 v18, v19  }
0x3dc: {  	v51 =	vld [tilespmem:s21+$0xFFFFFFE0];
	v12 =	vsub.f32 v34, v38;
	v11 =	vmul.f32 v47, v36;
	v13 =	vadd.f32 v15, v13  }
0x3dd: {  	v4 =	vadd.f32 v4, v7;
	v3 =	vmul.f32 v8, v3;
	v7 =	vld [tilespmem:s24+$0xFFFFFFE0];
	v8 =	vsub.f32 v20, v21  }
0x3de: {  	v53 =	vld [tilespmem:s24+$0xFFFFFFF0];
	v12 =	vmul.f32 v12, v40;
	v9 =	vsub.f32 v48, v49;
	v11 =	vadd.f32 v11, v13  }
0x3df: {  	s25 =	sadd.s32 $0x1, s20;
	v55 =	vld [tilespmem:s21+$0xFFFFFFF0];
	v3 =	vadd.f32 v3, v4;
	v4 =	vsub.f32 v42, v44;
	v2 =	vmul.f32 v8, v2  }
0x3e0: {  	v52 =	vld [tilespmem:s19+$0xFFFFFFE0];
	v54 =	vmov s25;
	v9 =	vmul.f32 v9, v50;
	v8 =	vsub.f32 v22, v23  }
0x3e1: {  	v11 =	vadd.f32 v12, v11;
	v4 =	vmul.f32 v4, v46;
	v2 =	vadd.f32 v2, v3;
	v3 =	vld [tilespmem:s19+$0x70]  }
0x3e2: {  	v56 =	vld [tilespmem:s19+$0xFFFFFFF0];
	v1 =	vmul.f32 v8, v1;
	v8 =	vand.u32 $0x7F, v54;
	v7 =	vsub.f32 v7, v51  }
0x3e3: {  	v8 =	vbroadcast v8, $0x0;
	v4 =	vadd.f32 v4, v11;
	v11 =	vand.u32 $0x7E, v57  }
0x3e4: {  	v58 =	vsub.f32 v24, v25;
	v60 =	vsub.f32 v53, v55;
	v59 =	vbroadcast v11, $0x0  }
0x3e5: {  	v8 =	vor.u32 v0, v8;
	v7 =	vmul.f32 v7, v52;
	v4 =	vadd.f32 v9, v4  }
0x3e6: {  	v1 =	vadd.f32 v1, v2;
	v2 =	vmul.f32 v58, v3;
	v3 =	vor.u32 v0, v59  }
0x3e7: {  	v4 =	vadd.f32 v7, v4;
	v7 =	vmul.f32 v60, v56  }
0x3e8: {  	v1 =	vadd.f32 v2, v1  }
0x3e9: {  	[tilespmem:v5+s7+$0x0] =	vst.idx.msk $0xffff, v6;
	v2 =	vadd.f32 v7, v4  }
0x3ea: {  	[tilespmem:v8+s7+$0x0] =	vst.idx.msk $0xffff, v1  }
0x3eb: {  	s20 =	simm.s32 $0x0;
	[tilespmem:v3+s7+$0x0] =	vst.idx.msk $0xffff, v2  }
0x3ec: {  	v1 =	vld [tilespmem:s20+$0x18600];
	_ =	sdelay $0x1  }
0x3ed: {  	v2 =	vld [tilespmem:s20+$0x18680];
	_ =	sdelay $0x1  }
0x3ee: {  	v3 =	vld [tilespmem:s20+$0x18700]  }
0x3ef: {  	v1 =	vadd.f32 $0.0e+00, v1  }
0x3f0: {  	v4 =	vld [tilespmem:s20+$0x18780]  }
0x3f1: {  	v1 =	vadd.f32 v2, v1  }
0x3f2: {  	v2 =	vld [tilespmem:s20+$0x18800]  }
0x3f3: {  	v1 =	vadd.f32 v3, v1  }
0x3f4: {  	v3 =	vld [tilespmem:s20+$0x18880]  }
0x3f5: {  	v1 =	vadd.f32 v4, v1  }
0x3f6: {  	v4 =	vld [tilespmem:s20+$0x18900]  }
0x3f7: {  	v1 =	vadd.f32 v2, v1  }
0x3f8: {  	s19 =	simm.s32 $0x10;
	v2 =	vld [tilespmem:s20+$0x18980]  }
0x3f9: {  	v5 =	vld [tilespmem:s19+$0x18600];
	v1 =	vadd.f32 v3, v1  }
0x3fa: {  	v3 =	vld [tilespmem:s20+$0x18A00]  }
0x3fb: {  	v6 =	vld [tilespmem:s19+$0x18680];
	v1 =	vadd.f32 v4, v1  }
0x3fc: {  	v4 =	vld [tilespmem:s20+$0x18A80]  }
0x3fd: {  	v7 =	vld [tilespmem:s19+$0x18700];
	v1 =	vadd.f32 v2, v1  }
0x3fe: {  	v2 =	vld [tilespmem:s20+$0x18B00]  }
0x3ff: {  	v8 =	vld [tilespmem:s19+$0x18780];
	v5 =	vadd.f32 $0.0e+00, v5;
	v1 =	vadd.f32 v3, v1  }
0x400: {  	v3 =	vld [tilespmem:s20+$0x18B80]  }
0x401: {  	v61 =	vld [tilespmem:s19+$0x18800];
	v5 =	vadd.f32 v6, v5;
	v1 =	vadd.f32 v4, v1  }
0x402: {  	v6 =	vld [tilespmem:s20+$0x18C00]  }
0x403: {  	v62 =	vld [tilespmem:s19+$0x18880];
	v4 =	vadd.f32 v7, v5;
	v1 =	vadd.f32 v2, v1  }
0x404: {  	v7 =	vld [tilespmem:s20+$0x18C80]  }
0x405: {  	v2 =	vadd.f32 v8, v4;
	v4 =	vld [tilespmem:s19+$0x18900];
	v3 =	vadd.f32 v3, v1  }
0x406: {  	v1 =	vld [tilespmem:s20+$0x18D00]  }
0x407: {  	v5 =	vld [tilespmem:s19+$0x18980];
	v8 =	vadd.f32 v61, v2;
	v63 =	vadd.f32 v6, v3  }
0x408: {  	v2 =	vld [tilespmem:s20+$0x18D80]  }
0x409: {  	s21 =	simm.s32 $0x20;
	s24 =	simm.s32 $0xC0;
	v6 =	vadd.f32 v62, v8;
	v3 =	vld [tilespmem:s19+$0x18A00];
	v7 =	vadd.f32 v7, v63  }
.LBB2_20:
0x40a: {  	p0 =	sne.s32 s24, $0x1C0;
	v8 =	vld [tilespmem:s21+$0x18600]  }
0x40b: {  	v4 =	vadd.f32 v4, v6;
	v6 =	vld [tilespmem:s19+$0x18A80];
	v1 =	vadd.f32 v1, v7  }
0x40c: {  	v7 =	vld [tilespmem:s21+$0x18680]  }
0x40d: {  	v4 =	vadd.f32 v5, v4;
	v5 =	vld [tilespmem:s19+$0x18B00];
	v1 =	vadd.f32 v2, v1  }
0x40e: {  	v2 =	vld [tilespmem:s21+$0x18700]  }
0x40f: {  	v8 =	vadd.f32 $0.0e+00, v8;
	v3 =	vadd.f32 v3, v4;
	v4 =	vld [tilespmem:s19+$0x18B80];
	[tilespmem:s20+$0x18F80] =	vst v1;
	s20 =	smov.u32 s19;
	s19 =	smov.u32 s21  }
0x410: {  	v1 =	vld [tilespmem:s19+$0x18780]  }
0x411: {  	v7 =	vadd.f32 v7, v8;
	v3 =	vadd.f32 v6, v3;
	v6 =	vld [tilespmem:s20+$0x18C00]  }
0x412: {  	v8 =	vld [tilespmem:s19+$0x18800]  }
0x413: {  	v2 =	vadd.f32 v2, v7;
	v3 =	vadd.f32 v5, v3;
	v7 =	vld [tilespmem:s20+$0x18C80]  }
0x414: {  	v9 =	vld [tilespmem:s19+$0x18880]  }
.Ltmp10:
0x415: {  	v2 =	vadd.f32 v1, v2;
	v3 =	vadd.f32 v4, v3;
	v1 =	vld [tilespmem:s20+$0x18D00];
	(pc) =	sbr.rel @p0 .LBB2_20-.Ltmp10, $4  }
0x416: {  	v4 =	vld [tilespmem:s19+$0x18900]  }
0x417: {  	v8 =	vadd.f32 v8, v2;
	v10 =	vadd.f32 v6, v3;
	v2 =	vld [tilespmem:s20+$0x18D80]  }
0x418: {  	v5 =	vld [tilespmem:s19+$0x18980]  }
0x419: {  	s21 =	sshra.s32 s24, $0x2;
	s24 =	sadd.s32 $0x40, s24;
	v6 =	vadd.f32 v9, v8;
	v3 =	vld [tilespmem:s19+$0x18A00];
	v7 =	vadd.f32 v7, v10  }
0x41a: {  	v8 =	vld [tilespmem:s21+$0x18600]  }
0x41b: {  	v9 =	vld [tilespmem:s19+$0x18A80];
	v1 =	vadd.f32 v1, v7  }
0x41c: {  	v49 =	vld [tilespmem:s21+$0x18680]  }
0x41d: {  	v10 =	vld [tilespmem:s19+$0x18B00];
	v4 =	vadd.f32 v4, v6;
	v1 =	vadd.f32 v2, v1  }
0x41e: {  	v2 =	vld [tilespmem:s21+$0x18700]  }
0x41f: {  	v50 =	vld [tilespmem:s19+$0x18B80];
	v4 =	vadd.f32 v5, v4;
	v51 =	vadd.f32 $0.0e+00, v8;
	[tilespmem:s20+$0x18F80] =	vst v1  }
0x420: {  	v1 =	vld [tilespmem:s21+$0x18780]  }
0x421: {  	v3 =	vadd.f32 v3, v4;
	v52 =	vadd.f32 v49, v51  }
0x422: {  	v53 =	vld [tilespmem:s21+$0x18800]  }
0x423: {  	v54 =	vld [tilespmem:s19+$0x18C00];
	v3 =	vadd.f32 v9, v3;
	v2 =	vadd.f32 v2, v52  }
0x424: {  	v55 =	vld [tilespmem:s21+$0x18880]  }
0x425: {  	v56 =	vld [tilespmem:s19+$0x18C80];
	v3 =	vadd.f32 v10, v3;
	v1 =	vadd.f32 v1, v2  }
0x426: {  	v2 =	vld [tilespmem:s21+$0x18900]  }
0x427: {  	v57 =	vld [tilespmem:s19+$0x18D00];
	v3 =	vadd.f32 v50, v3;
	v1 =	vadd.f32 v53, v1  }
0x428: {  	v58 =	vld [tilespmem:s21+$0x18980]  }
0x429: {  	v59 =	vld [tilespmem:s19+$0x18D80];
	v3 =	vadd.f32 v54, v3;
	v1 =	vadd.f32 v55, v1  }
0x42a: {  	v60 =	vld [tilespmem:s21+$0x18A00]  }
0x42b: {  	v3 =	vadd.f32 v56, v3;
	v1 =	vadd.f32 v2, v1  }
0x42c: {  	v2 =	vld [tilespmem:s21+$0x18A80]  }
0x42d: {  	v3 =	vadd.f32 v57, v3;
	v1 =	vadd.f32 v58, v1  }
0x42e: {  	v61 =	vld [tilespmem:s21+$0x18B00]  }
0x42f: {  	v3 =	vadd.f32 v59, v3;
	v1 =	vadd.f32 v60, v1  }
0x430: {  	v62 =	vld [tilespmem:s21+$0x18B80]  }
0x431: {  	[tilespmem:s19+$0x18F80] =	vst v3;
	v1 =	vadd.f32 v2, v1  }
0x432: {  	v2 =	vld [tilespmem:s21+$0x18C00]  }
0x433: {  	v1 =	vadd.f32 v61, v1  }
0x434: {  	v3 =	vld [tilespmem:s21+$0x18C80]  }
0x435: {  	v1 =	vadd.f32 v62, v1  }
0x436: {  	v63 =	vld [tilespmem:s21+$0x18D00]  }
0x437: {  	v1 =	vadd.f32 v2, v1  }
0x438: {  	v2 =	vld [tilespmem:s21+$0x18D80]  }
0x439: {  	v1 =	vadd.f32 v3, v1;
	_ =	sdelay $0x1  }
0x43a: {  	v1 =	vadd.f32 v63, v1;
	_ =	sdelay $0x1  }
0x43b: {  	v1 =	vadd.f32 v2, v1;
	_ =	sdelay $0x1  }
0x43c: {  	s24 =	rddreg [dreg:$0x19];
	s25 =	simm.s32 $0x18E00;
	[tilespmem:s21+$0x18F80] =	vst v1  }
0x43d: {  	[hbm4b:s24+s4] =	stream.linear.scatter [tilespmem:s25], [sflag:$0x10], $0x200, $0x38;
	[tilespmem:$0x19000] =	vst v63  }
0x43e: {  	_ =	swait.ge [sflag:s17], $0x200  }
0x43f: {  	[sflag:s17] =	ssyncset.done $0x0  }
0x440: {  	[sflag:s17] =	ssyncadd.s32 $0xFFFFFE00  }
0x441: {  	_ =	swait.ge [sflag:s8], $0x4000  }
0x442: {  	[sflag:s8] =	ssyncset.done $0x0  }
0x443: {  	[sflag:s8] =	ssyncadd.s32 $0xFFFFC000  }
0x444: {  	_ =	swait.ge [sflag:s9], $0x4000  }
0x445: {  	[sflag:s9] =	ssyncset.done $0x0  }
0x446: {  	[sflag:s9] =	ssyncadd.s32 $0xFFFFC000  }
0x447: {  	_ =	swait.ge [sflag:s10], $0x4000  }
0x448: {  	[sflag:s10] =	ssyncset.done $0x0  }
0x449: {  	[sflag:s10] =	ssyncadd.s32 $0xFFFFC000  }
0x44a: {  	_ =	swait.ge [sflag:s14], $0x4000  }
0x44b: {  	[sflag:s14] =	ssyncset.done $0x0  }
0x44c: {  	[sflag:s14] =	ssyncadd.s32 $0xFFFFC000  }
0x44d: {  	_ =	swait.ge [sflag:s15], $0x4000  }
0x44e: {  	[sflag:s15] =	ssyncset.done $0x0  }
0x44f: {  	[sflag:s15] =	ssyncadd.s32 $0xFFFFC000  }
0x450: {  	_ =	swait.ge [sflag:s16], $0x4000  }
0x451: {  	s18 =	sadd.s32 $0x1, s18;
	s26 =	rddreg [dreg:$0x1a]  }
0x452: {  	p0 =	sne.s32 s18, s26  }
.Ltmp11:
0x453: {  	_ = 	snop;
	(pc) =	sbr.rel @p0 .LBB2_1-.Ltmp11, $4  }
.Ltmp12:
0x454: {  	_ = 	snop;
	(pc) =	sbr.rel @!p0 .LBB2_22-.Ltmp12, $4  }
0x455: {  	_ = 	snop  }
0x456: {  	[sflag:s16] =	ssyncset.done $0x0  }
0x457: {  	[sflag:s16] =	ssyncadd.s32 $0xFFFFC000  }
0x458: {  	_ = 	snop  }
.LBB2_4:
.Ltmp13:
0x459: {  	(pc) =	sbr.rel .LBB2_9-.Ltmp13, $2  }
0x45a: {  	_ =	sdelay $0x2  }
0x45b: {  	s24 =	simm.s32 $0x0  }
.LBB2_6:
.Ltmp14:
0x45c: {  	(pc) =	sbr.rel .LBB2_9-.Ltmp14, $2  }
0x45d: {  	_ =	sdelay $0x2  }
0x45e: {  	s24 =	simm.s32 $0x10;
	s21 =	simm.s32 $0x0  }
.LBB2_22:
0x45f: {  	_ =	sfence.sel $0x180000  }
0x460: {  	[bflag:$0x0] =	sbarrier.arrive $0xFFFF  }
0x461: {  	_ =	strace $0x90000047  }
0x462: {  	s0 =	stileid.u32;
	[bflag:$0x2] =	sbarrier.arrive $0xFFFF  }
0x463: {  	p0 =	sne.s32 s0, $0x0;
	s0 =	rddreg [dreg:$0x9]  }
0x464: {  	s0 =	sadd.s32 @!p0 $0x100000, s0  }
0x465: {  	[sflag:s0] =	ssyncadd.tile.s32 @!p0 $0x1;
	_ =	shalt  }
.Lfunc_end2:
_tile_overlayer_lowered:
.L_overlay_start_2:
0x466: {  	(tag) =	ssettag $0x2  }
0x467: {  	s0 =	rddreg [dreg:$0x0];
	s2 =	stileid.u32  }
0x468: {  	s1 =	rddreg [dreg:$0x1];
	p0 =	sne.s32 s2, $0x0  }
0x469: {  	s3 =	rddreg [dreg:$0x2];
	[bflag:$0x3] =	sbarrier.arrive $0xFFFF;
	s2 =	simm.s32 @!p0 $0x1C10  }
0x46a: {  	[timem:s3], [sflag:s2] =	dma.local @!p0 [hbm:s0], s1  }
0x46b: {  	s0 =	simm.s32 @!p0 $0x10  }
0x46c: {  	_ =	swait.ge @!p0 [sflag:s0], s1  }
0x46d: {  	s1 =	ssub.s32 @!p0 $0x0, s1;
	[sflag:s0] =	ssyncset.done @!p0 $0x0  }
0x46e: {  	[sflag:s0] =	ssyncadd.s32 @!p0 s1  }
0x46f: {  	[bflag:$0x3] =	sbarrier.arrive $0xFFFF  }
0x470: {  	_ =	shalt  }

</sc_bundles>
